<compile_context>
chip_gen: v7x
topology: tpu7x:2x2x1
jax: 0.10.2.dev20260603
libtpu: 0.0.44.dev20260713+nightly
codegen_flags: <defaults>
</compile_context>

<pallas_src>
import functools

import jax
import jax.numpy as jnp
from jax import lax
from jax.experimental import pallas as pl
from jax.experimental.pallas import tpu as pltpu
from jax.experimental.pallas import tpu_sc as plsc

N_CT = 6000
M_CT = 4000
NT = N_CT + M_CT
D = 128
E = 320000
LAYERS = 3

NW = 32
CHUNK = 80
CPT = 125
HALF = 64
WPAD = NT + 8
APAD = 10112
RPT = APAD // 16
PAIRS = CPT // 2

_mesh = plsc.VectorSubcoreMesh(core_axis_name="c", subcore_axis_name="s")


@functools.partial(
    pl.kernel,
    out_type=jax.ShapeDtypeStruct((2, APAD, HALF), jnp.float32),
    mesh=_mesh,
    compiler_params=pltpu.CompilerParams(use_tc_tiling_on_sc=False),
    scratch_types=[
        pltpu.VMEM((CPT, CHUNK), jnp.int32),
        pltpu.VMEM((CPT, CHUNK), jnp.int32),
        pltpu.VMEM((CHUNK, HALF), jnp.float32),
        pltpu.VMEM((CHUNK, HALF), jnp.float32),
        pltpu.VMEM_SHARED((APAD, HALF), jnp.float32),
        pltpu.SemaphoreType.DMA,
        pltpu.SemaphoreType.DMA,
    ],
)
def _spmm(w_hbm, col_hbm, row_hbm, zero_hbm, out_hbm,
          colv, rowv, bufa, bufb, acc, sema, semb):
    c = lax.axis_index("c")
    s = lax.axis_index("s")
    wid = s * 2 + c

    pltpu.sync_copy(col_hbm.at[wid], colv)
    pltpu.sync_copy(row_hbm.at[wid], rowv)
    pltpu.sync_copy(zero_hbm, acc.at[pl.ds(s * RPT, RPT)])
    plsc.subcore_barrier()

    pltpu.async_copy(w_hbm.at[colv.at[0]], bufa, sema)

    def body(jj, carry):
        j0 = 2 * jj
        j1 = j0 + 1
        pltpu.async_copy(w_hbm.at[colv.at[j1]], bufb, semb)
        pltpu.make_async_copy(w_hbm.at[colv.at[j0]], bufa, sema).wait()
        pltpu.sync_copy(bufa, acc.at[rowv.at[j0]], add=True)

        @pl.when(j0 + 2 < CPT)
        def _():
            pltpu.async_copy(w_hbm.at[colv.at[j0 + 2]], bufa, sema)

        pltpu.make_async_copy(w_hbm.at[colv.at[j1]], bufb, semb).wait()
        pltpu.sync_copy(bufb, acc.at[rowv.at[j1]], add=True)
        return carry

    lax.fori_loop(0, PAIRS, body, 0)

    if CPT % 2 == 1:
        j = CPT - 1
        pltpu.make_async_copy(w_hbm.at[colv.at[j]], bufa, sema).wait()
        pltpu.sync_copy(bufa, acc.at[rowv.at[j]], add=True)

    plsc.subcore_barrier()
    pltpu.sync_copy(acc.at[pl.ds(s * RPT, RPT)],
                    out_hbm.at[c, pl.ds(s * RPT, RPT)])


@functools.partial(
    pl.kernel,
    out_type=jax.ShapeDtypeStruct((2, APAD, 16), jnp.float32),
    mesh=_mesh,
    compiler_params=pltpu.CompilerParams(use_tc_tiling_on_sc=False),
    scratch_types=[
        pltpu.VMEM((CPT, CHUNK), jnp.int32),
        pltpu.VMEM((CHUNK, 16), jnp.float32),
        pltpu.VMEM_SHARED((APAD, 16), jnp.float32),
    ],
)
def _degree(row_hbm, ones_hbm, zero_hbm, out_hbm, rowv, onesv, acc):
    c = lax.axis_index("c")
    s = lax.axis_index("s")
    wid = s * 2 + c

    pltpu.sync_copy(row_hbm.at[wid], rowv)
    pltpu.sync_copy(ones_hbm, onesv)
    pltpu.sync_copy(zero_hbm, acc.at[pl.ds(s * RPT, RPT)])
    plsc.subcore_barrier()

    def body(j, carry):
        pltpu.sync_copy(onesv, acc.at[rowv.at[j]], add=True)
        return carry

    lax.fori_loop(0, CPT, body, 0)

    plsc.subcore_barrier()
    pltpu.sync_copy(acc.at[pl.ds(s * RPT, RPT)],
                    out_hbm.at[c, pl.ds(s * RPT, RPT)])


def kernel(all_N_emb, all_M_emb, edge_index):
    colp = edge_index[1].reshape(NW, CPT, CHUNK)
    rowp = edge_index[0].reshape(NW, CPT, CHUNK)
    zero_blk = jnp.zeros((RPT, HALF), jnp.float32)
    zpad = jnp.zeros((WPAD - NT, HALF), jnp.float32)

    dparts = _degree(rowp, jnp.ones((CHUNK, 16), jnp.float32),
                     jnp.zeros((RPT, 16), jnp.float32))
    deg = dparts[0, :NT, 0] + dparts[1, :NT, 0]
    d = jnp.power(deg + 1e-10, -0.5)
    d2 = d * d

    ego = jnp.concatenate([all_N_emb, all_M_emb], axis=0)

    acc_mean = ego
    w0 = d[:, None] * ego
    whalves = [jnp.concatenate([w0[:, :HALF], zpad], axis=0),
               jnp.concatenate([w0[:, HALF:], zpad], axis=0)]
    for layer in range(LAYERS):
        shalves = []
        for h in range(2):
            parts = _spmm(whalves[h], colp, rowp, zero_blk)
            shalves.append(parts[0, :NT] + parts[1, :NT])
        ssum = jnp.concatenate(shalves, axis=1)
        acc_mean = acc_mean + d[:, None] * ssum
        if layer + 1 < LAYERS:
            whalves = [jnp.concatenate([d2[:, None] * shalves[0], zpad], axis=0),
                       jnp.concatenate([d2[:, None] * shalves[1], zpad], axis=0)]
    mean = acc_mean * 0.25
    return mean[:N_CT], mean[N_CT:NT]

# --- scband reference (transcript-rebuilt; emitter-appended) ---
"""Pipeline reference for scband-light-gcnencoder-30150670418284 (READ-ONLY COPY).

The authoritative reference and input builder live on the scoring server;
editing this copy changes nothing except your own understanding.
"""

import jax, jax.numpy as jnp
import numpy as np

N_COUNT = 6000
M_COUNT = 4000
NUM_LAYERS = 3
N_EDGES = 320000
D_FEAT = 128


def setup_inputs(seed: int = 0) -> dict:
    key = jax.random.key(seed)
    k1, k2, k3 = jax.random.split(key, 3)
    all_N_emb = jax.random.normal(k1, (N_COUNT, D_FEAT), dtype=jnp.float32)
    all_M_emb = jax.random.normal(k2, (M_COUNT, D_FEAT), dtype=jnp.float32)
    edge_index = jax.random.randint(k3, (2, N_EDGES), 0, N_COUNT + M_COUNT, dtype=jnp.int32)
    return {"all_N_emb": all_N_emb, "all_M_emb": all_M_emb, "edge_index": edge_index}


def reference(all_N_emb, all_M_emb, edge_index):
    n_total = N_COUNT + M_COUNT
    row = edge_index[0]
    col = edge_index[1]
    # symmetric degree normalization: D^-1/2 A D^-1/2 (adjacency entries are 1.0)
    deg = jnp.zeros((n_total,), jnp.float32).at[row].add(1.0)
    d_inv_sqrt = jnp.power(deg + 1e-10, -0.5)
    d_inv_sqrt = jnp.where(jnp.isinf(d_inv_sqrt), 0.0, d_inv_sqrt)
    vals = d_inv_sqrt[row] * d_inv_sqrt[col]

    ego_embs = jnp.concatenate([all_N_emb, all_M_emb], axis=0)
    all_embs = [ego_embs]
    for _ in range(NUM_LAYERS):
        gathered = jnp.take(ego_embs, col, axis=0) * vals[:, None]
        ego_embs = jax.ops.segment_sum(gathered, row, num_segments=n_total)
        all_embs.append(ego_embs)
    stacked = jnp.stack(all_embs, axis=1)
    mean_embs = jnp.mean(stacked, axis=1)
    N_all_embs = mean_embs[:N_COUNT, :]
    M_all_embs = mean_embs[N_COUNT:, :]
    return (N_all_embs, M_all_embs)

if __name__ == "__main__":
    import jax
    _d = setup_inputs()
    print(jax.jit(kernel)(*tuple(_d.values())))

</pallas_src>

<mosaic_0001>
#map = affine_map<(d0, d1) -> (0, 0)>
#map1 = affine_map<(d0, d1) -> (0, 0, 0)>
module attributes {stable_mosaic.version = 14 : i64} {
  func.func @_spmm(%arg0: i32, %arg1: i32, %arg2: memref<10008x64xf32, #tpu.memory_space<hbm>>, %arg3: memref<32x125x80xi32, #tpu.memory_space<hbm>>, %arg4: memref<32x125x80xi32, #tpu.memory_space<hbm>>, %arg5: memref<632x64xf32, #tpu.memory_space<hbm>>, %arg6: memref<2x10112x64xf32, #tpu.memory_space<hbm>>, %arg7: memref<125x80xi32, #tpu.memory_space<vmem>>, %arg8: memref<125x80xi32, #tpu.memory_space<vmem>>, %arg9: memref<80x64xf32, #tpu.memory_space<vmem>>, %arg10: memref<80x64xf32, #tpu.memory_space<vmem>>, %arg11: memref<10112x64xf32, #tpu.memory_space<vmem_shared>>, %arg12: memref<!tpu.dma_semaphore, #tpu.memory_space<semaphore_mem>>, %arg13: memref<!tpu.dma_semaphore, #tpu.memory_space<semaphore_mem>>) attributes {dimension_semantics = [#tpu.dimension_semantics<core_parallel>, #tpu.dimension_semantics<subcore_parallel>], iteration_bounds = array<i64: 2, 16>, scalar_prefetch = 0 : i64, scratch_operands = 7 : i64, tpu.core_type = #tpu.core_type<sc_vector_subcore>, window_params = [{transform_indices = #map}, {transform_indices = #map1}, {transform_indices = #map1}, {transform_indices = #map}, {transform_indices = #map1}]} {
    %mul3A = arith.constant 2 : i32
    %mul3A_0 = arith.muli %arg1, %mul3A : i32
    %add3A = arith.addi %mul3A_0, %arg0 : i32
    "tpu.region"() ({
      %run_scoped3A_25 = tpu.sem_alloc : memref<!tpu.dma_semaphore, #tpu.memory_space<semaphore_mem>>
      %dma_start3A_26 = arith.constant 0 : i32
      %dma_start3A_27 = arith.constant 0 : i32
      %dma_start3A_28 = tpu.memref_slice %arg3[%add3A, %dma_start3A_26, %dma_start3A_27] : memref<32x125x80xi32, #tpu.memory_space<hbm>> -> memref<1x125x80xi32, #tpu.memory_space<hbm>>
      %dma_start3A_29 = tpu.memref_squeeze %dma_start3A_28 : memref<1x125x80xi32, #tpu.memory_space<hbm>> -> memref<125x80xi32, #tpu.memory_space<hbm>>
      %dma_start3A_30 = arith.constant 0 : i32
      %dma_start3A_31 = arith.constant 0 : i32
      %dma_start3A_32 = tpu.memref_slice %arg3[%add3A, %dma_start3A_30, %dma_start3A_31] : memref<32x125x80xi32, #tpu.memory_space<hbm>> -> memref<1x125x80xi32, #tpu.memory_space<hbm>>
      %dma_start3A_33 = tpu.memref_squeeze %dma_start3A_32 : memref<1x125x80xi32, #tpu.memory_space<hbm>> -> memref<125x80xi32, #tpu.memory_space<hbm>>
      tpu.enqueue_dma source(%dma_start3A_33 : memref<125x80xi32, #tpu.memory_space<hbm>>) target(%arg7 : memref<125x80xi32, #tpu.memory_space<vmem>>) target_semaphore(%run_scoped3A_25 : memref<!tpu.dma_semaphore, #tpu.memory_space<semaphore_mem>>)
      %dma_wait3A_34 = arith.constant 0 : i32
      %dma_wait3A_35 = arith.constant 0 : i32
      %dma_wait3A_36 = tpu.memref_slice %arg3[%add3A, %dma_wait3A_34, %dma_wait3A_35] : memref<32x125x80xi32, #tpu.memory_space<hbm>> -> memref<1x125x80xi32, #tpu.memory_space<hbm>>
      %dma_wait3A_37 = tpu.memref_squeeze %dma_wait3A_36 : memref<1x125x80xi32, #tpu.memory_space<hbm>> -> memref<125x80xi32, #tpu.memory_space<hbm>>
      %dma_wait3A_38 = arith.constant 0 : i32
      %dma_wait3A_39 = arith.constant 0 : i32
      %dma_wait3A_40 = tpu.memref_slice %arg3[%add3A, %dma_wait3A_38, %dma_wait3A_39] : memref<32x125x80xi32, #tpu.memory_space<hbm>> -> memref<1x125x80xi32, #tpu.memory_space<hbm>>
      %dma_wait3A_41 = tpu.memref_squeeze %dma_wait3A_40 : memref<1x125x80xi32, #tpu.memory_space<hbm>> -> memref<125x80xi32, #tpu.memory_space<hbm>>
      tpu.wait_dma2 semaphore(%run_scoped3A_25 : memref<!tpu.dma_semaphore, #tpu.memory_space<semaphore_mem>>) src(%dma_wait3A_41 : memref<125x80xi32, #tpu.memory_space<hbm>>) dst(%arg7 : memref<125x80xi32, #tpu.memory_space<vmem>>)
      tpu.yield
    }) : () -> ()
    "tpu.region"() ({
      %run_scoped3A_25 = tpu.sem_alloc : memref<!tpu.dma_semaphore, #tpu.memory_space<semaphore_mem>>
      %dma_start3A_26 = arith.constant 0 : i32
      %dma_start3A_27 = arith.constant 0 : i32
      %dma_start3A_28 = tpu.memref_slice %arg4[%add3A, %dma_start3A_26, %dma_start3A_27] : memref<32x125x80xi32, #tpu.memory_space<hbm>> -> memref<1x125x80xi32, #tpu.memory_space<hbm>>
      %dma_start3A_29 = tpu.memref_squeeze %dma_start3A_28 : memref<1x125x80xi32, #tpu.memory_space<hbm>> -> memref<125x80xi32, #tpu.memory_space<hbm>>
      %dma_start3A_30 = arith.constant 0 : i32
      %dma_start3A_31 = arith.constant 0 : i32
      %dma_start3A_32 = tpu.memref_slice %arg4[%add3A, %dma_start3A_30, %dma_start3A_31] : memref<32x125x80xi32, #tpu.memory_space<hbm>> -> memref<1x125x80xi32, #tpu.memory_space<hbm>>
      %dma_start3A_33 = tpu.memref_squeeze %dma_start3A_32 : memref<1x125x80xi32, #tpu.memory_space<hbm>> -> memref<125x80xi32, #tpu.memory_space<hbm>>
      tpu.enqueue_dma source(%dma_start3A_33 : memref<125x80xi32, #tpu.memory_space<hbm>>) target(%arg8 : memref<125x80xi32, #tpu.memory_space<vmem>>) target_semaphore(%run_scoped3A_25 : memref<!tpu.dma_semaphore, #tpu.memory_space<semaphore_mem>>)
      %dma_wait3A_34 = arith.constant 0 : i32
      %dma_wait3A_35 = arith.constant 0 : i32
      %dma_wait3A_36 = tpu.memref_slice %arg4[%add3A, %dma_wait3A_34, %dma_wait3A_35] : memref<32x125x80xi32, #tpu.memory_space<hbm>> -> memref<1x125x80xi32, #tpu.memory_space<hbm>>
      %dma_wait3A_37 = tpu.memref_squeeze %dma_wait3A_36 : memref<1x125x80xi32, #tpu.memory_space<hbm>> -> memref<125x80xi32, #tpu.memory_space<hbm>>
      %dma_wait3A_38 = arith.constant 0 : i32
      %dma_wait3A_39 = arith.constant 0 : i32
      %dma_wait3A_40 = tpu.memref_slice %arg4[%add3A, %dma_wait3A_38, %dma_wait3A_39] : memref<32x125x80xi32, #tpu.memory_space<hbm>> -> memref<1x125x80xi32, #tpu.memory_space<hbm>>
      %dma_wait3A_41 = tpu.memref_squeeze %dma_wait3A_40 : memref<1x125x80xi32, #tpu.memory_space<hbm>> -> memref<125x80xi32, #tpu.memory_space<hbm>>
      tpu.wait_dma2 semaphore(%run_scoped3A_25 : memref<!tpu.dma_semaphore, #tpu.memory_space<semaphore_mem>>) src(%dma_wait3A_41 : memref<125x80xi32, #tpu.memory_space<hbm>>) dst(%arg8 : memref<125x80xi32, #tpu.memory_space<vmem>>)
      tpu.yield
    }) : () -> ()
    %mul3A_1 = arith.constant 632 : i32
    %mul3A_2 = arith.muli %arg1, %mul3A_1 : i32
    "tpu.region"() ({
      %run_scoped3A_25 = tpu.sem_alloc : memref<!tpu.dma_semaphore, #tpu.memory_space<semaphore_mem>>
      %dma_start3A_26 = arith.constant 0 : i32
      %dma_start3A_27 = tpu.memref_slice %arg11[%mul3A_2, %dma_start3A_26] : memref<10112x64xf32, #tpu.memory_space<vmem_shared>> -> memref<632x64xf32, #tpu.memory_space<vmem_shared>>
      tpu.enqueue_dma source(%arg5 : memref<632x64xf32, #tpu.memory_space<hbm>>) target(%dma_start3A_27 : memref<632x64xf32, #tpu.memory_space<vmem_shared>>) target_semaphore(%run_scoped3A_25 : memref<!tpu.dma_semaphore, #tpu.memory_space<semaphore_mem>>)
      %dma_wait3A_28 = arith.constant 0 : i32
      %dma_wait3A_29 = tpu.memref_slice %arg11[%mul3A_2, %dma_wait3A_28] : memref<10112x64xf32, #tpu.memory_space<vmem_shared>> -> memref<632x64xf32, #tpu.memory_space<vmem_shared>>
      tpu.wait_dma2 semaphore(%run_scoped3A_25 : memref<!tpu.dma_semaphore, #tpu.memory_space<semaphore_mem>>) src(%arg5 : memref<632x64xf32, #tpu.memory_space<hbm>>) dst(%dma_wait3A_29 : memref<632x64xf32, #tpu.memory_space<vmem_shared>>)
      tpu.yield
    }) : () -> ()
    %barrier3A = arith.constant 0 : index
    tpu.barrier barrier_id(%barrier3A)
    %dma_start3A = arith.constant 0 : i32
    %dma_start3A_3 = arith.constant 0 : i32
    %dma_start3A_4 = tpu.memref_slice %arg7[%dma_start3A, %dma_start3A_3] : memref<125x80xi32, #tpu.memory_space<vmem>> -> memref<1x80xi32, #tpu.memory_space<vmem>>
    %dma_start3A_5 = tpu.memref_squeeze %dma_start3A_4 : memref<1x80xi32, #tpu.memory_space<vmem>> -> memref<80xi32, #tpu.memory_space<vmem>>
    %dma_start3A_6 = arith.constant 0 : i32
    %dma_start3A_7 = arith.constant 0 : i32
    %dma_start3A_8 = tpu.memref_slice %arg2[%dma_start3A_6, %dma_start3A_7] : memref<10008x64xf32, #tpu.memory_space<hbm>> -> memref<10008x64xf32, #tpu.memory_space<hbm>>
    tpu.enqueue_indirect_dma source(%dma_start3A_8 : memref<10008x64xf32, #tpu.memory_space<hbm>>) target(%arg9 : memref<80x64xf32, #tpu.memory_space<vmem>>) offsets(%dma_start3A_5 : memref<80xi32, #tpu.memory_space<vmem>>) semaphore(%arg12 : memref<!tpu.dma_semaphore, #tpu.memory_space<semaphore_mem>>)
    %scan3A = arith.constant 0 : i32
    %scan3A_9 = arith.constant 0 : i32
    %scan3A_10 = arith.constant 62 : i32
    %scan3A_11 = arith.addi %scan3A_9, %scan3A_10 : i32
    %scan3A_12 = arith.constant 1 : i32
    scf.for %scan3A_25 = %scan3A_9 to %scan3A_11 step %scan3A_12  : i32 {
      %mul3A_26 = arith.constant 2 : i32
      %mul3A_27 = arith.muli %mul3A_26, %scan3A_25 : i32
      %add3A_28 = arith.constant 1 : i32
      %add3A_29 = arith.addi %mul3A_27, %add3A_28 : i32
      %dma_start3A_30 = arith.constant 0 : i32
      %dma_start3A_31 = tpu.memref_slice %arg7[%add3A_29, %dma_start3A_30] : memref<125x80xi32, #tpu.memory_space<vmem>> -> memref<1x80xi32, #tpu.memory_space<vmem>>
      %dma_start3A_32 = tpu.memref_squeeze %dma_start3A_31 : memref<1x80xi32, #tpu.memory_space<vmem>> -> memref<80xi32, #tpu.memory_space<vmem>>
      %dma_start3A_33 = arith.constant 0 : i32
      %dma_start3A_34 = arith.constant 0 : i32
      %dma_start3A_35 = tpu.memref_slice %arg2[%dma_start3A_33, %dma_start3A_34] : memref<10008x64xf32, #tpu.memory_space<hbm>> -> memref<10008x64xf32, #tpu.memory_space<hbm>>
      tpu.enqueue_indirect_dma source(%dma_start3A_35 : memref<10008x64xf32, #tpu.memory_space<hbm>>) target(%arg10 : memref<80x64xf32, #tpu.memory_space<vmem>>) offsets(%dma_start3A_32 : memref<80xi32, #tpu.memory_space<vmem>>) semaphore(%arg13 : memref<!tpu.dma_semaphore, #tpu.memory_space<semaphore_mem>>)
      %dma_wait3A_36 = arith.constant 0 : i32
      %dma_wait3A_37 = tpu.memref_slice %arg7[%mul3A_27, %dma_wait3A_36] : memref<125x80xi32, #tpu.memory_space<vmem>> -> memref<1x80xi32, #tpu.memory_space<vmem>>
      %dma_wait3A_38 = tpu.memref_squeeze %dma_wait3A_37 : memref<1x80xi32, #tpu.memory_space<vmem>> -> memref<80xi32, #tpu.memory_space<vmem>>
      %dma_wait3A_39 = arith.constant 0 : i32
      %dma_wait3A_40 = arith.constant 0 : i32
      %dma_wait3A_41 = tpu.memref_slice %arg2[%dma_wait3A_39, %dma_wait3A_40] : memref<10008x64xf32, #tpu.memory_space<hbm>> -> memref<10008x64xf32, #tpu.memory_space<hbm>>
      tpu.wait_indirect_dma semaphore(%arg12 : memref<!tpu.dma_semaphore, #tpu.memory_space<semaphore_mem>>) src(%dma_wait3A_41 : memref<10008x64xf32, #tpu.memory_space<hbm>>) dst(%arg9 : memref<80x64xf32, #tpu.memory_space<vmem>>)
      "tpu.region"() ({
        %run_scoped3A_52 = tpu.sem_alloc : memref<!tpu.dma_semaphore, #tpu.memory_space<semaphore_mem>>
        %dma_start3A_53 = arith.constant 0 : i32
        %dma_start3A_54 = tpu.memref_slice %arg8[%mul3A_27, %dma_start3A_53] : memref<125x80xi32, #tpu.memory_space<vmem>> -> memref<1x80xi32, #tpu.memory_space<vmem>>
        %dma_start3A_55 = tpu.memref_squeeze %dma_start3A_54 : memref<1x80xi32, #tpu.memory_space<vmem>> -> memref<80xi32, #tpu.memory_space<vmem>>
        %dma_start3A_56 = arith.constant 0 : i32
        %dma_start3A_57 = arith.constant 0 : i32
        %dma_start3A_58 = tpu.memref_slice %arg11[%dma_start3A_56, %dma_start3A_57] : memref<10112x64xf32, #tpu.memory_space<vmem_shared>> -> memref<10112x64xf32, #tpu.memory_space<vmem_shared>>
        tpu.enqueue_indirect_dma source(%arg9 : memref<80x64xf32, #tpu.memory_space<vmem>>) target(%dma_start3A_58 : memref<10112x64xf32, #tpu.memory_space<vmem_shared>>) offsets(%dma_start3A_55 : memref<80xi32, #tpu.memory_space<vmem>>) semaphore(%run_scoped3A_52 : memref<!tpu.dma_semaphore, #tpu.memory_space<semaphore_mem>>) {add = true}
        %dma_wait3A_59 = arith.constant 0 : i32
        %dma_wait3A_60 = tpu.memref_slice %arg8[%mul3A_27, %dma_wait3A_59] : memref<125x80xi32, #tpu.memory_space<vmem>> -> memref<1x80xi32, #tpu.memory_space<vmem>>
        %dma_wait3A_61 = tpu.memref_squeeze %dma_wait3A_60 : memref<1x80xi32, #tpu.memory_space<vmem>> -> memref<80xi32, #tpu.memory_space<vmem>>
        %dma_wait3A_62 = arith.constant 0 : i32
        %dma_wait3A_63 = arith.constant 0 : i32
        %dma_wait3A_64 = tpu.memref_slice %arg11[%dma_wait3A_62, %dma_wait3A_63] : memref<10112x64xf32, #tpu.memory_space<vmem_shared>> -> memref<10112x64xf32, #tpu.memory_space<vmem_shared>>
        tpu.wait_indirect_dma semaphore(%run_scoped3A_52 : memref<!tpu.dma_semaphore, #tpu.memory_space<semaphore_mem>>) src(%arg9 : memref<80x64xf32, #tpu.memory_space<vmem>>) dst(%dma_wait3A_64 : memref<10112x64xf32, #tpu.memory_space<vmem_shared>>)
        tpu.yield
      }) : () -> ()
      %add3A_42 = arith.constant 2 : i32
      %add3A_43 = arith.addi %mul3A_27, %add3A_42 : i32
      %lt3A = arith.constant 125 : i32
      %lt3A_44 = arith.cmpi slt, %add3A_43, %lt3A : i32
      %convert_element_type3A = arith.extui %lt3A_44 : i1 to i32
      %cond3A = arith.constant 0 : i32
      %cond3A_45 = arith.cmpi ne, %convert_element_type3A, %cond3A : i32
      scf.if %cond3A_45 {
        %add3A_52 = arith.constant 2 : i32
        %add3A_53 = arith.addi %mul3A_27, %add3A_52 : i32
        %dma_start3A_54 = arith.constant 0 : i32
        %dma_start3A_55 = tpu.memref_slice %arg7[%add3A_53, %dma_start3A_54] : memref<125x80xi32, #tpu.memory_space<vmem>> -> memref<1x80xi32, #tpu.memory_space<vmem>>
        %dma_start3A_56 = tpu.memref_squeeze %dma_start3A_55 : memref<1x80xi32, #tpu.memory_space<vmem>> -> memref<80xi32, #tpu.memory_space<vmem>>
        %dma_start3A_57 = arith.constant 0 : i32
        %dma_start3A_58 = arith.constant 0 : i32
        %dma_start3A_59 = tpu.memref_slice %arg2[%dma_start3A_57, %dma_start3A_58] : memref<10008x64xf32, #tpu.memory_space<hbm>> -> memref<10008x64xf32, #tpu.memory_space<hbm>>
        tpu.enqueue_indirect_dma source(%dma_start3A_59 : memref<10008x64xf32, #tpu.memory_space<hbm>>) target(%arg9 : memref<80x64xf32, #tpu.memory_space<vmem>>) offsets(%dma_start3A_56 : memref<80xi32, #tpu.memory_space<vmem>>) semaphore(%arg12 : memref<!tpu.dma_semaphore, #tpu.memory_space<semaphore_mem>>)
      } else {
      }
      %dma_wait3A_46 = arith.constant 0 : i32
      %dma_wait3A_47 = tpu.memref_slice %arg7[%add3A_29, %dma_wait3A_46] : memref<125x80xi32, #tpu.memory_space<vmem>> -> memref<1x80xi32, #tpu.memory_space<vmem>>
      %dma_wait3A_48 = tpu.memref_squeeze %dma_wait3A_47 : memref<1x80xi32, #tpu.memory_space<vmem>> -> memref<80xi32, #tpu.memory_space<vmem>>
      %dma_wait3A_49 = arith.constant 0 : i32
      %dma_wait3A_50 = arith.constant 0 : i32
      %dma_wait3A_51 = tpu.memref_slice %arg2[%dma_wait3A_49, %dma_wait3A_50] : memref<10008x64xf32, #tpu.memory_space<hbm>> -> memref<10008x64xf32, #tpu.memory_space<hbm>>
      tpu.wait_indirect_dma semaphore(%arg13 : memref<!tpu.dma_semaphore, #tpu.memory_space<semaphore_mem>>) src(%dma_wait3A_51 : memref<10008x64xf32, #tpu.memory_space<hbm>>) dst(%arg10 : memref<80x64xf32, #tpu.memory_space<vmem>>)
      "tpu.region"() ({
        %run_scoped3A_52 = tpu.sem_alloc : memref<!tpu.dma_semaphore, #tpu.memory_space<semaphore_mem>>
        %dma_start3A_53 = arith.constant 0 : i32
        %dma_start3A_54 = tpu.memref_slice %arg8[%add3A_29, %dma_start3A_53] : memref<125x80xi32, #tpu.memory_space<vmem>> -> memref<1x80xi32, #tpu.memory_space<vmem>>
        %dma_start3A_55 = tpu.memref_squeeze %dma_start3A_54 : memref<1x80xi32, #tpu.memory_space<vmem>> -> memref<80xi32, #tpu.memory_space<vmem>>
        %dma_start3A_56 = arith.constant 0 : i32
        %dma_start3A_57 = arith.constant 0 : i32
        %dma_start3A_58 = tpu.memref_slice %arg11[%dma_start3A_56, %dma_start3A_57] : memref<10112x64xf32, #tpu.memory_space<vmem_shared>> -> memref<10112x64xf32, #tpu.memory_space<vmem_shared>>
        tpu.enqueue_indirect_dma source(%arg10 : memref<80x64xf32, #tpu.memory_space<vmem>>) target(%dma_start3A_58 : memref<10112x64xf32, #tpu.memory_space<vmem_shared>>) offsets(%dma_start3A_55 : memref<80xi32, #tpu.memory_space<vmem>>) semaphore(%run_scoped3A_52 : memref<!tpu.dma_semaphore, #tpu.memory_space<semaphore_mem>>) {add = true}
        %dma_wait3A_59 = arith.constant 0 : i32
        %dma_wait3A_60 = tpu.memref_slice %arg8[%add3A_29, %dma_wait3A_59] : memref<125x80xi32, #tpu.memory_space<vmem>> -> memref<1x80xi32, #tpu.memory_space<vmem>>
        %dma_wait3A_61 = tpu.memref_squeeze %dma_wait3A_60 : memref<1x80xi32, #tpu.memory_space<vmem>> -> memref<80xi32, #tpu.memory_space<vmem>>
        %dma_wait3A_62 = arith.constant 0 : i32
        %dma_wait3A_63 = arith.constant 0 : i32
        %dma_wait3A_64 = tpu.memref_slice %arg11[%dma_wait3A_62, %dma_wait3A_63] : memref<10112x64xf32, #tpu.memory_space<vmem_shared>> -> memref<10112x64xf32, #tpu.memory_space<vmem_shared>>
        tpu.wait_indirect_dma semaphore(%run_scoped3A_52 : memref<!tpu.dma_semaphore, #tpu.memory_space<semaphore_mem>>) src(%arg10 : memref<80x64xf32, #tpu.memory_space<vmem>>) dst(%dma_wait3A_64 : memref<10112x64xf32, #tpu.memory_space<vmem_shared>>)
        tpu.yield
      }) : () -> ()
    }
    %scan3A_13 = arith.constant 62 : i32
    %dma_wait3A = arith.constant 124 : i32
    %dma_wait3A_14 = arith.constant 0 : i32
    %dma_wait3A_15 = tpu.memref_slice %arg7[%dma_wait3A, %dma_wait3A_14] : memref<125x80xi32, #tpu.memory_space<vmem>> -> memref<1x80xi32, #tpu.memory_space<vmem>>
    %dma_wait3A_16 = tpu.memref_squeeze %dma_wait3A_15 : memref<1x80xi32, #tpu.memory_space<vmem>> -> memref<80xi32, #tpu.memory_space<vmem>>
    %dma_wait3A_17 = arith.constant 0 : i32
    %dma_wait3A_18 = arith.constant 0 : i32
    %dma_wait3A_19 = tpu.memref_slice %arg2[%dma_wait3A_17, %dma_wait3A_18] : memref<10008x64xf32, #tpu.memory_space<hbm>> -> memref<10008x64xf32, #tpu.memory_space<hbm>>
    tpu.wait_indirect_dma semaphore(%arg12 : memref<!tpu.dma_semaphore, #tpu.memory_space<semaphore_mem>>) src(%dma_wait3A_19 : memref<10008x64xf32, #tpu.memory_space<hbm>>) dst(%arg9 : memref<80x64xf32, #tpu.memory_space<vmem>>)
    %run_scoped3A = arith.constant 124 : i32
    "tpu.region"() ({
      %run_scoped3A_25 = tpu.sem_alloc : memref<!tpu.dma_semaphore, #tpu.memory_space<semaphore_mem>>
      %dma_start3A_26 = arith.constant 0 : i32
      %dma_start3A_27 = tpu.memref_slice %arg8[%run_scoped3A, %dma_start3A_26] : memref<125x80xi32, #tpu.memory_space<vmem>> -> memref<1x80xi32, #tpu.memory_space<vmem>>
      %dma_start3A_28 = tpu.memref_squeeze %dma_start3A_27 : memref<1x80xi32, #tpu.memory_space<vmem>> -> memref<80xi32, #tpu.memory_space<vmem>>
      %dma_start3A_29 = arith.constant 0 : i32
      %dma_start3A_30 = arith.constant 0 : i32
      %dma_start3A_31 = tpu.memref_slice %arg11[%dma_start3A_29, %dma_start3A_30] : memref<10112x64xf32, #tpu.memory_space<vmem_shared>> -> memref<10112x64xf32, #tpu.memory_space<vmem_shared>>
      tpu.enqueue_indirect_dma source(%arg9 : memref<80x64xf32, #tpu.memory_space<vmem>>) target(%dma_start3A_31 : memref<10112x64xf32, #tpu.memory_space<vmem_shared>>) offsets(%dma_start3A_28 : memref<80xi32, #tpu.memory_space<vmem>>) semaphore(%run_scoped3A_25 : memref<!tpu.dma_semaphore, #tpu.memory_space<semaphore_mem>>) {add = true}
      %dma_wait3A_32 = arith.constant 0 : i32
      %dma_wait3A_33 = tpu.memref_slice %arg8[%run_scoped3A, %dma_wait3A_32] : memref<125x80xi32, #tpu.memory_space<vmem>> -> memref<1x80xi32, #tpu.memory_space<vmem>>
      %dma_wait3A_34 = tpu.memref_squeeze %dma_wait3A_33 : memref<1x80xi32, #tpu.memory_space<vmem>> -> memref<80xi32, #tpu.memory_space<vmem>>
      %dma_wait3A_35 = arith.constant 0 : i32
      %dma_wait3A_36 = arith.constant 0 : i32
      %dma_wait3A_37 = tpu.memref_slice %arg11[%dma_wait3A_35, %dma_wait3A_36] : memref<10112x64xf32, #tpu.memory_space<vmem_shared>> -> memref<10112x64xf32, #tpu.memory_space<vmem_shared>>
      tpu.wait_indirect_dma semaphore(%run_scoped3A_25 : memref<!tpu.dma_semaphore, #tpu.memory_space<semaphore_mem>>) src(%arg9 : memref<80x64xf32, #tpu.memory_space<vmem>>) dst(%dma_wait3A_37 : memref<10112x64xf32, #tpu.memory_space<vmem_shared>>)
      tpu.yield
    }) : () -> ()
    %barrier3A_20 = arith.constant 0 : index
    tpu.barrier barrier_id(%barrier3A_20)
    %mul3A_21 = arith.constant 632 : i32
    %mul3A_22 = arith.muli %arg1, %mul3A_21 : i32
    %mul3A_23 = arith.constant 632 : i32
    %mul3A_24 = arith.muli %arg1, %mul3A_23 : i32
    "tpu.region"() ({
      %run_scoped3A_25 = tpu.sem_alloc : memref<!tpu.dma_semaphore, #tpu.memory_space<semaphore_mem>>
      %dma_start3A_26 = arith.constant 0 : i32
      %dma_start3A_27 = tpu.memref_slice %arg6[%arg0, %mul3A_24, %dma_start3A_26] : memref<2x10112x64xf32, #tpu.memory_space<hbm>> -> memref<1x632x64xf32, #tpu.memory_space<hbm>>
      %dma_start3A_28 = tpu.memref_squeeze %dma_start3A_27 : memref<1x632x64xf32, #tpu.memory_space<hbm>> -> memref<632x64xf32, #tpu.memory_space<hbm>>
      %dma_start3A_29 = arith.constant 0 : i32
      %dma_start3A_30 = tpu.memref_slice %arg11[%mul3A_22, %dma_start3A_29] : memref<10112x64xf32, #tpu.memory_space<vmem_shared>> -> memref<632x64xf32, #tpu.memory_space<vmem_shared>>
      tpu.enqueue_dma source(%dma_start3A_30 : memref<632x64xf32, #tpu.memory_space<vmem_shared>>) target(%dma_start3A_28 : memref<632x64xf32, #tpu.memory_space<hbm>>) target_semaphore(%run_scoped3A_25 : memref<!tpu.dma_semaphore, #tpu.memory_space<semaphore_mem>>)
      %dma_wait3A_31 = arith.constant 0 : i32
      %dma_wait3A_32 = tpu.memref_slice %arg6[%arg0, %mul3A_24, %dma_wait3A_31] : memref<2x10112x64xf32, #tpu.memory_space<hbm>> -> memref<1x632x64xf32, #tpu.memory_space<hbm>>
      %dma_wait3A_33 = tpu.memref_squeeze %dma_wait3A_32 : memref<1x632x64xf32, #tpu.memory_space<hbm>> -> memref<632x64xf32, #tpu.memory_space<hbm>>
      %dma_wait3A_34 = arith.constant 0 : i32
      %dma_wait3A_35 = tpu.memref_slice %arg11[%mul3A_22, %dma_wait3A_34] : memref<10112x64xf32, #tpu.memory_space<vmem_shared>> -> memref<632x64xf32, #tpu.memory_space<vmem_shared>>
      tpu.wait_dma2 semaphore(%run_scoped3A_25 : memref<!tpu.dma_semaphore, #tpu.memory_space<semaphore_mem>>) src(%dma_wait3A_35 : memref<632x64xf32, #tpu.memory_space<vmem_shared>>) dst(%dma_wait3A_33 : memref<632x64xf32, #tpu.memory_space<hbm>>)
      tpu.yield
    }) : () -> ()
    return
  }
}

#map = affine_map<(d0, d1) -> (0, 0, 0)>
#map1 = affine_map<(d0, d1) -> (0, 0)>
module attributes {stable_mosaic.version = 14 : i64} {
  func.func @_degree(%arg0: i32, %arg1: i32, %arg2: memref<32x125x80xi32, #tpu.memory_space<hbm>>, %arg3: memref<80x16xf32, #tpu.memory_space<hbm>>, %arg4: memref<632x16xf32, #tpu.memory_space<hbm>>, %arg5: memref<2x10112x16xf32, #tpu.memory_space<hbm>>, %arg6: memref<125x80xi32, #tpu.memory_space<vmem>>, %arg7: memref<80x16xf32, #tpu.memory_space<vmem>>, %arg8: memref<10112x16xf32, #tpu.memory_space<vmem_shared>>) attributes {dimension_semantics = [#tpu.dimension_semantics<core_parallel>, #tpu.dimension_semantics<subcore_parallel>], iteration_bounds = array<i64: 2, 16>, scalar_prefetch = 0 : i64, scratch_operands = 3 : i64, tpu.core_type = #tpu.core_type<sc_vector_subcore>, window_params = [{transform_indices = #map}, {transform_indices = #map1}, {transform_indices = #map1}, {transform_indices = #map}]} {
    %mul3A = arith.constant 2 : i32
    %mul3A_0 = arith.muli %arg1, %mul3A : i32
    %add3A = arith.addi %mul3A_0, %arg0 : i32
    "tpu.region"() ({
      %run_scoped3A = tpu.sem_alloc : memref<!tpu.dma_semaphore, #tpu.memory_space<semaphore_mem>>
      %dma_start3A = arith.constant 0 : i32
      %dma_start3A_13 = arith.constant 0 : i32
      %dma_start3A_14 = tpu.memref_slice %arg2[%add3A, %dma_start3A, %dma_start3A_13] : memref<32x125x80xi32, #tpu.memory_space<hbm>> -> memref<1x125x80xi32, #tpu.memory_space<hbm>>
      %dma_start3A_15 = tpu.memref_squeeze %dma_start3A_14 : memref<1x125x80xi32, #tpu.memory_space<hbm>> -> memref<125x80xi32, #tpu.memory_space<hbm>>
      %dma_start3A_16 = arith.constant 0 : i32
      %dma_start3A_17 = arith.constant 0 : i32
      %dma_start3A_18 = tpu.memref_slice %arg2[%add3A, %dma_start3A_16, %dma_start3A_17] : memref<32x125x80xi32, #tpu.memory_space<hbm>> -> memref<1x125x80xi32, #tpu.memory_space<hbm>>
      %dma_start3A_19 = tpu.memref_squeeze %dma_start3A_18 : memref<1x125x80xi32, #tpu.memory_space<hbm>> -> memref<125x80xi32, #tpu.memory_space<hbm>>
      tpu.enqueue_dma source(%dma_start3A_19 : memref<125x80xi32, #tpu.memory_space<hbm>>) target(%arg6 : memref<125x80xi32, #tpu.memory_space<vmem>>) target_semaphore(%run_scoped3A : memref<!tpu.dma_semaphore, #tpu.memory_space<semaphore_mem>>)
      %dma_wait3A = arith.constant 0 : i32
      %dma_wait3A_20 = arith.constant 0 : i32
      %dma_wait3A_21 = tpu.memref_slice %arg2[%add3A, %dma_wait3A, %dma_wait3A_20] : memref<32x125x80xi32, #tpu.memory_space<hbm>> -> memref<1x125x80xi32, #tpu.memory_space<hbm>>
      %dma_wait3A_22 = tpu.memref_squeeze %dma_wait3A_21 : memref<1x125x80xi32, #tpu.memory_space<hbm>> -> memref<125x80xi32, #tpu.memory_space<hbm>>
      %dma_wait3A_23 = arith.constant 0 : i32
      %dma_wait3A_24 = arith.constant 0 : i32
      %dma_wait3A_25 = tpu.memref_slice %arg2[%add3A, %dma_wait3A_23, %dma_wait3A_24] : memref<32x125x80xi32, #tpu.memory_space<hbm>> -> memref<1x125x80xi32, #tpu.memory_space<hbm>>
      %dma_wait3A_26 = tpu.memref_squeeze %dma_wait3A_25 : memref<1x125x80xi32, #tpu.memory_space<hbm>> -> memref<125x80xi32, #tpu.memory_space<hbm>>
      tpu.wait_dma2 semaphore(%run_scoped3A : memref<!tpu.dma_semaphore, #tpu.memory_space<semaphore_mem>>) src(%dma_wait3A_26 : memref<125x80xi32, #tpu.memory_space<hbm>>) dst(%arg6 : memref<125x80xi32, #tpu.memory_space<vmem>>)
      tpu.yield
    }) : () -> ()
    "tpu.region"() ({
      %run_scoped3A = tpu.sem_alloc : memref<!tpu.dma_semaphore, #tpu.memory_space<semaphore_mem>>
      tpu.enqueue_dma source(%arg3 : memref<80x16xf32, #tpu.memory_space<hbm>>) target(%arg7 : memref<80x16xf32, #tpu.memory_space<vmem>>) target_semaphore(%run_scoped3A : memref<!tpu.dma_semaphore, #tpu.memory_space<semaphore_mem>>)
      tpu.wait_dma2 semaphore(%run_scoped3A : memref<!tpu.dma_semaphore, #tpu.memory_space<semaphore_mem>>) src(%arg3 : memref<80x16xf32, #tpu.memory_space<hbm>>) dst(%arg7 : memref<80x16xf32, #tpu.memory_space<vmem>>)
      tpu.yield
    }) : () -> ()
    %mul3A_1 = arith.constant 632 : i32
    %mul3A_2 = arith.muli %arg1, %mul3A_1 : i32
    "tpu.region"() ({
      %run_scoped3A = tpu.sem_alloc : memref<!tpu.dma_semaphore, #tpu.memory_space<semaphore_mem>>
      %dma_start3A = arith.constant 0 : i32
      %dma_start3A_13 = tpu.memref_slice %arg8[%mul3A_2, %dma_start3A] : memref<10112x16xf32, #tpu.memory_space<vmem_shared>> -> memref<632x16xf32, #tpu.memory_space<vmem_shared>>
      tpu.enqueue_dma source(%arg4 : memref<632x16xf32, #tpu.memory_space<hbm>>) target(%dma_start3A_13 : memref<632x16xf32, #tpu.memory_space<vmem_shared>>) target_semaphore(%run_scoped3A : memref<!tpu.dma_semaphore, #tpu.memory_space<semaphore_mem>>)
      %dma_wait3A = arith.constant 0 : i32
      %dma_wait3A_14 = tpu.memref_slice %arg8[%mul3A_2, %dma_wait3A] : memref<10112x16xf32, #tpu.memory_space<vmem_shared>> -> memref<632x16xf32, #tpu.memory_space<vmem_shared>>
      tpu.wait_dma2 semaphore(%run_scoped3A : memref<!tpu.dma_semaphore, #tpu.memory_space<semaphore_mem>>) src(%arg4 : memref<632x16xf32, #tpu.memory_space<hbm>>) dst(%dma_wait3A_14 : memref<632x16xf32, #tpu.memory_space<vmem_shared>>)
      tpu.yield
    }) : () -> ()
    %barrier3A = arith.constant 0 : index
    tpu.barrier barrier_id(%barrier3A)
    %scan3A = arith.constant 0 : i32
    %scan3A_3 = arith.constant 0 : i32
    %scan3A_4 = arith.constant 125 : i32
    %scan3A_5 = arith.addi %scan3A_3, %scan3A_4 : i32
    %scan3A_6 = arith.constant 1 : i32
    scf.for %scan3A_13 = %scan3A_3 to %scan3A_5 step %scan3A_6  : i32 {
      "tpu.region"() ({
        %run_scoped3A = tpu.sem_alloc : memref<!tpu.dma_semaphore, #tpu.memory_space<semaphore_mem>>
        %dma_start3A = arith.constant 0 : i32
        %dma_start3A_14 = tpu.memref_slice %arg6[%scan3A_13, %dma_start3A] : memref<125x80xi32, #tpu.memory_space<vmem>> -> memref<1x80xi32, #tpu.memory_space<vmem>>
        %dma_start3A_15 = tpu.memref_squeeze %dma_start3A_14 : memref<1x80xi32, #tpu.memory_space<vmem>> -> memref<80xi32, #tpu.memory_space<vmem>>
        %dma_start3A_16 = arith.constant 0 : i32
        %dma_start3A_17 = arith.constant 0 : i32
        %dma_start3A_18 = tpu.memref_slice %arg8[%dma_start3A_16, %dma_start3A_17] : memref<10112x16xf32, #tpu.memory_space<vmem_shared>> -> memref<10112x16xf32, #tpu.memory_space<vmem_shared>>
        tpu.enqueue_indirect_dma source(%arg7 : memref<80x16xf32, #tpu.memory_space<vmem>>) target(%dma_start3A_18 : memref<10112x16xf32, #tpu.memory_space<vmem_shared>>) offsets(%dma_start3A_15 : memref<80xi32, #tpu.memory_space<vmem>>) semaphore(%run_scoped3A : memref<!tpu.dma_semaphore, #tpu.memory_space<semaphore_mem>>) {add = true}
        %dma_wait3A = arith.constant 0 : i32
        %dma_wait3A_19 = tpu.memref_slice %arg6[%scan3A_13, %dma_wait3A] : memref<125x80xi32, #tpu.memory_space<vmem>> -> memref<1x80xi32, #tpu.memory_space<vmem>>
        %dma_wait3A_20 = tpu.memref_squeeze %dma_wait3A_19 : memref<1x80xi32, #tpu.memory_space<vmem>> -> memref<80xi32, #tpu.memory_space<vmem>>
        %dma_wait3A_21 = arith.constant 0 : i32
        %dma_wait3A_22 = arith.constant 0 : i32
        %dma_wait3A_23 = tpu.memref_slice %arg8[%dma_wait3A_21, %dma_wait3A_22] : memref<10112x16xf32, #tpu.memory_space<vmem_shared>> -> memref<10112x16xf32, #tpu.memory_space<vmem_shared>>
        tpu.wait_indirect_dma semaphore(%run_scoped3A : memref<!tpu.dma_semaphore, #tpu.memory_space<semaphore_mem>>) src(%arg7 : memref<80x16xf32, #tpu.memory_space<vmem>>) dst(%dma_wait3A_23 : memref<10112x16xf32, #tpu.memory_space<vmem_shared>>)
        tpu.yield
      }) : () -> ()
    }
    %scan3A_7 = arith.constant 125 : i32
    %barrier3A_8 = arith.constant 0 : index
    tpu.barrier barrier_id(%barrier3A_8)
    %mul3A_9 = arith.constant 632 : i32
    %mul3A_10 = arith.muli %arg1, %mul3A_9 : i32
    %mul3A_11 = arith.constant 632 : i32
    %mul3A_12 = arith.muli %arg1, %mul3A_11 : i32
    "tpu.region"() ({
      %run_scoped3A = tpu.sem_alloc : memref<!tpu.dma_semaphore, #tpu.memory_space<semaphore_mem>>
      %dma_start3A = arith.constant 0 : i32
      %dma_start3A_13 = tpu.memref_slice %arg5[%arg0, %mul3A_12, %dma_start3A] : memref<2x10112x16xf32, #tpu.memory_space<hbm>> -> memref<1x632x16xf32, #tpu.memory_space<hbm>>
      %dma_start3A_14 = tpu.memref_squeeze %dma_start3A_13 : memref<1x632x16xf32, #tpu.memory_space<hbm>> -> memref<632x16xf32, #tpu.memory_space<hbm>>
      %dma_start3A_15 = arith.constant 0 : i32
      %dma_start3A_16 = tpu.memref_slice %arg8[%mul3A_10, %dma_start3A_15] : memref<10112x16xf32, #tpu.memory_space<vmem_shared>> -> memref<632x16xf32, #tpu.memory_space<vmem_shared>>
      tpu.enqueue_dma source(%dma_start3A_16 : memref<632x16xf32, #tpu.memory_space<vmem_shared>>) target(%dma_start3A_14 : memref<632x16xf32, #tpu.memory_space<hbm>>) target_semaphore(%run_scoped3A : memref<!tpu.dma_semaphore, #tpu.memory_space<semaphore_mem>>)
      %dma_wait3A = arith.constant 0 : i32
      %dma_wait3A_17 = tpu.memref_slice %arg5[%arg0, %mul3A_12, %dma_wait3A] : memref<2x10112x16xf32, #tpu.memory_space<hbm>> -> memref<1x632x16xf32, #tpu.memory_space<hbm>>
      %dma_wait3A_18 = tpu.memref_squeeze %dma_wait3A_17 : memref<1x632x16xf32, #tpu.memory_space<hbm>> -> memref<632x16xf32, #tpu.memory_space<hbm>>
      %dma_wait3A_19 = arith.constant 0 : i32
      %dma_wait3A_20 = tpu.memref_slice %arg8[%mul3A_10, %dma_wait3A_19] : memref<10112x16xf32, #tpu.memory_space<vmem_shared>> -> memref<632x16xf32, #tpu.memory_space<vmem_shared>>
      tpu.wait_dma2 semaphore(%run_scoped3A : memref<!tpu.dma_semaphore, #tpu.memory_space<semaphore_mem>>) src(%dma_wait3A_20 : memref<632x16xf32, #tpu.memory_space<vmem_shared>>) dst(%dma_wait3A_18 : memref<632x16xf32, #tpu.memory_space<hbm>>)
      tpu.yield
    }) : () -> ()
    return
  }
}

#map = affine_map<(d0, d1) -> (0, 0)>
#map1 = affine_map<(d0, d1) -> (0, 0, 0)>
module attributes {stable_mosaic.version = 14 : i64} {
  func.func @_spmm(%arg0: i32, %arg1: i32, %arg2: memref<10008x64xf32, #tpu.memory_space<hbm>>, %arg3: memref<32x125x80xi32, #tpu.memory_space<hbm>>, %arg4: memref<32x125x80xi32, #tpu.memory_space<hbm>>, %arg5: memref<632x64xf32, #tpu.memory_space<hbm>>, %arg6: memref<2x10112x64xf32, #tpu.memory_space<hbm>>, %arg7: memref<125x80xi32, #tpu.memory_space<vmem>>, %arg8: memref<125x80xi32, #tpu.memory_space<vmem>>, %arg9: memref<80x64xf32, #tpu.memory_space<vmem>>, %arg10: memref<80x64xf32, #tpu.memory_space<vmem>>, %arg11: memref<10112x64xf32, #tpu.memory_space<vmem_shared>>, %arg12: memref<!tpu.dma_semaphore, #tpu.memory_space<semaphore_mem>>, %arg13: memref<!tpu.dma_semaphore, #tpu.memory_space<semaphore_mem>>) attributes {dimension_semantics = [#tpu.dimension_semantics<core_parallel>, #tpu.dimension_semantics<subcore_parallel>], iteration_bounds = array<i64: 2, 16>, scalar_prefetch = 0 : i64, scratch_operands = 7 : i64, tpu.core_type = #tpu.core_type<sc_vector_subcore>, window_params = [{transform_indices = #map}, {transform_indices = #map1}, {transform_indices = #map1}, {transform_indices = #map}, {transform_indices = #map1}]} {
    %mul3A = arith.constant 2 : i32
    %mul3A_0 = arith.muli %arg1, %mul3A : i32
    %add3A = arith.addi %mul3A_0, %arg0 : i32
    "tpu.region"() ({
      %run_scoped3A_25 = tpu.sem_alloc : memref<!tpu.dma_semaphore, #tpu.memory_space<semaphore_mem>>
      %dma_start3A_26 = arith.constant 0 : i32
      %dma_start3A_27 = arith.constant 0 : i32
      %dma_start3A_28 = tpu.memref_slice %arg3[%add3A, %dma_start3A_26, %dma_start3A_27] : memref<32x125x80xi32, #tpu.memory_space<hbm>> -> memref<1x125x80xi32, #tpu.memory_space<hbm>>
      %dma_start3A_29 = tpu.memref_squeeze %dma_start3A_28 : memref<1x125x80xi32, #tpu.memory_space<hbm>> -> memref<125x80xi32, #tpu.memory_space<hbm>>
      %dma_start3A_30 = arith.constant 0 : i32
      %dma_start3A_31 = arith.constant 0 : i32
      %dma_start3A_32 = tpu.memref_slice %arg3[%add3A, %dma_start3A_30, %dma_start3A_31] : memref<32x125x80xi32, #tpu.memory_space<hbm>> -> memref<1x125x80xi32, #tpu.memory_space<hbm>>
      %dma_start3A_33 = tpu.memref_squeeze %dma_start3A_32 : memref<1x125x80xi32, #tpu.memory_space<hbm>> -> memref<125x80xi32, #tpu.memory_space<hbm>>
      tpu.enqueue_dma source(%dma_start3A_33 : memref<125x80xi32, #tpu.memory_space<hbm>>) target(%arg7 : memref<125x80xi32, #tpu.memory_space<vmem>>) target_semaphore(%run_scoped3A_25 : memref<!tpu.dma_semaphore, #tpu.memory_space<semaphore_mem>>)
      %dma_wait3A_34 = arith.constant 0 : i32
      %dma_wait3A_35 = arith.constant 0 : i32
      %dma_wait3A_36 = tpu.memref_slice %arg3[%add3A, %dma_wait3A_34, %dma_wait3A_35] : memref<32x125x80xi32, #tpu.memory_space<hbm>> -> memref<1x125x80xi32, #tpu.memory_space<hbm>>
      %dma_wait3A_37 = tpu.memref_squeeze %dma_wait3A_36 : memref<1x125x80xi32, #tpu.memory_space<hbm>> -> memref<125x80xi32, #tpu.memory_space<hbm>>
      %dma_wait3A_38 = arith.constant 0 : i32
      %dma_wait3A_39 = arith.constant 0 : i32
      %dma_wait3A_40 = tpu.memref_slice %arg3[%add3A, %dma_wait3A_38, %dma_wait3A_39] : memref<32x125x80xi32, #tpu.memory_space<hbm>> -> memref<1x125x80xi32, #tpu.memory_space<hbm>>
      %dma_wait3A_41 = tpu.memref_squeeze %dma_wait3A_40 : memref<1x125x80xi32, #tpu.memory_space<hbm>> -> memref<125x80xi32, #tpu.memory_space<hbm>>
      tpu.wait_dma2 semaphore(%run_scoped3A_25 : memref<!tpu.dma_semaphore, #tpu.memory_space<semaphore_mem>>) src(%dma_wait3A_41 : memref<125x80xi32, #tpu.memory_space<hbm>>) dst(%arg7 : memref<125x80xi32, #tpu.memory_space<vmem>>)
      tpu.yield
    }) : () -> ()
    "tpu.region"() ({
      %run_scoped3A_25 = tpu.sem_alloc : memref<!tpu.dma_semaphore, #tpu.memory_space<semaphore_mem>>
      %dma_start3A_26 = arith.constant 0 : i32
      %dma_start3A_27 = arith.constant 0 : i32
      %dma_start3A_28 = tpu.memref_slice %arg4[%add3A, %dma_start3A_26, %dma_start3A_27] : memref<32x125x80xi32, #tpu.memory_space<hbm>> -> memref<1x125x80xi32, #tpu.memory_space<hbm>>
      %dma_start3A_29 = tpu.memref_squeeze %dma_start3A_28 : memref<1x125x80xi32, #tpu.memory_space<hbm>> -> memref<125x80xi32, #tpu.memory_space<hbm>>
      %dma_start3A_30 = arith.constant 0 : i32
      %dma_start3A_31 = arith.constant 0 : i32
      %dma_start3A_32 = tpu.memref_slice %arg4[%add3A, %dma_start3A_30, %dma_start3A_31] : memref<32x125x80xi32, #tpu.memory_space<hbm>> -> memref<1x125x80xi32, #tpu.memory_space<hbm>>
      %dma_start3A_33 = tpu.memref_squeeze %dma_start3A_32 : memref<1x125x80xi32, #tpu.memory_space<hbm>> -> memref<125x80xi32, #tpu.memory_space<hbm>>
      tpu.enqueue_dma source(%dma_start3A_33 : memref<125x80xi32, #tpu.memory_space<hbm>>) target(%arg8 : memref<125x80xi32, #tpu.memory_space<vmem>>) target_semaphore(%run_scoped3A_25 : memref<!tpu.dma_semaphore, #tpu.memory_space<semaphore_mem>>)
      %dma_wait3A_34 = arith.constant 0 : i32
      %dma_wait3A_35 = arith.constant 0 : i32
      %dma_wait3A_36 = tpu.memref_slice %arg4[%add3A, %dma_wait3A_34, %dma_wait3A_35] : memref<32x125x80xi32, #tpu.memory_space<hbm>> -> memref<1x125x80xi32, #tpu.memory_space<hbm>>
      %dma_wait3A_37 = tpu.memref_squeeze %dma_wait3A_36 : memref<1x125x80xi32, #tpu.memory_space<hbm>> -> memref<125x80xi32, #tpu.memory_space<hbm>>
      %dma_wait3A_38 = arith.constant 0 : i32
      %dma_wait3A_39 = arith.constant 0 : i32
      %dma_wait3A_40 = tpu.memref_slice %arg4[%add3A, %dma_wait3A_38, %dma_wait3A_39] : memref<32x125x80xi32, #tpu.memory_space<hbm>> -> memref<1x125x80xi32, #tpu.memory_space<hbm>>
      %dma_wait3A_41 = tpu.memref_squeeze %dma_wait3A_40 : memref<1x125x80xi32, #tpu.memory_space<hbm>> -> memref<125x80xi32, #tpu.memory_space<hbm>>
      tpu.wait_dma2 semaphore(%run_scoped3A_25 : memref<!tpu.dma_semaphore, #tpu.memory_space<semaphore_mem>>) src(%dma_wait3A_41 : memref<125x80xi32, #tpu.memory_space<hbm>>) dst(%arg8 : memref<125x80xi32, #tpu.memory_space<vmem>>)
      tpu.yield
    }) : () -> ()
    %mul3A_1 = arith.constant 632 : i32
    %mul3A_2 = arith.muli %arg1, %mul3A_1 : i32
    "tpu.region"() ({
      %run_scoped3A_25 = tpu.sem_alloc : memref<!tpu.dma_semaphore, #tpu.memory_space<semaphore_mem>>
      %dma_start3A_26 = arith.constant 0 : i32
      %dma_start3A_27 = tpu.memref_slice %arg11[%mul3A_2, %dma_start3A_26] : memref<10112x64xf32, #tpu.memory_space<vmem_shared>> -> memref<632x64xf32, #tpu.memory_space<vmem_shared>>
      tpu.enqueue_dma source(%arg5 : memref<632x64xf32, #tpu.memory_space<hbm>>) target(%dma_start3A_27 : memref<632x64xf32, #tpu.memory_space<vmem_shared>>) target_semaphore(%run_scoped3A_25 : memref<!tpu.dma_semaphore, #tpu.memory_space<semaphore_mem>>)
      %dma_wait3A_28 = arith.constant 0 : i32
      %dma_wait3A_29 = tpu.memref_slice %arg11[%mul3A_2, %dma_wait3A_28] : memref<10112x64xf32, #tpu.memory_space<vmem_shared>> -> memref<632x64xf32, #tpu.memory_space<vmem_shared>>
      tpu.wait_dma2 semaphore(%run_scoped3A_25 : memref<!tpu.dma_semaphore, #tpu.memory_space<semaphore_mem>>) src(%arg5 : memref<632x64xf32, #tpu.memory_space<hbm>>) dst(%dma_wait3A_29 : memref<632x64xf32, #tpu.memory_space<vmem_shared>>)
      tpu.yield
    }) : () -> ()
    %barrier3A = arith.constant 0 : index
    tpu.barrier barrier_id(%barrier3A)
    %dma_start3A = arith.constant 0 : i32
    %dma_start3A_3 = arith.constant 0 : i32
    %dma_start3A_4 = tpu.memref_slice %arg7[%dma_start3A, %dma_start3A_3] : memref<125x80xi32, #tpu.memory_space<vmem>> -> memref<1x80xi32, #tpu.memory_space<vmem>>
    %dma_start3A_5 = tpu.memref_squeeze %dma_start3A_4 : memref<1x80xi32, #tpu.memory_space<vmem>> -> memref<80xi32, #tpu.memory_space<vmem>>
    %dma_start3A_6 = arith.constant 0 : i32
    %dma_start3A_7 = arith.constant 0 : i32
    %dma_start3A_8 = tpu.memref_slice %arg2[%dma_start3A_6, %dma_start3A_7] : memref<10008x64xf32, #tpu.memory_space<hbm>> -> memref<10008x64xf32, #tpu.memory_space<hbm>>
    tpu.enqueue_indirect_dma source(%dma_start3A_8 : memref<10008x64xf32, #tpu.memory_space<hbm>>) target(%arg9 : memref<80x64xf32, #tpu.memory_space<vmem>>) offsets(%dma_start3A_5 : memref<80xi32, #tpu.memory_space<vmem>>) semaphore(%arg12 : memref<!tpu.dma_semaphore, #tpu.memory_space<semaphore_mem>>)
    %scan3A = arith.constant 0 : i32
    %scan3A_9 = arith.constant 0 : i32
    %scan3A_10 = arith.constant 62 : i32
    %scan3A_11 = arith.addi %scan3A_9, %scan3A_10 : i32
    %scan3A_12 = arith.constant 1 : i32
    scf.for %scan3A_25 = %scan3A_9 to %scan3A_11 step %scan3A_12  : i32 {
      %mul3A_26 = arith.constant 2 : i32
      %mul3A_27 = arith.muli %mul3A_26, %scan3A_25 : i32
      %add3A_28 = arith.constant 1 : i32
      %add3A_29 = arith.addi %mul3A_27, %add3A_28 : i32
      %dma_start3A_30 = arith.constant 0 : i32
      %dma_start3A_31 = tpu.memref_slice %arg7[%add3A_29, %dma_start3A_30] : memref<125x80xi32, #tpu.memory_space<vmem>> -> memref<1x80xi32, #tpu.memory_space<vmem>>
      %dma_start3A_32 = tpu.memref_squeeze %dma_start3A_31 : memref<1x80xi32, #tpu.memory_space<vmem>> -> memref<80xi32, #tpu.memory_space<vmem>>
      %dma_start3A_33 = arith.constant 0 : i32
      %dma_start3A_34 = arith.constant 0 : i32
      %dma_start3A_35 = tpu.memref_slice %arg2[%dma_start3A_33, %dma_start3A_34] : memref<10008x64xf32, #tpu.memory_space<hbm>> -> memref<10008x64xf32, #tpu.memory_space<hbm>>
      tpu.enqueue_indirect_dma source(%dma_start3A_35 : memref<10008x64xf32, #tpu.memory_space<hbm>>) target(%arg10 : memref<80x64xf32, #tpu.memory_space<vmem>>) offsets(%dma_start3A_32 : memref<80xi32, #tpu.memory_space<vmem>>) semaphore(%arg13 : memref<!tpu.dma_semaphore, #tpu.memory_space<semaphore_mem>>)
      %dma_wait3A_36 = arith.constant 0 : i32
      %dma_wait3A_37 = tpu.memref_slice %arg7[%mul3A_27, %dma_wait3A_36] : memref<125x80xi32, #tpu.memory_space<vmem>> -> memref<1x80xi32, #tpu.memory_space<vmem>>
      %dma_wait3A_38 = tpu.memref_squeeze %dma_wait3A_37 : memref<1x80xi32, #tpu.memory_space<vmem>> -> memref<80xi32, #tpu.memory_space<vmem>>
      %dma_wait3A_39 = arith.constant 0 : i32
      %dma_wait3A_40 = arith.constant 0 : i32
      %dma_wait3A_41 = tpu.memref_slice %arg2[%dma_wait3A_39, %dma_wait3A_40] : memref<10008x64xf32, #tpu.memory_space<hbm>> -> memref<10008x64xf32, #tpu.memory_space<hbm>>
      tpu.wait_indirect_dma semaphore(%arg12 : memref<!tpu.dma_semaphore, #tpu.memory_space<semaphore_mem>>) src(%dma_wait3A_41 : memref<10008x64xf32, #tpu.memory_space<hbm>>) dst(%arg9 : memref<80x64xf32, #tpu.memory_space<vmem>>)
      "tpu.region"() ({
        %run_scoped3A_52 = tpu.sem_alloc : memref<!tpu.dma_semaphore, #tpu.memory_space<semaphore_mem>>
        %dma_start3A_53 = arith.constant 0 : i32
        %dma_start3A_54 = tpu.memref_slice %arg8[%mul3A_27, %dma_start3A_53] : memref<125x80xi32, #tpu.memory_space<vmem>> -> memref<1x80xi32, #tpu.memory_space<vmem>>
        %dma_start3A_55 = tpu.memref_squeeze %dma_start3A_54 : memref<1x80xi32, #tpu.memory_space<vmem>> -> memref<80xi32, #tpu.memory_space<vmem>>
        %dma_start3A_56 = arith.constant 0 : i32
        %dma_start3A_57 = arith.constant 0 : i32
        %dma_start3A_58 = tpu.memref_slice %arg11[%dma_start3A_56, %dma_start3A_57] : memref<10112x64xf32, #tpu.memory_space<vmem_shared>> -> memref<10112x64xf32, #tpu.memory_space<vmem_shared>>
        tpu.enqueue_indirect_dma source(%arg9 : memref<80x64xf32, #tpu.memory_space<vmem>>) target(%dma_start3A_58 : memref<10112x64xf32, #tpu.memory_space<vmem_shared>>) offsets(%dma_start3A_55 : memref<80xi32, #tpu.memory_space<vmem>>) semaphore(%run_scoped3A_52 : memref<!tpu.dma_semaphore, #tpu.memory_space<semaphore_mem>>) {add = true}
        %dma_wait3A_59 = arith.constant 0 : i32
        %dma_wait3A_60 = tpu.memref_slice %arg8[%mul3A_27, %dma_wait3A_59] : memref<125x80xi32, #tpu.memory_space<vmem>> -> memref<1x80xi32, #tpu.memory_space<vmem>>
        %dma_wait3A_61 = tpu.memref_squeeze %dma_wait3A_60 : memref<1x80xi32, #tpu.memory_space<vmem>> -> memref<80xi32, #tpu.memory_space<vmem>>
        %dma_wait3A_62 = arith.constant 0 : i32
        %dma_wait3A_63 = arith.constant 0 : i32
        %dma_wait3A_64 = tpu.memref_slice %arg11[%dma_wait3A_62, %dma_wait3A_63] : memref<10112x64xf32, #tpu.memory_space<vmem_shared>> -> memref<10112x64xf32, #tpu.memory_space<vmem_shared>>
        tpu.wait_indirect_dma semaphore(%run_scoped3A_52 : memref<!tpu.dma_semaphore, #tpu.memory_space<semaphore_mem>>) src(%arg9 : memref<80x64xf32, #tpu.memory_space<vmem>>) dst(%dma_wait3A_64 : memref<10112x64xf32, #tpu.memory_space<vmem_shared>>)
        tpu.yield
      }) : () -> ()
      %add3A_42 = arith.constant 2 : i32
      %add3A_43 = arith.addi %mul3A_27, %add3A_42 : i32
      %lt3A = arith.constant 125 : i32
      %lt3A_44 = arith.cmpi slt, %add3A_43, %lt3A : i32
      %convert_element_type3A = arith.extui %lt3A_44 : i1 to i32
      %cond3A = arith.constant 0 : i32
      %cond3A_45 = arith.cmpi ne, %convert_element_type3A, %cond3A : i32
      scf.if %cond3A_45 {
        %add3A_52 = arith.constant 2 : i32
        %add3A_53 = arith.addi %mul3A_27, %add3A_52 : i32
        %dma_start3A_54 = arith.constant 0 : i32
        %dma_start3A_55 = tpu.memref_slice %arg7[%add3A_53, %dma_start3A_54] : memref<125x80xi32, #tpu.memory_space<vmem>> -> memref<1x80xi32, #tpu.memory_space<vmem>>
        %dma_start3A_56 = tpu.memref_squeeze %dma_start3A_55 : memref<1x80xi32, #tpu.memory_space<vmem>> -> memref<80xi32, #tpu.memory_space<vmem>>
        %dma_start3A_57 = arith.constant 0 : i32
        %dma_start3A_58 = arith.constant 0 : i32
        %dma_start3A_59 = tpu.memref_slice %arg2[%dma_start3A_57, %dma_start3A_58] : memref<10008x64xf32, #tpu.memory_space<hbm>> -> memref<10008x64xf32, #tpu.memory_space<hbm>>
        tpu.enqueue_indirect_dma source(%dma_start3A_59 : memref<10008x64xf32, #tpu.memory_space<hbm>>) target(%arg9 : memref<80x64xf32, #tpu.memory_space<vmem>>) offsets(%dma_start3A_56 : memref<80xi32, #tpu.memory_space<vmem>>) semaphore(%arg12 : memref<!tpu.dma_semaphore, #tpu.memory_space<semaphore_mem>>)
      } else {
      }
      %dma_wait3A_46 = arith.constant 0 : i32
      %dma_wait3A_47 = tpu.memref_slice %arg7[%add3A_29, %dma_wait3A_46] : memref<125x80xi32, #tpu.memory_space<vmem>> -> memref<1x80xi32, #tpu.memory_space<vmem>>
      %dma_wait3A_48 = tpu.memref_squeeze %dma_wait3A_47 : memref<1x80xi32, #tpu.memory_space<vmem>> -> memref<80xi32, #tpu.memory_space<vmem>>
      %dma_wait3A_49 = arith.constant 0 : i32
      %dma_wait3A_50 = arith.constant 0 : i32
      %dma_wait3A_51 = tpu.memref_slice %arg2[%dma_wait3A_49, %dma_wait3A_50] : memref<10008x64xf32, #tpu.memory_space<hbm>> -> memref<10008x64xf32, #tpu.memory_space<hbm>>
      tpu.wait_indirect_dma semaphore(%arg13 : memref<!tpu.dma_semaphore, #tpu.memory_space<semaphore_mem>>) src(%dma_wait3A_51 : memref<10008x64xf32, #tpu.memory_space<hbm>>) dst(%arg10 : memref<80x64xf32, #tpu.memory_space<vmem>>)
      "tpu.region"() ({
        %run_scoped3A_52 = tpu.sem_alloc : memref<!tpu.dma_semaphore, #tpu.memory_space<semaphore_mem>>
        %dma_start3A_53 = arith.constant 0 : i32
        %dma_start3A_54 = tpu.memref_slice %arg8[%add3A_29, %dma_start3A_53] : memref<125x80xi32, #tpu.memory_space<vmem>> -> memref<1x80xi32, #tpu.memory_space<vmem>>
        %dma_start3A_55 = tpu.memref_squeeze %dma_start3A_54 : memref<1x80xi32, #tpu.memory_space<vmem>> -> memref<80xi32, #tpu.memory_space<vmem>>
        %dma_start3A_56 = arith.constant 0 : i32
        %dma_start3A_57 = arith.constant 0 : i32
        %dma_start3A_58 = tpu.memref_slice %arg11[%dma_start3A_56, %dma_start3A_57] : memref<10112x64xf32, #tpu.memory_space<vmem_shared>> -> memref<10112x64xf32, #tpu.memory_space<vmem_shared>>
        tpu.enqueue_indirect_dma source(%arg10 : memref<80x64xf32, #tpu.memory_space<vmem>>) target(%dma_start3A_58 : memref<10112x64xf32, #tpu.memory_space<vmem_shared>>) offsets(%dma_start3A_55 : memref<80xi32, #tpu.memory_space<vmem>>) semaphore(%run_scoped3A_52 : memref<!tpu.dma_semaphore, #tpu.memory_space<semaphore_mem>>) {add = true}
        %dma_wait3A_59 = arith.constant 0 : i32
        %dma_wait3A_60 = tpu.memref_slice %arg8[%add3A_29, %dma_wait3A_59] : memref<125x80xi32, #tpu.memory_space<vmem>> -> memref<1x80xi32, #tpu.memory_space<vmem>>
        %dma_wait3A_61 = tpu.memref_squeeze %dma_wait3A_60 : memref<1x80xi32, #tpu.memory_space<vmem>> -> memref<80xi32, #tpu.memory_space<vmem>>
        %dma_wait3A_62 = arith.constant 0 : i32
        %dma_wait3A_63 = arith.constant 0 : i32
        %dma_wait3A_64 = tpu.memref_slice %arg11[%dma_wait3A_62, %dma_wait3A_63] : memref<10112x64xf32, #tpu.memory_space<vmem_shared>> -> memref<10112x64xf32, #tpu.memory_space<vmem_shared>>
        tpu.wait_indirect_dma semaphore(%run_scoped3A_52 : memref<!tpu.dma_semaphore, #tpu.memory_space<semaphore_mem>>) src(%arg10 : memref<80x64xf32, #tpu.memory_space<vmem>>) dst(%dma_wait3A_64 : memref<10112x64xf32, #tpu.memory_space<vmem_shared>>)
        tpu.yield
      }) : () -> ()
    }
    %scan3A_13 = arith.constant 62 : i32
    %dma_wait3A = arith.constant 124 : i32
    %dma_wait3A_14 = arith.constant 0 : i32
    %dma_wait3A_15 = tpu.memref_slice %arg7[%dma_wait3A, %dma_wait3A_14] : memref<125x80xi32, #tpu.memory_space<vmem>> -> memref<1x80xi32, #tpu.memory_space<vmem>>
    %dma_wait3A_16 = tpu.memref_squeeze %dma_wait3A_15 : memref<1x80xi32, #tpu.memory_space<vmem>> -> memref<80xi32, #tpu.memory_space<vmem>>
    %dma_wait3A_17 = arith.constant 0 : i32
    %dma_wait3A_18 = arith.constant 0 : i32
    %dma_wait3A_19 = tpu.memref_slice %arg2[%dma_wait3A_17, %dma_wait3A_18] : memref<10008x64xf32, #tpu.memory_space<hbm>> -> memref<10008x64xf32, #tpu.memory_space<hbm>>
    tpu.wait_indirect_dma semaphore(%arg12 : memref<!tpu.dma_semaphore, #tpu.memory_space<semaphore_mem>>) src(%dma_wait3A_19 : memref<10008x64xf32, #tpu.memory_space<hbm>>) dst(%arg9 : memref<80x64xf32, #tpu.memory_space<vmem>>)
    %run_scoped3A = arith.constant 124 : i32
    "tpu.region"() ({
      %run_scoped3A_25 = tpu.sem_alloc : memref<!tpu.dma_semaphore, #tpu.memory_space<semaphore_mem>>
      %dma_start3A_26 = arith.constant 0 : i32
      %dma_start3A_27 = tpu.memref_slice %arg8[%run_scoped3A, %dma_start3A_26] : memref<125x80xi32, #tpu.memory_space<vmem>> -> memref<1x80xi32, #tpu.memory_space<vmem>>
      %dma_start3A_28 = tpu.memref_squeeze %dma_start3A_27 : memref<1x80xi32, #tpu.memory_space<vmem>> -> memref<80xi32, #tpu.memory_space<vmem>>
      %dma_start3A_29 = arith.constant 0 : i32
      %dma_start3A_30 = arith.constant 0 : i32
      %dma_start3A_31 = tpu.memref_slice %arg11[%dma_start3A_29, %dma_start3A_30] : memref<10112x64xf32, #tpu.memory_space<vmem_shared>> -> memref<10112x64xf32, #tpu.memory_space<vmem_shared>>
      tpu.enqueue_indirect_dma source(%arg9 : memref<80x64xf32, #tpu.memory_space<vmem>>) target(%dma_start3A_31 : memref<10112x64xf32, #tpu.memory_space<vmem_shared>>) offsets(%dma_start3A_28 : memref<80xi32, #tpu.memory_space<vmem>>) semaphore(%run_scoped3A_25 : memref<!tpu.dma_semaphore, #tpu.memory_space<semaphore_mem>>) {add = true}
      %dma_wait3A_32 = arith.constant 0 : i32
      %dma_wait3A_33 = tpu.memref_slice %arg8[%run_scoped3A, %dma_wait3A_32] : memref<125x80xi32, #tpu.memory_space<vmem>> -> memref<1x80xi32, #tpu.memory_space<vmem>>
      %dma_wait3A_34 = tpu.memref_squeeze %dma_wait3A_33 : memref<1x80xi32, #tpu.memory_space<vmem>> -> memref<80xi32, #tpu.memory_space<vmem>>
      %dma_wait3A_35 = arith.constant 0 : i32
      %dma_wait3A_36 = arith.constant 0 : i32
      %dma_wait3A_37 = tpu.memref_slice %arg11[%dma_wait3A_35, %dma_wait3A_36] : memref<10112x64xf32, #tpu.memory_space<vmem_shared>> -> memref<10112x64xf32, #tpu.memory_space<vmem_shared>>
      tpu.wait_indirect_dma semaphore(%run_scoped3A_25 : memref<!tpu.dma_semaphore, #tpu.memory_space<semaphore_mem>>) src(%arg9 : memref<80x64xf32, #tpu.memory_space<vmem>>) dst(%dma_wait3A_37 : memref<10112x64xf32, #tpu.memory_space<vmem_shared>>)
      tpu.yield
    }) : () -> ()
    %barrier3A_20 = arith.constant 0 : index
    tpu.barrier barrier_id(%barrier3A_20)
    %mul3A_21 = arith.constant 632 : i32
    %mul3A_22 = arith.muli %arg1, %mul3A_21 : i32
    %mul3A_23 = arith.constant 632 : i32
    %mul3A_24 = arith.muli %arg1, %mul3A_23 : i32
    "tpu.region"() ({
      %run_scoped3A_25 = tpu.sem_alloc : memref<!tpu.dma_semaphore, #tpu.memory_space<semaphore_mem>>
      %dma_start3A_26 = arith.constant 0 : i32
      %dma_start3A_27 = tpu.memref_slice %arg6[%arg0, %mul3A_24, %dma_start3A_26] : memref<2x10112x64xf32, #tpu.memory_space<hbm>> -> memref<1x632x64xf32, #tpu.memory_space<hbm>>
      %dma_start3A_28 = tpu.memref_squeeze %dma_start3A_27 : memref<1x632x64xf32, #tpu.memory_space<hbm>> -> memref<632x64xf32, #tpu.memory_space<hbm>>
      %dma_start3A_29 = arith.constant 0 : i32
      %dma_start3A_30 = tpu.memref_slice %arg11[%mul3A_22, %dma_start3A_29] : memref<10112x64xf32, #tpu.memory_space<vmem_shared>> -> memref<632x64xf32, #tpu.memory_space<vmem_shared>>
      tpu.enqueue_dma source(%dma_start3A_30 : memref<632x64xf32, #tpu.memory_space<vmem_shared>>) target(%dma_start3A_28 : memref<632x64xf32, #tpu.memory_space<hbm>>) target_semaphore(%run_scoped3A_25 : memref<!tpu.dma_semaphore, #tpu.memory_space<semaphore_mem>>)
      %dma_wait3A_31 = arith.constant 0 : i32
      %dma_wait3A_32 = tpu.memref_slice %arg6[%arg0, %mul3A_24, %dma_wait3A_31] : memref<2x10112x64xf32, #tpu.memory_space<hbm>> -> memref<1x632x64xf32, #tpu.memory_space<hbm>>
      %dma_wait3A_33 = tpu.memref_squeeze %dma_wait3A_32 : memref<1x632x64xf32, #tpu.memory_space<hbm>> -> memref<632x64xf32, #tpu.memory_space<hbm>>
      %dma_wait3A_34 = arith.constant 0 : i32
      %dma_wait3A_35 = tpu.memref_slice %arg11[%mul3A_22, %dma_wait3A_34] : memref<10112x64xf32, #tpu.memory_space<vmem_shared>> -> memref<632x64xf32, #tpu.memory_space<vmem_shared>>
      tpu.wait_dma2 semaphore(%run_scoped3A_25 : memref<!tpu.dma_semaphore, #tpu.memory_space<semaphore_mem>>) src(%dma_wait3A_35 : memref<632x64xf32, #tpu.memory_space<vmem_shared>>) dst(%dma_wait3A_33 : memref<632x64xf32, #tpu.memory_space<hbm>>)
      tpu.yield
    }) : () -> ()
    return
  }
}

#map = affine_map<(d0, d1) -> (0, 0)>
#map1 = affine_map<(d0, d1) -> (0, 0, 0)>
module attributes {stable_mosaic.version = 14 : i64} {
  func.func @_spmm(%arg0: i32, %arg1: i32, %arg2: memref<10008x64xf32, #tpu.memory_space<hbm>>, %arg3: memref<32x125x80xi32, #tpu.memory_space<hbm>>, %arg4: memref<32x125x80xi32, #tpu.memory_space<hbm>>, %arg5: memref<632x64xf32, #tpu.memory_space<hbm>>, %arg6: memref<2x10112x64xf32, #tpu.memory_space<hbm>>, %arg7: memref<125x80xi32, #tpu.memory_space<vmem>>, %arg8: memref<125x80xi32, #tpu.memory_space<vmem>>, %arg9: memref<80x64xf32, #tpu.memory_space<vmem>>, %arg10: memref<80x64xf32, #tpu.memory_space<vmem>>, %arg11: memref<10112x64xf32, #tpu.memory_space<vmem_shared>>, %arg12: memref<!tpu.dma_semaphore, #tpu.memory_space<semaphore_mem>>, %arg13: memref<!tpu.dma_semaphore, #tpu.memory_space<semaphore_mem>>) attributes {dimension_semantics = [#tpu.dimension_semantics<core_parallel>, #tpu.dimension_semantics<subcore_parallel>], iteration_bounds = array<i64: 2, 16>, scalar_prefetch = 0 : i64, scratch_operands = 7 : i64, tpu.core_type = #tpu.core_type<sc_vector_subcore>, window_params = [{transform_indices = #map}, {transform_indices = #map1}, {transform_indices = #map1}, {transform_indices = #map}, {transform_indices = #map1}]} {
    %mul3A = arith.constant 2 : i32
    %mul3A_0 = arith.muli %arg1, %mul3A : i32
    %add3A = arith.addi %mul3A_0, %arg0 : i32
    "tpu.region"() ({
      %run_scoped3A_25 = tpu.sem_alloc : memref<!tpu.dma_semaphore, #tpu.memory_space<semaphore_mem>>
      %dma_start3A_26 = arith.constant 0 : i32
      %dma_start3A_27 = arith.constant 0 : i32
      %dma_start3A_28 = tpu.memref_slice %arg3[%add3A, %dma_start3A_26, %dma_start3A_27] : memref<32x125x80xi32, #tpu.memory_space<hbm>> -> memref<1x125x80xi32, #tpu.memory_space<hbm>>
      %dma_start3A_29 = tpu.memref_squeeze %dma_start3A_28 : memref<1x125x80xi32, #tpu.memory_space<hbm>> -> memref<125x80xi32, #tpu.memory_space<hbm>>
      %dma_start3A_30 = arith.constant 0 : i32
      %dma_start3A_31 = arith.constant 0 : i32
      %dma_start3A_32 = tpu.memref_slice %arg3[%add3A, %dma_start3A_30, %dma_start3A_31] : memref<32x125x80xi32, #tpu.memory_space<hbm>> -> memref<1x125x80xi32, #tpu.memory_space<hbm>>
      %dma_start3A_33 = tpu.memref_squeeze %dma_start3A_32 : memref<1x125x80xi32, #tpu.memory_space<hbm>> -> memref<125x80xi32, #tpu.memory_space<hbm>>
      tpu.enqueue_dma source(%dma_start3A_33 : memref<125x80xi32, #tpu.memory_space<hbm>>) target(%arg7 : memref<125x80xi32, #tpu.memory_space<vmem>>) target_semaphore(%run_scoped3A_25 : memref<!tpu.dma_semaphore, #tpu.memory_space<semaphore_mem>>)
      %dma_wait3A_34 = arith.constant 0 : i32
      %dma_wait3A_35 = arith.constant 0 : i32
      %dma_wait3A_36 = tpu.memref_slice %arg3[%add3A, %dma_wait3A_34, %dma_wait3A_35] : memref<32x125x80xi32, #tpu.memory_space<hbm>> -> memref<1x125x80xi32, #tpu.memory_space<hbm>>
      %dma_wait3A_37 = tpu.memref_squeeze %dma_wait3A_36 : memref<1x125x80xi32, #tpu.memory_space<hbm>> -> memref<125x80xi32, #tpu.memory_space<hbm>>
      %dma_wait3A_38 = arith.constant 0 : i32
      %dma_wait3A_39 = arith.constant 0 : i32
      %dma_wait3A_40 = tpu.memref_slice %arg3[%add3A, %dma_wait3A_38, %dma_wait3A_39] : memref<32x125x80xi32, #tpu.memory_space<hbm>> -> memref<1x125x80xi32, #tpu.memory_space<hbm>>
      %dma_wait3A_41 = tpu.memref_squeeze %dma_wait3A_40 : memref<1x125x80xi32, #tpu.memory_space<hbm>> -> memref<125x80xi32, #tpu.memory_space<hbm>>
      tpu.wait_dma2 semaphore(%run_scoped3A_25 : memref<!tpu.dma_semaphore, #tpu.memory_space<semaphore_mem>>) src(%dma_wait3A_41 : memref<125x80xi32, #tpu.memory_space<hbm>>) dst(%arg7 : memref<125x80xi32, #tpu.memory_space<vmem>>)
      tpu.yield
    }) : () -> ()
    "tpu.region"() ({
      %run_scoped3A_25 = tpu.sem_alloc : memref<!tpu.dma_semaphore, #tpu.memory_space<semaphore_mem>>
      %dma_start3A_26 = arith.constant 0 : i32
      %dma_start3A_27 = arith.constant 0 : i32
      %dma_start3A_28 = tpu.memref_slice %arg4[%add3A, %dma_start3A_26, %dma_start3A_27] : memref<32x125x80xi32, #tpu.memory_space<hbm>> -> memref<1x125x80xi32, #tpu.memory_space<hbm>>
      %dma_start3A_29 = tpu.memref_squeeze %dma_start3A_28 : memref<1x125x80xi32, #tpu.memory_space<hbm>> -> memref<125x80xi32, #tpu.memory_space<hbm>>
      %dma_start3A_30 = arith.constant 0 : i32
      %dma_start3A_31 = arith.constant 0 : i32
      %dma_start3A_32 = tpu.memref_slice %arg4[%add3A, %dma_start3A_30, %dma_start3A_31] : memref<32x125x80xi32, #tpu.memory_space<hbm>> -> memref<1x125x80xi32, #tpu.memory_space<hbm>>
      %dma_start3A_33 = tpu.memref_squeeze %dma_start3A_32 : memref<1x125x80xi32, #tpu.memory_space<hbm>> -> memref<125x80xi32, #tpu.memory_space<hbm>>
      tpu.enqueue_dma source(%dma_start3A_33 : memref<125x80xi32, #tpu.memory_space<hbm>>) target(%arg8 : memref<125x80xi32, #tpu.memory_space<vmem>>) target_semaphore(%run_scoped3A_25 : memref<!tpu.dma_semaphore, #tpu.memory_space<semaphore_mem>>)
      %dma_wait3A_34 = arith.constant 0 : i32
      %dma_wait3A_35 = arith.constant 0 : i32
      %dma_wait3A_36 = tpu.memref_slice %arg4[%add3A, %dma_wait3A_34, %dma_wait3A_35] : memref<32x125x80xi32, #tpu.memory_space<hbm>> -> memref<1x125x80xi32, #tpu.memory_space<hbm>>
      %dma_wait3A_37 = tpu.memref_squeeze %dma_wait3A_36 : memref<1x125x80xi32, #tpu.memory_space<hbm>> -> memref<125x80xi32, #tpu.memory_space<hbm>>
      %dma_wait3A_38 = arith.constant 0 : i32
      %dma_wait3A_39 = arith.constant 0 : i32
      %dma_wait3A_40 = tpu.memref_slice %arg4[%add3A, %dma_wait3A_38, %dma_wait3A_39] : memref<32x125x80xi32, #tpu.memory_space<hbm>> -> memref<1x125x80xi32, #tpu.memory_space<hbm>>
      %dma_wait3A_41 = tpu.memref_squeeze %dma_wait3A_40 : memref<1x125x80xi32, #tpu.memory_space<hbm>> -> memref<125x80xi32, #tpu.memory_space<hbm>>
      tpu.wait_dma2 semaphore(%run_scoped3A_25 : memref<!tpu.dma_semaphore, #tpu.memory_space<semaphore_mem>>) src(%dma_wait3A_41 : memref<125x80xi32, #tpu.memory_space<hbm>>) dst(%arg8 : memref<125x80xi32, #tpu.memory_space<vmem>>)
      tpu.yield
    }) : () -> ()
    %mul3A_1 = arith.constant 632 : i32
    %mul3A_2 = arith.muli %arg1, %mul3A_1 : i32
    "tpu.region"() ({
      %run_scoped3A_25 = tpu.sem_alloc : memref<!tpu.dma_semaphore, #tpu.memory_space<semaphore_mem>>
      %dma_start3A_26 = arith.constant 0 : i32
      %dma_start3A_27 = tpu.memref_slice %arg11[%mul3A_2, %dma_start3A_26] : memref<10112x64xf32, #tpu.memory_space<vmem_shared>> -> memref<632x64xf32, #tpu.memory_space<vmem_shared>>
      tpu.enqueue_dma source(%arg5 : memref<632x64xf32, #tpu.memory_space<hbm>>) target(%dma_start3A_27 : memref<632x64xf32, #tpu.memory_space<vmem_shared>>) target_semaphore(%run_scoped3A_25 : memref<!tpu.dma_semaphore, #tpu.memory_space<semaphore_mem>>)
      %dma_wait3A_28 = arith.constant 0 : i32
      %dma_wait3A_29 = tpu.memref_slice %arg11[%mul3A_2, %dma_wait3A_28] : memref<10112x64xf32, #tpu.memory_space<vmem_shared>> -> memref<632x64xf32, #tpu.memory_space<vmem_shared>>
      tpu.wait_dma2 semaphore(%run_scoped3A_25 : memref<!tpu.dma_semaphore, #tpu.memory_space<semaphore_mem>>) src(%arg5 : memref<632x64xf32, #tpu.memory_space<hbm>>) dst(%dma_wait3A_29 : memref<632x64xf32, #tpu.memory_space<vmem_shared>>)
      tpu.yield
    }) : () -> ()
    %barrier3A = arith.constant 0 : index
    tpu.barrier barrier_id(%barrier3A)
    %dma_start3A = arith.constant 0 : i32
    %dma_start3A_3 = arith.constant 0 : i32
    %dma_start3A_4 = tpu.memref_slice %arg7[%dma_start3A, %dma_start3A_3] : memref<125x80xi32, #tpu.memory_space<vmem>> -> memref<1x80xi32, #tpu.memory_space<vmem>>
    %dma_start3A_5 = tpu.memref_squeeze %dma_start3A_4 : memref<1x80xi32, #tpu.memory_space<vmem>> -> memref<80xi32, #tpu.memory_space<vmem>>
    %dma_start3A_6 = arith.constant 0 : i32
    %dma_start3A_7 = arith.constant 0 : i32
    %dma_start3A_8 = tpu.memref_slice %arg2[%dma_start3A_6, %dma_start3A_7] : memref<10008x64xf32, #tpu.memory_space<hbm>> -> memref<10008x64xf32, #tpu.memory_space<hbm>>
    tpu.enqueue_indirect_dma source(%dma_start3A_8 : memref<10008x64xf32, #tpu.memory_space<hbm>>) target(%arg9 : memref<80x64xf32, #tpu.memory_space<vmem>>) offsets(%dma_start3A_5 : memref<80xi32, #tpu.memory_space<vmem>>) semaphore(%arg12 : memref<!tpu.dma_semaphore, #tpu.memory_space<semaphore_mem>>)
    %scan3A = arith.constant 0 : i32
    %scan3A_9 = arith.constant 0 : i32
    %scan3A_10 = arith.constant 62 : i32
    %scan3A_11 = arith.addi %scan3A_9, %scan3A_10 : i32
    %scan3A_12 = arith.constant 1 : i32
    scf.for %scan3A_25 = %scan3A_9 to %scan3A_11 step %scan3A_12  : i32 {
      %mul3A_26 = arith.constant 2 : i32
      %mul3A_27 = arith.muli %mul3A_26, %scan3A_25 : i32
      %add3A_28 = arith.constant 1 : i32
      %add3A_29 = arith.addi %mul3A_27, %add3A_28 : i32
      %dma_start3A_30 = arith.constant 0 : i32
      %dma_start3A_31 = tpu.memref_slice %arg7[%add3A_29, %dma_start3A_30] : memref<125x80xi32, #tpu.memory_space<vmem>> -> memref<1x80xi32, #tpu.memory_space<vmem>>
      %dma_start3A_32 = tpu.memref_squeeze %dma_start3A_31 : memref<1x80xi32, #tpu.memory_space<vmem>> -> memref<80xi32, #tpu.memory_space<vmem>>
      %dma_start3A_33 = arith.constant 0 : i32
      %dma_start3A_34 = arith.constant 0 : i32
      %dma_start3A_35 = tpu.memref_slice %arg2[%dma_start3A_33, %dma_start3A_34] : memref<10008x64xf32, #tpu.memory_space<hbm>> -> memref<10008x64xf32, #tpu.memory_space<hbm>>
      tpu.enqueue_indirect_dma source(%dma_start3A_35 : memref<10008x64xf32, #tpu.memory_space<hbm>>) target(%arg10 : memref<80x64xf32, #tpu.memory_space<vmem>>) offsets(%dma_start3A_32 : memref<80xi32, #tpu.memory_space<vmem>>) semaphore(%arg13 : memref<!tpu.dma_semaphore, #tpu.memory_space<semaphore_mem>>)
      %dma_wait3A_36 = arith.constant 0 : i32
      %dma_wait3A_37 = tpu.memref_slice %arg7[%mul3A_27, %dma_wait3A_36] : memref<125x80xi32, #tpu.memory_space<vmem>> -> memref<1x80xi32, #tpu.memory_space<vmem>>
      %dma_wait3A_38 = tpu.memref_squeeze %dma_wait3A_37 : memref<1x80xi32, #tpu.memory_space<vmem>> -> memref<80xi32, #tpu.memory_space<vmem>>
      %dma_wait3A_39 = arith.constant 0 : i32
      %dma_wait3A_40 = arith.constant 0 : i32
      %dma_wait3A_41 = tpu.memref_slice %arg2[%dma_wait3A_39, %dma_wait3A_40] : memref<10008x64xf32, #tpu.memory_space<hbm>> -> memref<10008x64xf32, #tpu.memory_space<hbm>>
      tpu.wait_indirect_dma semaphore(%arg12 : memref<!tpu.dma_semaphore, #tpu.memory_space<semaphore_mem>>) src(%dma_wait3A_41 : memref<10008x64xf32, #tpu.memory_space<hbm>>) dst(%arg9 : memref<80x64xf32, #tpu.memory_space<vmem>>)
      "tpu.region"() ({
        %run_scoped3A_52 = tpu.sem_alloc : memref<!tpu.dma_semaphore, #tpu.memory_space<semaphore_mem>>
        %dma_start3A_53 = arith.constant 0 : i32
        %dma_start3A_54 = tpu.memref_slice %arg8[%mul3A_27, %dma_start3A_53] : memref<125x80xi32, #tpu.memory_space<vmem>> -> memref<1x80xi32, #tpu.memory_space<vmem>>
        %dma_start3A_55 = tpu.memref_squeeze %dma_start3A_54 : memref<1x80xi32, #tpu.memory_space<vmem>> -> memref<80xi32, #tpu.memory_space<vmem>>
        %dma_start3A_56 = arith.constant 0 : i32
        %dma_start3A_57 = arith.constant 0 : i32
        %dma_start3A_58 = tpu.memref_slice %arg11[%dma_start3A_56, %dma_start3A_57] : memref<10112x64xf32, #tpu.memory_space<vmem_shared>> -> memref<10112x64xf32, #tpu.memory_space<vmem_shared>>
        tpu.enqueue_indirect_dma source(%arg9 : memref<80x64xf32, #tpu.memory_space<vmem>>) target(%dma_start3A_58 : memref<10112x64xf32, #tpu.memory_space<vmem_shared>>) offsets(%dma_start3A_55 : memref<80xi32, #tpu.memory_space<vmem>>) semaphore(%run_scoped3A_52 : memref<!tpu.dma_semaphore, #tpu.memory_space<semaphore_mem>>) {add = true}
        %dma_wait3A_59 = arith.constant 0 : i32
        %dma_wait3A_60 = tpu.memref_slice %arg8[%mul3A_27, %dma_wait3A_59] : memref<125x80xi32, #tpu.memory_space<vmem>> -> memref<1x80xi32, #tpu.memory_space<vmem>>
        %dma_wait3A_61 = tpu.memref_squeeze %dma_wait3A_60 : memref<1x80xi32, #tpu.memory_space<vmem>> -> memref<80xi32, #tpu.memory_space<vmem>>
        %dma_wait3A_62 = arith.constant 0 : i32
        %dma_wait3A_63 = arith.constant 0 : i32
        %dma_wait3A_64 = tpu.memref_slice %arg11[%dma_wait3A_62, %dma_wait3A_63] : memref<10112x64xf32, #tpu.memory_space<vmem_shared>> -> memref<10112x64xf32, #tpu.memory_space<vmem_shared>>
        tpu.wait_indirect_dma semaphore(%run_scoped3A_52 : memref<!tpu.dma_semaphore, #tpu.memory_space<semaphore_mem>>) src(%arg9 : memref<80x64xf32, #tpu.memory_space<vmem>>) dst(%dma_wait3A_64 : memref<10112x64xf32, #tpu.memory_space<vmem_shared>>)
        tpu.yield
      }) : () -> ()
      %add3A_42 = arith.constant 2 : i32
      %add3A_43 = arith.addi %mul3A_27, %add3A_42 : i32
      %lt3A = arith.constant 125 : i32
      %lt3A_44 = arith.cmpi slt, %add3A_43, %lt3A : i32
      %convert_element_type3A = arith.extui %lt3A_44 : i1 to i32
      %cond3A = arith.constant 0 : i32
      %cond3A_45 = arith.cmpi ne, %convert_element_type3A, %cond3A : i32
      scf.if %cond3A_45 {
        %add3A_52 = arith.constant 2 : i32
        %add3A_53 = arith.addi %mul3A_27, %add3A_52 : i32
        %dma_start3A_54 = arith.constant 0 : i32
        %dma_start3A_55 = tpu.memref_slice %arg7[%add3A_53, %dma_start3A_54] : memref<125x80xi32, #tpu.memory_space<vmem>> -> memref<1x80xi32, #tpu.memory_space<vmem>>
        %dma_start3A_56 = tpu.memref_squeeze %dma_start3A_55 : memref<1x80xi32, #tpu.memory_space<vmem>> -> memref<80xi32, #tpu.memory_space<vmem>>
        %dma_start3A_57 = arith.constant 0 : i32
        %dma_start3A_58 = arith.constant 0 : i32
        %dma_start3A_59 = tpu.memref_slice %arg2[%dma_start3A_57, %dma_start3A_58] : memref<10008x64xf32, #tpu.memory_space<hbm>> -> memref<10008x64xf32, #tpu.memory_space<hbm>>
        tpu.enqueue_indirect_dma source(%dma_start3A_59 : memref<10008x64xf32, #tpu.memory_space<hbm>>) target(%arg9 : memref<80x64xf32, #tpu.memory_space<vmem>>) offsets(%dma_start3A_56 : memref<80xi32, #tpu.memory_space<vmem>>) semaphore(%arg12 : memref<!tpu.dma_semaphore, #tpu.memory_space<semaphore_mem>>)
      } else {
      }
      %dma_wait3A_46 = arith.constant 0 : i32
      %dma_wait3A_47 = tpu.memref_slice %arg7[%add3A_29, %dma_wait3A_46] : memref<125x80xi32, #tpu.memory_space<vmem>> -> memref<1x80xi32, #tpu.memory_space<vmem>>
      %dma_wait3A_48 = tpu.memref_squeeze %dma_wait3A_47 : memref<1x80xi32, #tpu.memory_space<vmem>> -> memref<80xi32, #tpu.memory_space<vmem>>
      %dma_wait3A_49 = arith.constant 0 : i32
      %dma_wait3A_50 = arith.constant 0 : i32
      %dma_wait3A_51 = tpu.memref_slice %arg2[%dma_wait3A_49, %dma_wait3A_50] : memref<10008x64xf32, #tpu.memory_space<hbm>> -> memref<10008x64xf32, #tpu.memory_space<hbm>>
      tpu.wait_indirect_dma semaphore(%arg13 : memref<!tpu.dma_semaphore, #tpu.memory_space<semaphore_mem>>) src(%dma_wait3A_51 : memref<10008x64xf32, #tpu.memory_space<hbm>>) dst(%arg10 : memref<80x64xf32, #tpu.memory_space<vmem>>)
      "tpu.region"() ({
        %run_scoped3A_52 = tpu.sem_alloc : memref<!tpu.dma_semaphore, #tpu.memory_space<semaphore_mem>>
        %dma_start3A_53 = arith.constant 0 : i32
        %dma_start3A_54 = tpu.memref_slice %arg8[%add3A_29, %dma_start3A_53] : memref<125x80xi32, #tpu.memory_space<vmem>> -> memref<1x80xi32, #tpu.memory_space<vmem>>
        %dma_start3A_55 = tpu.memref_squeeze %dma_start3A_54 : memref<1x80xi32, #tpu.memory_space<vmem>> -> memref<80xi32, #tpu.memory_space<vmem>>
        %dma_start3A_56 = arith.constant 0 : i32
        %dma_start3A_57 = arith.constant 0 : i32
        %dma_start3A_58 = tpu.memref_slice %arg11[%dma_start3A_56, %dma_start3A_57] : memref<10112x64xf32, #tpu.memory_space<vmem_shared>> -> memref<10112x64xf32, #tpu.memory_space<vmem_shared>>
        tpu.enqueue_indirect_dma source(%arg10 : memref<80x64xf32, #tpu.memory_space<vmem>>) target(%dma_start3A_58 : memref<10112x64xf32, #tpu.memory_space<vmem_shared>>) offsets(%dma_start3A_55 : memref<80xi32, #tpu.memory_space<vmem>>) semaphore(%run_scoped3A_52 : memref<!tpu.dma_semaphore, #tpu.memory_space<semaphore_mem>>) {add = true}
        %dma_wait3A_59 = arith.constant 0 : i32
        %dma_wait3A_60 = tpu.memref_slice %arg8[%add3A_29, %dma_wait3A_59] : memref<125x80xi32, #tpu.memory_space<vmem>> -> memref<1x80xi32, #tpu.memory_space<vmem>>
        %dma_wait3A_61 = tpu.memref_squeeze %dma_wait3A_60 : memref<1x80xi32, #tpu.memory_space<vmem>> -> memref<80xi32, #tpu.memory_space<vmem>>
        %dma_wait3A_62 = arith.constant 0 : i32
        %dma_wait3A_63 = arith.constant 0 : i32
        %dma_wait3A_64 = tpu.memref_slice %arg11[%dma_wait3A_62, %dma_wait3A_63] : memref<10112x64xf32, #tpu.memory_space<vmem_shared>> -> memref<10112x64xf32, #tpu.memory_space<vmem_shared>>
        tpu.wait_indirect_dma semaphore(%run_scoped3A_52 : memref<!tpu.dma_semaphore, #tpu.memory_space<semaphore_mem>>) src(%arg10 : memref<80x64xf32, #tpu.memory_space<vmem>>) dst(%dma_wait3A_64 : memref<10112x64xf32, #tpu.memory_space<vmem_shared>>)
        tpu.yield
      }) : () -> ()
    }
    %scan3A_13 = arith.constant 62 : i32
    %dma_wait3A = arith.constant 124 : i32
    %dma_wait3A_14 = arith.constant 0 : i32
    %dma_wait3A_15 = tpu.memref_slice %arg7[%dma_wait3A, %dma_wait3A_14] : memref<125x80xi32, #tpu.memory_space<vmem>> -> memref<1x80xi32, #tpu.memory_space<vmem>>
    %dma_wait3A_16 = tpu.memref_squeeze %dma_wait3A_15 : memref<1x80xi32, #tpu.memory_space<vmem>> -> memref<80xi32, #tpu.memory_space<vmem>>
    %dma_wait3A_17 = arith.constant 0 : i32
    %dma_wait3A_18 = arith.constant 0 : i32
    %dma_wait3A_19 = tpu.memref_slice %arg2[%dma_wait3A_17, %dma_wait3A_18] : memref<10008x64xf32, #tpu.memory_space<hbm>> -> memref<10008x64xf32, #tpu.memory_space<hbm>>
    tpu.wait_indirect_dma semaphore(%arg12 : memref<!tpu.dma_semaphore, #tpu.memory_space<semaphore_mem>>) src(%dma_wait3A_19 : memref<10008x64xf32, #tpu.memory_space<hbm>>) dst(%arg9 : memref<80x64xf32, #tpu.memory_space<vmem>>)
    %run_scoped3A = arith.constant 124 : i32
    "tpu.region"() ({
      %run_scoped3A_25 = tpu.sem_alloc : memref<!tpu.dma_semaphore, #tpu.memory_space<semaphore_mem>>
      %dma_start3A_26 = arith.constant 0 : i32
      %dma_start3A_27 = tpu.memref_slice %arg8[%run_scoped3A, %dma_start3A_26] : memref<125x80xi32, #tpu.memory_space<vmem>> -> memref<1x80xi32, #tpu.memory_space<vmem>>
      %dma_start3A_28 = tpu.memref_squeeze %dma_start3A_27 : memref<1x80xi32, #tpu.memory_space<vmem>> -> memref<80xi32, #tpu.memory_space<vmem>>
      %dma_start3A_29 = arith.constant 0 : i32
      %dma_start3A_30 = arith.constant 0 : i32
      %dma_start3A_31 = tpu.memref_slice %arg11[%dma_start3A_29, %dma_start3A_30] : memref<10112x64xf32, #tpu.memory_space<vmem_shared>> -> memref<10112x64xf32, #tpu.memory_space<vmem_shared>>
      tpu.enqueue_indirect_dma source(%arg9 : memref<80x64xf32, #tpu.memory_space<vmem>>) target(%dma_start3A_31 : memref<10112x64xf32, #tpu.memory_space<vmem_shared>>) offsets(%dma_start3A_28 : memref<80xi32, #tpu.memory_space<vmem>>) semaphore(%run_scoped3A_25 : memref<!tpu.dma_semaphore, #tpu.memory_space<semaphore_mem>>) {add = true}
      %dma_wait3A_32 = arith.constant 0 : i32
      %dma_wait3A_33 = tpu.memref_slice %arg8[%run_scoped3A, %dma_wait3A_32] : memref<125x80xi32, #tpu.memory_space<vmem>> -> memref<1x80xi32, #tpu.memory_space<vmem>>
      %dma_wait3A_34 = tpu.memref_squeeze %dma_wait3A_33 : memref<1x80xi32, #tpu.memory_space<vmem>> -> memref<80xi32, #tpu.memory_space<vmem>>
      %dma_wait3A_35 = arith.constant 0 : i32
      %dma_wait3A_36 = arith.constant 0 : i32
      %dma_wait3A_37 = tpu.memref_slice %arg11[%dma_wait3A_35, %dma_wait3A_36] : memref<10112x64xf32, #tpu.memory_space<vmem_shared>> -> memref<10112x64xf32, #tpu.memory_space<vmem_shared>>
      tpu.wait_indirect_dma semaphore(%run_scoped3A_25 : memref<!tpu.dma_semaphore, #tpu.memory_space<semaphore_mem>>) src(%arg9 : memref<80x64xf32, #tpu.memory_space<vmem>>) dst(%dma_wait3A_37 : memref<10112x64xf32, #tpu.memory_space<vmem_shared>>)
      tpu.yield
    }) : () -> ()
    %barrier3A_20 = arith.constant 0 : index
    tpu.barrier barrier_id(%barrier3A_20)
    %mul3A_21 = arith.constant 632 : i32
    %mul3A_22 = arith.muli %arg1, %mul3A_21 : i32
    %mul3A_23 = arith.constant 632 : i32
    %mul3A_24 = arith.muli %arg1, %mul3A_23 : i32
    "tpu.region"() ({
      %run_scoped3A_25 = tpu.sem_alloc : memref<!tpu.dma_semaphore, #tpu.memory_space<semaphore_mem>>
      %dma_start3A_26 = arith.constant 0 : i32
      %dma_start3A_27 = tpu.memref_slice %arg6[%arg0, %mul3A_24, %dma_start3A_26] : memref<2x10112x64xf32, #tpu.memory_space<hbm>> -> memref<1x632x64xf32, #tpu.memory_space<hbm>>
      %dma_start3A_28 = tpu.memref_squeeze %dma_start3A_27 : memref<1x632x64xf32, #tpu.memory_space<hbm>> -> memref<632x64xf32, #tpu.memory_space<hbm>>
      %dma_start3A_29 = arith.constant 0 : i32
      %dma_start3A_30 = tpu.memref_slice %arg11[%mul3A_22, %dma_start3A_29] : memref<10112x64xf32, #tpu.memory_space<vmem_shared>> -> memref<632x64xf32, #tpu.memory_space<vmem_shared>>
      tpu.enqueue_dma source(%dma_start3A_30 : memref<632x64xf32, #tpu.memory_space<vmem_shared>>) target(%dma_start3A_28 : memref<632x64xf32, #tpu.memory_space<hbm>>) target_semaphore(%run_scoped3A_25 : memref<!tpu.dma_semaphore, #tpu.memory_space<semaphore_mem>>)
      %dma_wait3A_31 = arith.constant 0 : i32
      %dma_wait3A_32 = tpu.memref_slice %arg6[%arg0, %mul3A_24, %dma_wait3A_31] : memref<2x10112x64xf32, #tpu.memory_space<hbm>> -> memref<1x632x64xf32, #tpu.memory_space<hbm>>
      %dma_wait3A_33 = tpu.memref_squeeze %dma_wait3A_32 : memref<1x632x64xf32, #tpu.memory_space<hbm>> -> memref<632x64xf32, #tpu.memory_space<hbm>>
      %dma_wait3A_34 = arith.constant 0 : i32
      %dma_wait3A_35 = tpu.memref_slice %arg11[%mul3A_22, %dma_wait3A_34] : memref<10112x64xf32, #tpu.memory_space<vmem_shared>> -> memref<632x64xf32, #tpu.memory_space<vmem_shared>>
      tpu.wait_dma2 semaphore(%run_scoped3A_25 : memref<!tpu.dma_semaphore, #tpu.memory_space<semaphore_mem>>) src(%dma_wait3A_35 : memref<632x64xf32, #tpu.memory_space<vmem_shared>>) dst(%dma_wait3A_33 : memref<632x64xf32, #tpu.memory_space<hbm>>)
      tpu.yield
    }) : () -> ()
    return
  }
}

#map = affine_map<(d0, d1) -> (0, 0)>
#map1 = affine_map<(d0, d1) -> (0, 0, 0)>
module attributes {stable_mosaic.version = 14 : i64} {
  func.func @_spmm(%arg0: i32, %arg1: i32, %arg2: memref<10008x64xf32, #tpu.memory_space<hbm>>, %arg3: memref<32x125x80xi32, #tpu.memory_space<hbm>>, %arg4: memref<32x125x80xi32, #tpu.memory_space<hbm>>, %arg5: memref<632x64xf32, #tpu.memory_space<hbm>>, %arg6: memref<2x10112x64xf32, #tpu.memory_space<hbm>>, %arg7: memref<125x80xi32, #tpu.memory_space<vmem>>, %arg8: memref<125x80xi32, #tpu.memory_space<vmem>>, %arg9: memref<80x64xf32, #tpu.memory_space<vmem>>, %arg10: memref<80x64xf32, #tpu.memory_space<vmem>>, %arg11: memref<10112x64xf32, #tpu.memory_space<vmem_shared>>, %arg12: memref<!tpu.dma_semaphore, #tpu.memory_space<semaphore_mem>>, %arg13: memref<!tpu.dma_semaphore, #tpu.memory_space<semaphore_mem>>) attributes {dimension_semantics = [#tpu.dimension_semantics<core_parallel>, #tpu.dimension_semantics<subcore_parallel>], iteration_bounds = array<i64: 2, 16>, scalar_prefetch = 0 : i64, scratch_operands = 7 : i64, tpu.core_type = #tpu.core_type<sc_vector_subcore>, window_params = [{transform_indices = #map}, {transform_indices = #map1}, {transform_indices = #map1}, {transform_indices = #map}, {transform_indices = #map1}]} {
    %mul3A = arith.constant 2 : i32
    %mul3A_0 = arith.muli %arg1, %mul3A : i32
    %add3A = arith.addi %mul3A_0, %arg0 : i32
    "tpu.region"() ({
      %run_scoped3A_25 = tpu.sem_alloc : memref<!tpu.dma_semaphore, #tpu.memory_space<semaphore_mem>>
      %dma_start3A_26 = arith.constant 0 : i32
      %dma_start3A_27 = arith.constant 0 : i32
      %dma_start3A_28 = tpu.memref_slice %arg3[%add3A, %dma_start3A_26, %dma_start3A_27] : memref<32x125x80xi32, #tpu.memory_space<hbm>> -> memref<1x125x80xi32, #tpu.memory_space<hbm>>
      %dma_start3A_29 = tpu.memref_squeeze %dma_start3A_28 : memref<1x125x80xi32, #tpu.memory_space<hbm>> -> memref<125x80xi32, #tpu.memory_space<hbm>>
      %dma_start3A_30 = arith.constant 0 : i32
      %dma_start3A_31 = arith.constant 0 : i32
      %dma_start3A_32 = tpu.memref_slice %arg3[%add3A, %dma_start3A_30, %dma_start3A_31] : memref<32x125x80xi32, #tpu.memory_space<hbm>> -> memref<1x125x80xi32, #tpu.memory_space<hbm>>
      %dma_start3A_33 = tpu.memref_squeeze %dma_start3A_32 : memref<1x125x80xi32, #tpu.memory_space<hbm>> -> memref<125x80xi32, #tpu.memory_space<hbm>>
      tpu.enqueue_dma source(%dma_start3A_33 : memref<125x80xi32, #tpu.memory_space<hbm>>) target(%arg7 : memref<125x80xi32, #tpu.memory_space<vmem>>) target_semaphore(%run_scoped3A_25 : memref<!tpu.dma_semaphore, #tpu.memory_space<semaphore_mem>>)
      %dma_wait3A_34 = arith.constant 0 : i32
      %dma_wait3A_35 = arith.constant 0 : i32
      %dma_wait3A_36 = tpu.memref_slice %arg3[%add3A, %dma_wait3A_34, %dma_wait3A_35] : memref<32x125x80xi32, #tpu.memory_space<hbm>> -> memref<1x125x80xi32, #tpu.memory_space<hbm>>
      %dma_wait3A_37 = tpu.memref_squeeze %dma_wait3A_36 : memref<1x125x80xi32, #tpu.memory_space<hbm>> -> memref<125x80xi32, #tpu.memory_space<hbm>>
      %dma_wait3A_38 = arith.constant 0 : i32
      %dma_wait3A_39 = arith.constant 0 : i32
      %dma_wait3A_40 = tpu.memref_slice %arg3[%add3A, %dma_wait3A_38, %dma_wait3A_39] : memref<32x125x80xi32, #tpu.memory_space<hbm>> -> memref<1x125x80xi32, #tpu.memory_space<hbm>>
      %dma_wait3A_41 = tpu.memref_squeeze %dma_wait3A_40 : memref<1x125x80xi32, #tpu.memory_space<hbm>> -> memref<125x80xi32, #tpu.memory_space<hbm>>
      tpu.wait_dma2 semaphore(%run_scoped3A_25 : memref<!tpu.dma_semaphore, #tpu.memory_space<semaphore_mem>>) src(%dma_wait3A_41 : memref<125x80xi32, #tpu.memory_space<hbm>>) dst(%arg7 : memref<125x80xi32, #tpu.memory_space<vmem>>)
      tpu.yield
    }) : () -> ()
    "tpu.region"() ({
      %run_scoped3A_25 = tpu.sem_alloc : memref<!tpu.dma_semaphore, #tpu.memory_space<semaphore_mem>>
      %dma_start3A_26 = arith.constant 0 : i32
      %dma_start3A_27 = arith.constant 0 : i32
      %dma_start3A_28 = tpu.memref_slice %arg4[%add3A, %dma_start3A_26, %dma_start3A_27] : memref<32x125x80xi32, #tpu.memory_space<hbm>> -> memref<1x125x80xi32, #tpu.memory_space<hbm>>
      %dma_start3A_29 = tpu.memref_squeeze %dma_start3A_28 : memref<1x125x80xi32, #tpu.memory_space<hbm>> -> memref<125x80xi32, #tpu.memory_space<hbm>>
      %dma_start3A_30 = arith.constant 0 : i32
      %dma_start3A_31 = arith.constant 0 : i32
      %dma_start3A_32 = tpu.memref_slice %arg4[%add3A, %dma_start3A_30, %dma_start3A_31] : memref<32x125x80xi32, #tpu.memory_space<hbm>> -> memref<1x125x80xi32, #tpu.memory_space<hbm>>
      %dma_start3A_33 = tpu.memref_squeeze %dma_start3A_32 : memref<1x125x80xi32, #tpu.memory_space<hbm>> -> memref<125x80xi32, #tpu.memory_space<hbm>>
      tpu.enqueue_dma source(%dma_start3A_33 : memref<125x80xi32, #tpu.memory_space<hbm>>) target(%arg8 : memref<125x80xi32, #tpu.memory_space<vmem>>) target_semaphore(%run_scoped3A_25 : memref<!tpu.dma_semaphore, #tpu.memory_space<semaphore_mem>>)
      %dma_wait3A_34 = arith.constant 0 : i32
      %dma_wait3A_35 = arith.constant 0 : i32
      %dma_wait3A_36 = tpu.memref_slice %arg4[%add3A, %dma_wait3A_34, %dma_wait3A_35] : memref<32x125x80xi32, #tpu.memory_space<hbm>> -> memref<1x125x80xi32, #tpu.memory_space<hbm>>
      %dma_wait3A_37 = tpu.memref_squeeze %dma_wait3A_36 : memref<1x125x80xi32, #tpu.memory_space<hbm>> -> memref<125x80xi32, #tpu.memory_space<hbm>>
      %dma_wait3A_38 = arith.constant 0 : i32
      %dma_wait3A_39 = arith.constant 0 : i32
      %dma_wait3A_40 = tpu.memref_slice %arg4[%add3A, %dma_wait3A_38, %dma_wait3A_39] : memref<32x125x80xi32, #tpu.memory_space<hbm>> -> memref<1x125x80xi32, #tpu.memory_space<hbm>>
      %dma_wait3A_41 = tpu.memref_squeeze %dma_wait3A_40 : memref<1x125x80xi32, #tpu.memory_space<hbm>> -> memref<125x80xi32, #tpu.memory_space<hbm>>
      tpu.wait_dma2 semaphore(%run_scoped3A_25 : memref<!tpu.dma_semaphore, #tpu.memory_space<semaphore_mem>>) src(%dma_wait3A_41 : memref<125x80xi32, #tpu.memory_space<hbm>>) dst(%arg8 : memref<125x80xi32, #tpu.memory_space<vmem>>)
      tpu.yield
    }) : () -> ()
    %mul3A_1 = arith.constant 632 : i32
    %mul3A_2 = arith.muli %arg1, %mul3A_1 : i32
    "tpu.region"() ({
      %run_scoped3A_25 = tpu.sem_alloc : memref<!tpu.dma_semaphore, #tpu.memory_space<semaphore_mem>>
      %dma_start3A_26 = arith.constant 0 : i32
      %dma_start3A_27 = tpu.memref_slice %arg11[%mul3A_2, %dma_start3A_26] : memref<10112x64xf32, #tpu.memory_space<vmem_shared>> -> memref<632x64xf32, #tpu.memory_space<vmem_shared>>
      tpu.enqueue_dma source(%arg5 : memref<632x64xf32, #tpu.memory_space<hbm>>) target(%dma_start3A_27 : memref<632x64xf32, #tpu.memory_space<vmem_shared>>) target_semaphore(%run_scoped3A_25 : memref<!tpu.dma_semaphore, #tpu.memory_space<semaphore_mem>>)
      %dma_wait3A_28 = arith.constant 0 : i32
      %dma_wait3A_29 = tpu.memref_slice %arg11[%mul3A_2, %dma_wait3A_28] : memref<10112x64xf32, #tpu.memory_space<vmem_shared>> -> memref<632x64xf32, #tpu.memory_space<vmem_shared>>
      tpu.wait_dma2 semaphore(%run_scoped3A_25 : memref<!tpu.dma_semaphore, #tpu.memory_space<semaphore_mem>>) src(%arg5 : memref<632x64xf32, #tpu.memory_space<hbm>>) dst(%dma_wait3A_29 : memref<632x64xf32, #tpu.memory_space<vmem_shared>>)
      tpu.yield
    }) : () -> ()
    %barrier3A = arith.constant 0 : index
    tpu.barrier barrier_id(%barrier3A)
    %dma_start3A = arith.constant 0 : i32
    %dma_start3A_3 = arith.constant 0 : i32
    %dma_start3A_4 = tpu.memref_slice %arg7[%dma_start3A, %dma_start3A_3] : memref<125x80xi32, #tpu.memory_space<vmem>> -> memref<1x80xi32, #tpu.memory_space<vmem>>
    %dma_start3A_5 = tpu.memref_squeeze %dma_start3A_4 : memref<1x80xi32, #tpu.memory_space<vmem>> -> memref<80xi32, #tpu.memory_space<vmem>>
    %dma_start3A_6 = arith.constant 0 : i32
    %dma_start3A_7 = arith.constant 0 : i32
    %dma_start3A_8 = tpu.memref_slice %arg2[%dma_start3A_6, %dma_start3A_7] : memref<10008x64xf32, #tpu.memory_space<hbm>> -> memref<10008x64xf32, #tpu.memory_space<hbm>>
    tpu.enqueue_indirect_dma source(%dma_start3A_8 : memref<10008x64xf32, #tpu.memory_space<hbm>>) target(%arg9 : memref<80x64xf32, #tpu.memory_space<vmem>>) offsets(%dma_start3A_5 : memref<80xi32, #tpu.memory_space<vmem>>) semaphore(%arg12 : memref<!tpu.dma_semaphore, #tpu.memory_space<semaphore_mem>>)
    %scan3A = arith.constant 0 : i32
    %scan3A_9 = arith.constant 0 : i32
    %scan3A_10 = arith.constant 62 : i32
    %scan3A_11 = arith.addi %scan3A_9, %scan3A_10 : i32
    %scan3A_12 = arith.constant 1 : i32
    scf.for %scan3A_25 = %scan3A_9 to %scan3A_11 step %scan3A_12  : i32 {
      %mul3A_26 = arith.constant 2 : i32
      %mul3A_27 = arith.muli %mul3A_26, %scan3A_25 : i32
      %add3A_28 = arith.constant 1 : i32
      %add3A_29 = arith.addi %mul3A_27, %add3A_28 : i32
      %dma_start3A_30 = arith.constant 0 : i32
      %dma_start3A_31 = tpu.memref_slice %arg7[%add3A_29, %dma_start3A_30] : memref<125x80xi32, #tpu.memory_space<vmem>> -> memref<1x80xi32, #tpu.memory_space<vmem>>
      %dma_start3A_32 = tpu.memref_squeeze %dma_start3A_31 : memref<1x80xi32, #tpu.memory_space<vmem>> -> memref<80xi32, #tpu.memory_space<vmem>>
      %dma_start3A_33 = arith.constant 0 : i32
      %dma_start3A_34 = arith.constant 0 : i32
      %dma_start3A_35 = tpu.memref_slice %arg2[%dma_start3A_33, %dma_start3A_34] : memref<10008x64xf32, #tpu.memory_space<hbm>> -> memref<10008x64xf32, #tpu.memory_space<hbm>>
      tpu.enqueue_indirect_dma source(%dma_start3A_35 : memref<10008x64xf32, #tpu.memory_space<hbm>>) target(%arg10 : memref<80x64xf32, #tpu.memory_space<vmem>>) offsets(%dma_start3A_32 : memref<80xi32, #tpu.memory_space<vmem>>) semaphore(%arg13 : memref<!tpu.dma_semaphore, #tpu.memory_space<semaphore_mem>>)
      %dma_wait3A_36 = arith.constant 0 : i32
      %dma_wait3A_37 = tpu.memref_slice %arg7[%mul3A_27, %dma_wait3A_36] : memref<125x80xi32, #tpu.memory_space<vmem>> -> memref<1x80xi32, #tpu.memory_space<vmem>>
      %dma_wait3A_38 = tpu.memref_squeeze %dma_wait3A_37 : memref<1x80xi32, #tpu.memory_space<vmem>> -> memref<80xi32, #tpu.memory_space<vmem>>
      %dma_wait3A_39 = arith.constant 0 : i32
      %dma_wait3A_40 = arith.constant 0 : i32
      %dma_wait3A_41 = tpu.memref_slice %arg2[%dma_wait3A_39, %dma_wait3A_40] : memref<10008x64xf32, #tpu.memory_space<hbm>> -> memref<10008x64xf32, #tpu.memory_space<hbm>>
      tpu.wait_indirect_dma semaphore(%arg12 : memref<!tpu.dma_semaphore, #tpu.memory_space<semaphore_mem>>) src(%dma_wait3A_41 : memref<10008x64xf32, #tpu.memory_space<hbm>>) dst(%arg9 : memref<80x64xf32, #tpu.memory_space<vmem>>)
      "tpu.region"() ({
        %run_scoped3A_52 = tpu.sem_alloc : memref<!tpu.dma_semaphore, #tpu.memory_space<semaphore_mem>>
        %dma_start3A_53 = arith.constant 0 : i32
        %dma_start3A_54 = tpu.memref_slice %arg8[%mul3A_27, %dma_start3A_53] : memref<125x80xi32, #tpu.memory_space<vmem>> -> memref<1x80xi32, #tpu.memory_space<vmem>>
        %dma_start3A_55 = tpu.memref_squeeze %dma_start3A_54 : memref<1x80xi32, #tpu.memory_space<vmem>> -> memref<80xi32, #tpu.memory_space<vmem>>
        %dma_start3A_56 = arith.constant 0 : i32
        %dma_start3A_57 = arith.constant 0 : i32
        %dma_start3A_58 = tpu.memref_slice %arg11[%dma_start3A_56, %dma_start3A_57] : memref<10112x64xf32, #tpu.memory_space<vmem_shared>> -> memref<10112x64xf32, #tpu.memory_space<vmem_shared>>
        tpu.enqueue_indirect_dma source(%arg9 : memref<80x64xf32, #tpu.memory_space<vmem>>) target(%dma_start3A_58 : memref<10112x64xf32, #tpu.memory_space<vmem_shared>>) offsets(%dma_start3A_55 : memref<80xi32, #tpu.memory_space<vmem>>) semaphore(%run_scoped3A_52 : memref<!tpu.dma_semaphore, #tpu.memory_space<semaphore_mem>>) {add = true}
        %dma_wait3A_59 = arith.constant 0 : i32
        %dma_wait3A_60 = tpu.memref_slice %arg8[%mul3A_27, %dma_wait3A_59] : memref<125x80xi32, #tpu.memory_space<vmem>> -> memref<1x80xi32, #tpu.memory_space<vmem>>
        %dma_wait3A_61 = tpu.memref_squeeze %dma_wait3A_60 : memref<1x80xi32, #tpu.memory_space<vmem>> -> memref<80xi32, #tpu.memory_space<vmem>>
        %dma_wait3A_62 = arith.constant 0 : i32
        %dma_wait3A_63 = arith.constant 0 : i32
        %dma_wait3A_64 = tpu.memref_slice %arg11[%dma_wait3A_62, %dma_wait3A_63] : memref<10112x64xf32, #tpu.memory_space<vmem_shared>> -> memref<10112x64xf32, #tpu.memory_space<vmem_shared>>
        tpu.wait_indirect_dma semaphore(%run_scoped3A_52 : memref<!tpu.dma_semaphore, #tpu.memory_space<semaphore_mem>>) src(%arg9 : memref<80x64xf32, #tpu.memory_space<vmem>>) dst(%dma_wait3A_64 : memref<10112x64xf32, #tpu.memory_space<vmem_shared>>)
        tpu.yield
      }) : () -> ()
      %add3A_42 = arith.constant 2 : i32
      %add3A_43 = arith.addi %mul3A_27, %add3A_42 : i32
      %lt3A = arith.constant 125 : i32
      %lt3A_44 = arith.cmpi slt, %add3A_43, %lt3A : i32
      %convert_element_type3A = arith.extui %lt3A_44 : i1 to i32
      %cond3A = arith.constant 0 : i32
      %cond3A_45 = arith.cmpi ne, %convert_element_type3A, %cond3A : i32
      scf.if %cond3A_45 {
        %add3A_52 = arith.constant 2 : i32
        %add3A_53 = arith.addi %mul3A_27, %add3A_52 : i32
        %dma_start3A_54 = arith.constant 0 : i32
        %dma_start3A_55 = tpu.memref_slice %arg7[%add3A_53, %dma_start3A_54] : memref<125x80xi32, #tpu.memory_space<vmem>> -> memref<1x80xi32, #tpu.memory_space<vmem>>
        %dma_start3A_56 = tpu.memref_squeeze %dma_start3A_55 : memref<1x80xi32, #tpu.memory_space<vmem>> -> memref<80xi32, #tpu.memory_space<vmem>>
        %dma_start3A_57 = arith.constant 0 : i32
        %dma_start3A_58 = arith.constant 0 : i32
        %dma_start3A_59 = tpu.memref_slice %arg2[%dma_start3A_57, %dma_start3A_58] : memref<10008x64xf32, #tpu.memory_space<hbm>> -> memref<10008x64xf32, #tpu.memory_space<hbm>>
        tpu.enqueue_indirect_dma source(%dma_start3A_59 : memref<10008x64xf32, #tpu.memory_space<hbm>>) target(%arg9 : memref<80x64xf32, #tpu.memory_space<vmem>>) offsets(%dma_start3A_56 : memref<80xi32, #tpu.memory_space<vmem>>) semaphore(%arg12 : memref<!tpu.dma_semaphore, #tpu.memory_space<semaphore_mem>>)
      } else {
      }
      %dma_wait3A_46 = arith.constant 0 : i32
      %dma_wait3A_47 = tpu.memref_slice %arg7[%add3A_29, %dma_wait3A_46] : memref<125x80xi32, #tpu.memory_space<vmem>> -> memref<1x80xi32, #tpu.memory_space<vmem>>
      %dma_wait3A_48 = tpu.memref_squeeze %dma_wait3A_47 : memref<1x80xi32, #tpu.memory_space<vmem>> -> memref<80xi32, #tpu.memory_space<vmem>>
      %dma_wait3A_49 = arith.constant 0 : i32
      %dma_wait3A_50 = arith.constant 0 : i32
      %dma_wait3A_51 = tpu.memref_slice %arg2[%dma_wait3A_49, %dma_wait3A_50] : memref<10008x64xf32, #tpu.memory_space<hbm>> -> memref<10008x64xf32, #tpu.memory_space<hbm>>
      tpu.wait_indirect_dma semaphore(%arg13 : memref<!tpu.dma_semaphore, #tpu.memory_space<semaphore_mem>>) src(%dma_wait3A_51 : memref<10008x64xf32, #tpu.memory_space<hbm>>) dst(%arg10 : memref<80x64xf32, #tpu.memory_space<vmem>>)
      "tpu.region"() ({
        %run_scoped3A_52 = tpu.sem_alloc : memref<!tpu.dma_semaphore, #tpu.memory_space<semaphore_mem>>
        %dma_start3A_53 = arith.constant 0 : i32
        %dma_start3A_54 = tpu.memref_slice %arg8[%add3A_29, %dma_start3A_53] : memref<125x80xi32, #tpu.memory_space<vmem>> -> memref<1x80xi32, #tpu.memory_space<vmem>>
        %dma_start3A_55 = tpu.memref_squeeze %dma_start3A_54 : memref<1x80xi32, #tpu.memory_space<vmem>> -> memref<80xi32, #tpu.memory_space<vmem>>
        %dma_start3A_56 = arith.constant 0 : i32
        %dma_start3A_57 = arith.constant 0 : i32
        %dma_start3A_58 = tpu.memref_slice %arg11[%dma_start3A_56, %dma_start3A_57] : memref<10112x64xf32, #tpu.memory_space<vmem_shared>> -> memref<10112x64xf32, #tpu.memory_space<vmem_shared>>
        tpu.enqueue_indirect_dma source(%arg10 : memref<80x64xf32, #tpu.memory_space<vmem>>) target(%dma_start3A_58 : memref<10112x64xf32, #tpu.memory_space<vmem_shared>>) offsets(%dma_start3A_55 : memref<80xi32, #tpu.memory_space<vmem>>) semaphore(%run_scoped3A_52 : memref<!tpu.dma_semaphore, #tpu.memory_space<semaphore_mem>>) {add = true}
        %dma_wait3A_59 = arith.constant 0 : i32
        %dma_wait3A_60 = tpu.memref_slice %arg8[%add3A_29, %dma_wait3A_59] : memref<125x80xi32, #tpu.memory_space<vmem>> -> memref<1x80xi32, #tpu.memory_space<vmem>>
        %dma_wait3A_61 = tpu.memref_squeeze %dma_wait3A_60 : memref<1x80xi32, #tpu.memory_space<vmem>> -> memref<80xi32, #tpu.memory_space<vmem>>
        %dma_wait3A_62 = arith.constant 0 : i32
        %dma_wait3A_63 = arith.constant 0 : i32
        %dma_wait3A_64 = tpu.memref_slice %arg11[%dma_wait3A_62, %dma_wait3A_63] : memref<10112x64xf32, #tpu.memory_space<vmem_shared>> -> memref<10112x64xf32, #tpu.memory_space<vmem_shared>>
        tpu.wait_indirect_dma semaphore(%run_scoped3A_52 : memref<!tpu.dma_semaphore, #tpu.memory_space<semaphore_mem>>) src(%arg10 : memref<80x64xf32, #tpu.memory_space<vmem>>) dst(%dma_wait3A_64 : memref<10112x64xf32, #tpu.memory_space<vmem_shared>>)
        tpu.yield
      }) : () -> ()
    }
    %scan3A_13 = arith.constant 62 : i32
    %dma_wait3A = arith.constant 124 : i32
    %dma_wait3A_14 = arith.constant 0 : i32
    %dma_wait3A_15 = tpu.memref_slice %arg7[%dma_wait3A, %dma_wait3A_14] : memref<125x80xi32, #tpu.memory_space<vmem>> -> memref<1x80xi32, #tpu.memory_space<vmem>>
    %dma_wait3A_16 = tpu.memref_squeeze %dma_wait3A_15 : memref<1x80xi32, #tpu.memory_space<vmem>> -> memref<80xi32, #tpu.memory_space<vmem>>
    %dma_wait3A_17 = arith.constant 0 : i32
    %dma_wait3A_18 = arith.constant 0 : i32
    %dma_wait3A_19 = tpu.memref_slice %arg2[%dma_wait3A_17, %dma_wait3A_18] : memref<10008x64xf32, #tpu.memory_space<hbm>> -> memref<10008x64xf32, #tpu.memory_space<hbm>>
    tpu.wait_indirect_dma semaphore(%arg12 : memref<!tpu.dma_semaphore, #tpu.memory_space<semaphore_mem>>) src(%dma_wait3A_19 : memref<10008x64xf32, #tpu.memory_space<hbm>>) dst(%arg9 : memref<80x64xf32, #tpu.memory_space<vmem>>)
    %run_scoped3A = arith.constant 124 : i32
    "tpu.region"() ({
      %run_scoped3A_25 = tpu.sem_alloc : memref<!tpu.dma_semaphore, #tpu.memory_space<semaphore_mem>>
      %dma_start3A_26 = arith.constant 0 : i32
      %dma_start3A_27 = tpu.memref_slice %arg8[%run_scoped3A, %dma_start3A_26] : memref<125x80xi32, #tpu.memory_space<vmem>> -> memref<1x80xi32, #tpu.memory_space<vmem>>
      %dma_start3A_28 = tpu.memref_squeeze %dma_start3A_27 : memref<1x80xi32, #tpu.memory_space<vmem>> -> memref<80xi32, #tpu.memory_space<vmem>>
      %dma_start3A_29 = arith.constant 0 : i32
      %dma_start3A_30 = arith.constant 0 : i32
      %dma_start3A_31 = tpu.memref_slice %arg11[%dma_start3A_29, %dma_start3A_30] : memref<10112x64xf32, #tpu.memory_space<vmem_shared>> -> memref<10112x64xf32, #tpu.memory_space<vmem_shared>>
      tpu.enqueue_indirect_dma source(%arg9 : memref<80x64xf32, #tpu.memory_space<vmem>>) target(%dma_start3A_31 : memref<10112x64xf32, #tpu.memory_space<vmem_shared>>) offsets(%dma_start3A_28 : memref<80xi32, #tpu.memory_space<vmem>>) semaphore(%run_scoped3A_25 : memref<!tpu.dma_semaphore, #tpu.memory_space<semaphore_mem>>) {add = true}
      %dma_wait3A_32 = arith.constant 0 : i32
      %dma_wait3A_33 = tpu.memref_slice %arg8[%run_scoped3A, %dma_wait3A_32] : memref<125x80xi32, #tpu.memory_space<vmem>> -> memref<1x80xi32, #tpu.memory_space<vmem>>
      %dma_wait3A_34 = tpu.memref_squeeze %dma_wait3A_33 : memref<1x80xi32, #tpu.memory_space<vmem>> -> memref<80xi32, #tpu.memory_space<vmem>>
      %dma_wait3A_35 = arith.constant 0 : i32
      %dma_wait3A_36 = arith.constant 0 : i32
      %dma_wait3A_37 = tpu.memref_slice %arg11[%dma_wait3A_35, %dma_wait3A_36] : memref<10112x64xf32, #tpu.memory_space<vmem_shared>> -> memref<10112x64xf32, #tpu.memory_space<vmem_shared>>
      tpu.wait_indirect_dma semaphore(%run_scoped3A_25 : memref<!tpu.dma_semaphore, #tpu.memory_space<semaphore_mem>>) src(%arg9 : memref<80x64xf32, #tpu.memory_space<vmem>>) dst(%dma_wait3A_37 : memref<10112x64xf32, #tpu.memory_space<vmem_shared>>)
      tpu.yield
    }) : () -> ()
    %barrier3A_20 = arith.constant 0 : index
    tpu.barrier barrier_id(%barrier3A_20)
    %mul3A_21 = arith.constant 632 : i32
    %mul3A_22 = arith.muli %arg1, %mul3A_21 : i32
    %mul3A_23 = arith.constant 632 : i32
    %mul3A_24 = arith.muli %arg1, %mul3A_23 : i32
    "tpu.region"() ({
      %run_scoped3A_25 = tpu.sem_alloc : memref<!tpu.dma_semaphore, #tpu.memory_space<semaphore_mem>>
      %dma_start3A_26 = arith.constant 0 : i32
      %dma_start3A_27 = tpu.memref_slice %arg6[%arg0, %mul3A_24, %dma_start3A_26] : memref<2x10112x64xf32, #tpu.memory_space<hbm>> -> memref<1x632x64xf32, #tpu.memory_space<hbm>>
      %dma_start3A_28 = tpu.memref_squeeze %dma_start3A_27 : memref<1x632x64xf32, #tpu.memory_space<hbm>> -> memref<632x64xf32, #tpu.memory_space<hbm>>
      %dma_start3A_29 = arith.constant 0 : i32
      %dma_start3A_30 = tpu.memref_slice %arg11[%mul3A_22, %dma_start3A_29] : memref<10112x64xf32, #tpu.memory_space<vmem_shared>> -> memref<632x64xf32, #tpu.memory_space<vmem_shared>>
      tpu.enqueue_dma source(%dma_start3A_30 : memref<632x64xf32, #tpu.memory_space<vmem_shared>>) target(%dma_start3A_28 : memref<632x64xf32, #tpu.memory_space<hbm>>) target_semaphore(%run_scoped3A_25 : memref<!tpu.dma_semaphore, #tpu.memory_space<semaphore_mem>>)
      %dma_wait3A_31 = arith.constant 0 : i32
      %dma_wait3A_32 = tpu.memref_slice %arg6[%arg0, %mul3A_24, %dma_wait3A_31] : memref<2x10112x64xf32, #tpu.memory_space<hbm>> -> memref<1x632x64xf32, #tpu.memory_space<hbm>>
      %dma_wait3A_33 = tpu.memref_squeeze %dma_wait3A_32 : memref<1x632x64xf32, #tpu.memory_space<hbm>> -> memref<632x64xf32, #tpu.memory_space<hbm>>
      %dma_wait3A_34 = arith.constant 0 : i32
      %dma_wait3A_35 = tpu.memref_slice %arg11[%mul3A_22, %dma_wait3A_34] : memref<10112x64xf32, #tpu.memory_space<vmem_shared>> -> memref<632x64xf32, #tpu.memory_space<vmem_shared>>
      tpu.wait_dma2 semaphore(%run_scoped3A_25 : memref<!tpu.dma_semaphore, #tpu.memory_space<semaphore_mem>>) src(%dma_wait3A_35 : memref<632x64xf32, #tpu.memory_space<vmem_shared>>) dst(%dma_wait3A_33 : memref<632x64xf32, #tpu.memory_space<hbm>>)
      tpu.yield
    }) : () -> ()
    return
  }
}

#map = affine_map<(d0, d1) -> (0, 0)>
#map1 = affine_map<(d0, d1) -> (0, 0, 0)>
module attributes {stable_mosaic.version = 14 : i64} {
  func.func @_spmm(%arg0: i32, %arg1: i32, %arg2: memref<10008x64xf32, #tpu.memory_space<hbm>>, %arg3: memref<32x125x80xi32, #tpu.memory_space<hbm>>, %arg4: memref<32x125x80xi32, #tpu.memory_space<hbm>>, %arg5: memref<632x64xf32, #tpu.memory_space<hbm>>, %arg6: memref<2x10112x64xf32, #tpu.memory_space<hbm>>, %arg7: memref<125x80xi32, #tpu.memory_space<vmem>>, %arg8: memref<125x80xi32, #tpu.memory_space<vmem>>, %arg9: memref<80x64xf32, #tpu.memory_space<vmem>>, %arg10: memref<80x64xf32, #tpu.memory_space<vmem>>, %arg11: memref<10112x64xf32, #tpu.memory_space<vmem_shared>>, %arg12: memref<!tpu.dma_semaphore, #tpu.memory_space<semaphore_mem>>, %arg13: memref<!tpu.dma_semaphore, #tpu.memory_space<semaphore_mem>>) attributes {dimension_semantics = [#tpu.dimension_semantics<core_parallel>, #tpu.dimension_semantics<subcore_parallel>], iteration_bounds = array<i64: 2, 16>, scalar_prefetch = 0 : i64, scratch_operands = 7 : i64, tpu.core_type = #tpu.core_type<sc_vector_subcore>, window_params = [{transform_indices = #map}, {transform_indices = #map1}, {transform_indices = #map1}, {transform_indices = #map}, {transform_indices = #map1}]} {
    %mul3A = arith.constant 2 : i32
    %mul3A_0 = arith.muli %arg1, %mul3A : i32
    %add3A = arith.addi %mul3A_0, %arg0 : i32
    "tpu.region"() ({
      %run_scoped3A_25 = tpu.sem_alloc : memref<!tpu.dma_semaphore, #tpu.memory_space<semaphore_mem>>
      %dma_start3A_26 = arith.constant 0 : i32
      %dma_start3A_27 = arith.constant 0 : i32
      %dma_start3A_28 = tpu.memref_slice %arg3[%add3A, %dma_start3A_26, %dma_start3A_27] : memref<32x125x80xi32, #tpu.memory_space<hbm>> -> memref<1x125x80xi32, #tpu.memory_space<hbm>>
      %dma_start3A_29 = tpu.memref_squeeze %dma_start3A_28 : memref<1x125x80xi32, #tpu.memory_space<hbm>> -> memref<125x80xi32, #tpu.memory_space<hbm>>
      %dma_start3A_30 = arith.constant 0 : i32
      %dma_start3A_31 = arith.constant 0 : i32
      %dma_start3A_32 = tpu.memref_slice %arg3[%add3A, %dma_start3A_30, %dma_start3A_31] : memref<32x125x80xi32, #tpu.memory_space<hbm>> -> memref<1x125x80xi32, #tpu.memory_space<hbm>>
      %dma_start3A_33 = tpu.memref_squeeze %dma_start3A_32 : memref<1x125x80xi32, #tpu.memory_space<hbm>> -> memref<125x80xi32, #tpu.memory_space<hbm>>
      tpu.enqueue_dma source(%dma_start3A_33 : memref<125x80xi32, #tpu.memory_space<hbm>>) target(%arg7 : memref<125x80xi32, #tpu.memory_space<vmem>>) target_semaphore(%run_scoped3A_25 : memref<!tpu.dma_semaphore, #tpu.memory_space<semaphore_mem>>)
      %dma_wait3A_34 = arith.constant 0 : i32
      %dma_wait3A_35 = arith.constant 0 : i32
      %dma_wait3A_36 = tpu.memref_slice %arg3[%add3A, %dma_wait3A_34, %dma_wait3A_35] : memref<32x125x80xi32, #tpu.memory_space<hbm>> -> memref<1x125x80xi32, #tpu.memory_space<hbm>>
      %dma_wait3A_37 = tpu.memref_squeeze %dma_wait3A_36 : memref<1x125x80xi32, #tpu.memory_space<hbm>> -> memref<125x80xi32, #tpu.memory_space<hbm>>
      %dma_wait3A_38 = arith.constant 0 : i32
      %dma_wait3A_39 = arith.constant 0 : i32
      %dma_wait3A_40 = tpu.memref_slice %arg3[%add3A, %dma_wait3A_38, %dma_wait3A_39] : memref<32x125x80xi32, #tpu.memory_space<hbm>> -> memref<1x125x80xi32, #tpu.memory_space<hbm>>
      %dma_wait3A_41 = tpu.memref_squeeze %dma_wait3A_40 : memref<1x125x80xi32, #tpu.memory_space<hbm>> -> memref<125x80xi32, #tpu.memory_space<hbm>>
      tpu.wait_dma2 semaphore(%run_scoped3A_25 : memref<!tpu.dma_semaphore, #tpu.memory_space<semaphore_mem>>) src(%dma_wait3A_41 : memref<125x80xi32, #tpu.memory_space<hbm>>) dst(%arg7 : memref<125x80xi32, #tpu.memory_space<vmem>>)
      tpu.yield
    }) : () -> ()
    "tpu.region"() ({
      %run_scoped3A_25 = tpu.sem_alloc : memref<!tpu.dma_semaphore, #tpu.memory_space<semaphore_mem>>
      %dma_start3A_26 = arith.constant 0 : i32
      %dma_start3A_27 = arith.constant 0 : i32
      %dma_start3A_28 = tpu.memref_slice %arg4[%add3A, %dma_start3A_26, %dma_start3A_27] : memref<32x125x80xi32, #tpu.memory_space<hbm>> -> memref<1x125x80xi32, #tpu.memory_space<hbm>>
      %dma_start3A_29 = tpu.memref_squeeze %dma_start3A_28 : memref<1x125x80xi32, #tpu.memory_space<hbm>> -> memref<125x80xi32, #tpu.memory_space<hbm>>
      %dma_start3A_30 = arith.constant 0 : i32
      %dma_start3A_31 = arith.constant 0 : i32
      %dma_start3A_32 = tpu.memref_slice %arg4[%add3A, %dma_start3A_30, %dma_start3A_31] : memref<32x125x80xi32, #tpu.memory_space<hbm>> -> memref<1x125x80xi32, #tpu.memory_space<hbm>>
      %dma_start3A_33 = tpu.memref_squeeze %dma_start3A_32 : memref<1x125x80xi32, #tpu.memory_space<hbm>> -> memref<125x80xi32, #tpu.memory_space<hbm>>
      tpu.enqueue_dma source(%dma_start3A_33 : memref<125x80xi32, #tpu.memory_space<hbm>>) target(%arg8 : memref<125x80xi32, #tpu.memory_space<vmem>>) target_semaphore(%run_scoped3A_25 : memref<!tpu.dma_semaphore, #tpu.memory_space<semaphore_mem>>)
      %dma_wait3A_34 = arith.constant 0 : i32
      %dma_wait3A_35 = arith.constant 0 : i32
      %dma_wait3A_36 = tpu.memref_slice %arg4[%add3A, %dma_wait3A_34, %dma_wait3A_35] : memref<32x125x80xi32, #tpu.memory_space<hbm>> -> memref<1x125x80xi32, #tpu.memory_space<hbm>>
      %dma_wait3A_37 = tpu.memref_squeeze %dma_wait3A_36 : memref<1x125x80xi32, #tpu.memory_space<hbm>> -> memref<125x80xi32, #tpu.memory_space<hbm>>
      %dma_wait3A_38 = arith.constant 0 : i32
      %dma_wait3A_39 = arith.constant 0 : i32
      %dma_wait3A_40 = tpu.memref_slice %arg4[%add3A, %dma_wait3A_38, %dma_wait3A_39] : memref<32x125x80xi32, #tpu.memory_space<hbm>> -> memref<1x125x80xi32, #tpu.memory_space<hbm>>
      %dma_wait3A_41 = tpu.memref_squeeze %dma_wait3A_40 : memref<1x125x80xi32, #tpu.memory_space<hbm>> -> memref<125x80xi32, #tpu.memory_space<hbm>>
      tpu.wait_dma2 semaphore(%run_scoped3A_25 : memref<!tpu.dma_semaphore, #tpu.memory_space<semaphore_mem>>) src(%dma_wait3A_41 : memref<125x80xi32, #tpu.memory_space<hbm>>) dst(%arg8 : memref<125x80xi32, #tpu.memory_space<vmem>>)
      tpu.yield
    }) : () -> ()
    %mul3A_1 = arith.constant 632 : i32
    %mul3A_2 = arith.muli %arg1, %mul3A_1 : i32
    "tpu.region"() ({
      %run_scoped3A_25 = tpu.sem_alloc : memref<!tpu.dma_semaphore, #tpu.memory_space<semaphore_mem>>
      %dma_start3A_26 = arith.constant 0 : i32
      %dma_start3A_27 = tpu.memref_slice %arg11[%mul3A_2, %dma_start3A_26] : memref<10112x64xf32, #tpu.memory_space<vmem_shared>> -> memref<632x64xf32, #tpu.memory_space<vmem_shared>>
      tpu.enqueue_dma source(%arg5 : memref<632x64xf32, #tpu.memory_space<hbm>>) target(%dma_start3A_27 : memref<632x64xf32, #tpu.memory_space<vmem_shared>>) target_semaphore(%run_scoped3A_25 : memref<!tpu.dma_semaphore, #tpu.memory_space<semaphore_mem>>)
      %dma_wait3A_28 = arith.constant 0 : i32
      %dma_wait3A_29 = tpu.memref_slice %arg11[%mul3A_2, %dma_wait3A_28] : memref<10112x64xf32, #tpu.memory_space<vmem_shared>> -> memref<632x64xf32, #tpu.memory_space<vmem_shared>>
      tpu.wait_dma2 semaphore(%run_scoped3A_25 : memref<!tpu.dma_semaphore, #tpu.memory_space<semaphore_mem>>) src(%arg5 : memref<632x64xf32, #tpu.memory_space<hbm>>) dst(%dma_wait3A_29 : memref<632x64xf32, #tpu.memory_space<vmem_shared>>)
      tpu.yield
    }) : () -> ()
    %barrier3A = arith.constant 0 : index
    tpu.barrier barrier_id(%barrier3A)
    %dma_start3A = arith.constant 0 : i32
    %dma_start3A_3 = arith.constant 0 : i32
    %dma_start3A_4 = tpu.memref_slice %arg7[%dma_start3A, %dma_start3A_3] : memref<125x80xi32, #tpu.memory_space<vmem>> -> memref<1x80xi32, #tpu.memory_space<vmem>>
    %dma_start3A_5 = tpu.memref_squeeze %dma_start3A_4 : memref<1x80xi32, #tpu.memory_space<vmem>> -> memref<80xi32, #tpu.memory_space<vmem>>
    %dma_start3A_6 = arith.constant 0 : i32
    %dma_start3A_7 = arith.constant 0 : i32
    %dma_start3A_8 = tpu.memref_slice %arg2[%dma_start3A_6, %dma_start3A_7] : memref<10008x64xf32, #tpu.memory_space<hbm>> -> memref<10008x64xf32, #tpu.memory_space<hbm>>
    tpu.enqueue_indirect_dma source(%dma_start3A_8 : memref<10008x64xf32, #tpu.memory_space<hbm>>) target(%arg9 : memref<80x64xf32, #tpu.memory_space<vmem>>) offsets(%dma_start3A_5 : memref<80xi32, #tpu.memory_space<vmem>>) semaphore(%arg12 : memref<!tpu.dma_semaphore, #tpu.memory_space<semaphore_mem>>)
    %scan3A = arith.constant 0 : i32
    %scan3A_9 = arith.constant 0 : i32
    %scan3A_10 = arith.constant 62 : i32
    %scan3A_11 = arith.addi %scan3A_9, %scan3A_10 : i32
    %scan3A_12 = arith.constant 1 : i32
    scf.for %scan3A_25 = %scan3A_9 to %scan3A_11 step %scan3A_12  : i32 {
      %mul3A_26 = arith.constant 2 : i32
      %mul3A_27 = arith.muli %mul3A_26, %scan3A_25 : i32
      %add3A_28 = arith.constant 1 : i32
      %add3A_29 = arith.addi %mul3A_27, %add3A_28 : i32
      %dma_start3A_30 = arith.constant 0 : i32
      %dma_start3A_31 = tpu.memref_slice %arg7[%add3A_29, %dma_start3A_30] : memref<125x80xi32, #tpu.memory_space<vmem>> -> memref<1x80xi32, #tpu.memory_space<vmem>>
      %dma_start3A_32 = tpu.memref_squeeze %dma_start3A_31 : memref<1x80xi32, #tpu.memory_space<vmem>> -> memref<80xi32, #tpu.memory_space<vmem>>
      %dma_start3A_33 = arith.constant 0 : i32
      %dma_start3A_34 = arith.constant 0 : i32
      %dma_start3A_35 = tpu.memref_slice %arg2[%dma_start3A_33, %dma_start3A_34] : memref<10008x64xf32, #tpu.memory_space<hbm>> -> memref<10008x64xf32, #tpu.memory_space<hbm>>
      tpu.enqueue_indirect_dma source(%dma_start3A_35 : memref<10008x64xf32, #tpu.memory_space<hbm>>) target(%arg10 : memref<80x64xf32, #tpu.memory_space<vmem>>) offsets(%dma_start3A_32 : memref<80xi32, #tpu.memory_space<vmem>>) semaphore(%arg13 : memref<!tpu.dma_semaphore, #tpu.memory_space<semaphore_mem>>)
      %dma_wait3A_36 = arith.constant 0 : i32
      %dma_wait3A_37 = tpu.memref_slice %arg7[%mul3A_27, %dma_wait3A_36] : memref<125x80xi32, #tpu.memory_space<vmem>> -> memref<1x80xi32, #tpu.memory_space<vmem>>
      %dma_wait3A_38 = tpu.memref_squeeze %dma_wait3A_37 : memref<1x80xi32, #tpu.memory_space<vmem>> -> memref<80xi32, #tpu.memory_space<vmem>>
      %dma_wait3A_39 = arith.constant 0 : i32
      %dma_wait3A_40 = arith.constant 0 : i32
      %dma_wait3A_41 = tpu.memref_slice %arg2[%dma_wait3A_39, %dma_wait3A_40] : memref<10008x64xf32, #tpu.memory_space<hbm>> -> memref<10008x64xf32, #tpu.memory_space<hbm>>
      tpu.wait_indirect_dma semaphore(%arg12 : memref<!tpu.dma_semaphore, #tpu.memory_space<semaphore_mem>>) src(%dma_wait3A_41 : memref<10008x64xf32, #tpu.memory_space<hbm>>) dst(%arg9 : memref<80x64xf32, #tpu.memory_space<vmem>>)
      "tpu.region"() ({
        %run_scoped3A_52 = tpu.sem_alloc : memref<!tpu.dma_semaphore, #tpu.memory_space<semaphore_mem>>
        %dma_start3A_53 = arith.constant 0 : i32
        %dma_start3A_54 = tpu.memref_slice %arg8[%mul3A_27, %dma_start3A_53] : memref<125x80xi32, #tpu.memory_space<vmem>> -> memref<1x80xi32, #tpu.memory_space<vmem>>
        %dma_start3A_55 = tpu.memref_squeeze %dma_start3A_54 : memref<1x80xi32, #tpu.memory_space<vmem>> -> memref<80xi32, #tpu.memory_space<vmem>>
        %dma_start3A_56 = arith.constant 0 : i32
        %dma_start3A_57 = arith.constant 0 : i32
        %dma_start3A_58 = tpu.memref_slice %arg11[%dma_start3A_56, %dma_start3A_57] : memref<10112x64xf32, #tpu.memory_space<vmem_shared>> -> memref<10112x64xf32, #tpu.memory_space<vmem_shared>>
        tpu.enqueue_indirect_dma source(%arg9 : memref<80x64xf32, #tpu.memory_space<vmem>>) target(%dma_start3A_58 : memref<10112x64xf32, #tpu.memory_space<vmem_shared>>) offsets(%dma_start3A_55 : memref<80xi32, #tpu.memory_space<vmem>>) semaphore(%run_scoped3A_52 : memref<!tpu.dma_semaphore, #tpu.memory_space<semaphore_mem>>) {add = true}
        %dma_wait3A_59 = arith.constant 0 : i32
        %dma_wait3A_60 = tpu.memref_slice %arg8[%mul3A_27, %dma_wait3A_59] : memref<125x80xi32, #tpu.memory_space<vmem>> -> memref<1x80xi32, #tpu.memory_space<vmem>>
        %dma_wait3A_61 = tpu.memref_squeeze %dma_wait3A_60 : memref<1x80xi32, #tpu.memory_space<vmem>> -> memref<80xi32, #tpu.memory_space<vmem>>
        %dma_wait3A_62 = arith.constant 0 : i32
        %dma_wait3A_63 = arith.constant 0 : i32
        %dma_wait3A_64 = tpu.memref_slice %arg11[%dma_wait3A_62, %dma_wait3A_63] : memref<10112x64xf32, #tpu.memory_space<vmem_shared>> -> memref<10112x64xf32, #tpu.memory_space<vmem_shared>>
        tpu.wait_indirect_dma semaphore(%run_scoped3A_52 : memref<!tpu.dma_semaphore, #tpu.memory_space<semaphore_mem>>) src(%arg9 : memref<80x64xf32, #tpu.memory_space<vmem>>) dst(%dma_wait3A_64 : memref<10112x64xf32, #tpu.memory_space<vmem_shared>>)
        tpu.yield
      }) : () -> ()
      %add3A_42 = arith.constant 2 : i32
      %add3A_43 = arith.addi %mul3A_27, %add3A_42 : i32
      %lt3A = arith.constant 125 : i32
      %lt3A_44 = arith.cmpi slt, %add3A_43, %lt3A : i32
      %convert_element_type3A = arith.extui %lt3A_44 : i1 to i32
      %cond3A = arith.constant 0 : i32
      %cond3A_45 = arith.cmpi ne, %convert_element_type3A, %cond3A : i32
      scf.if %cond3A_45 {
        %add3A_52 = arith.constant 2 : i32
        %add3A_53 = arith.addi %mul3A_27, %add3A_52 : i32
        %dma_start3A_54 = arith.constant 0 : i32
        %dma_start3A_55 = tpu.memref_slice %arg7[%add3A_53, %dma_start3A_54] : memref<125x80xi32, #tpu.memory_space<vmem>> -> memref<1x80xi32, #tpu.memory_space<vmem>>
        %dma_start3A_56 = tpu.memref_squeeze %dma_start3A_55 : memref<1x80xi32, #tpu.memory_space<vmem>> -> memref<80xi32, #tpu.memory_space<vmem>>
        %dma_start3A_57 = arith.constant 0 : i32
        %dma_start3A_58 = arith.constant 0 : i32
        %dma_start3A_59 = tpu.memref_slice %arg2[%dma_start3A_57, %dma_start3A_58] : memref<10008x64xf32, #tpu.memory_space<hbm>> -> memref<10008x64xf32, #tpu.memory_space<hbm>>
        tpu.enqueue_indirect_dma source(%dma_start3A_59 : memref<10008x64xf32, #tpu.memory_space<hbm>>) target(%arg9 : memref<80x64xf32, #tpu.memory_space<vmem>>) offsets(%dma_start3A_56 : memref<80xi32, #tpu.memory_space<vmem>>) semaphore(%arg12 : memref<!tpu.dma_semaphore, #tpu.memory_space<semaphore_mem>>)
      } else {
      }
      %dma_wait3A_46 = arith.constant 0 : i32
      %dma_wait3A_47 = tpu.memref_slice %arg7[%add3A_29, %dma_wait3A_46] : memref<125x80xi32, #tpu.memory_space<vmem>> -> memref<1x80xi32, #tpu.memory_space<vmem>>
      %dma_wait3A_48 = tpu.memref_squeeze %dma_wait3A_47 : memref<1x80xi32, #tpu.memory_space<vmem>> -> memref<80xi32, #tpu.memory_space<vmem>>
      %dma_wait3A_49 = arith.constant 0 : i32
      %dma_wait3A_50 = arith.constant 0 : i32
      %dma_wait3A_51 = tpu.memref_slice %arg2[%dma_wait3A_49, %dma_wait3A_50] : memref<10008x64xf32, #tpu.memory_space<hbm>> -> memref<10008x64xf32, #tpu.memory_space<hbm>>
      tpu.wait_indirect_dma semaphore(%arg13 : memref<!tpu.dma_semaphore, #tpu.memory_space<semaphore_mem>>) src(%dma_wait3A_51 : memref<10008x64xf32, #tpu.memory_space<hbm>>) dst(%arg10 : memref<80x64xf32, #tpu.memory_space<vmem>>)
      "tpu.region"() ({
        %run_scoped3A_52 = tpu.sem_alloc : memref<!tpu.dma_semaphore, #tpu.memory_space<semaphore_mem>>
        %dma_start3A_53 = arith.constant 0 : i32
        %dma_start3A_54 = tpu.memref_slice %arg8[%add3A_29, %dma_start3A_53] : memref<125x80xi32, #tpu.memory_space<vmem>> -> memref<1x80xi32, #tpu.memory_space<vmem>>
        %dma_start3A_55 = tpu.memref_squeeze %dma_start3A_54 : memref<1x80xi32, #tpu.memory_space<vmem>> -> memref<80xi32, #tpu.memory_space<vmem>>
        %dma_start3A_56 = arith.constant 0 : i32
        %dma_start3A_57 = arith.constant 0 : i32
        %dma_start3A_58 = tpu.memref_slice %arg11[%dma_start3A_56, %dma_start3A_57] : memref<10112x64xf32, #tpu.memory_space<vmem_shared>> -> memref<10112x64xf32, #tpu.memory_space<vmem_shared>>
        tpu.enqueue_indirect_dma source(%arg10 : memref<80x64xf32, #tpu.memory_space<vmem>>) target(%dma_start3A_58 : memref<10112x64xf32, #tpu.memory_space<vmem_shared>>) offsets(%dma_start3A_55 : memref<80xi32, #tpu.memory_space<vmem>>) semaphore(%run_scoped3A_52 : memref<!tpu.dma_semaphore, #tpu.memory_space<semaphore_mem>>) {add = true}
        %dma_wait3A_59 = arith.constant 0 : i32
        %dma_wait3A_60 = tpu.memref_slice %arg8[%add3A_29, %dma_wait3A_59] : memref<125x80xi32, #tpu.memory_space<vmem>> -> memref<1x80xi32, #tpu.memory_space<vmem>>
        %dma_wait3A_61 = tpu.memref_squeeze %dma_wait3A_60 : memref<1x80xi32, #tpu.memory_space<vmem>> -> memref<80xi32, #tpu.memory_space<vmem>>
        %dma_wait3A_62 = arith.constant 0 : i32
        %dma_wait3A_63 = arith.constant 0 : i32
        %dma_wait3A_64 = tpu.memref_slice %arg11[%dma_wait3A_62, %dma_wait3A_63] : memref<10112x64xf32, #tpu.memory_space<vmem_shared>> -> memref<10112x64xf32, #tpu.memory_space<vmem_shared>>
        tpu.wait_indirect_dma semaphore(%run_scoped3A_52 : memref<!tpu.dma_semaphore, #tpu.memory_space<semaphore_mem>>) src(%arg10 : memref<80x64xf32, #tpu.memory_space<vmem>>) dst(%dma_wait3A_64 : memref<10112x64xf32, #tpu.memory_space<vmem_shared>>)
        tpu.yield
      }) : () -> ()
    }
    %scan3A_13 = arith.constant 62 : i32
    %dma_wait3A = arith.constant 124 : i32
    %dma_wait3A_14 = arith.constant 0 : i32
    %dma_wait3A_15 = tpu.memref_slice %arg7[%dma_wait3A, %dma_wait3A_14] : memref<125x80xi32, #tpu.memory_space<vmem>> -> memref<1x80xi32, #tpu.memory_space<vmem>>
    %dma_wait3A_16 = tpu.memref_squeeze %dma_wait3A_15 : memref<1x80xi32, #tpu.memory_space<vmem>> -> memref<80xi32, #tpu.memory_space<vmem>>
    %dma_wait3A_17 = arith.constant 0 : i32
    %dma_wait3A_18 = arith.constant 0 : i32
    %dma_wait3A_19 = tpu.memref_slice %arg2[%dma_wait3A_17, %dma_wait3A_18] : memref<10008x64xf32, #tpu.memory_space<hbm>> -> memref<10008x64xf32, #tpu.memory_space<hbm>>
    tpu.wait_indirect_dma semaphore(%arg12 : memref<!tpu.dma_semaphore, #tpu.memory_space<semaphore_mem>>) src(%dma_wait3A_19 : memref<10008x64xf32, #tpu.memory_space<hbm>>) dst(%arg9 : memref<80x64xf32, #tpu.memory_space<vmem>>)
    %run_scoped3A = arith.constant 124 : i32
    "tpu.region"() ({
      %run_scoped3A_25 = tpu.sem_alloc : memref<!tpu.dma_semaphore, #tpu.memory_space<semaphore_mem>>
      %dma_start3A_26 = arith.constant 0 : i32
      %dma_start3A_27 = tpu.memref_slice %arg8[%run_scoped3A, %dma_start3A_26] : memref<125x80xi32, #tpu.memory_space<vmem>> -> memref<1x80xi32, #tpu.memory_space<vmem>>
      %dma_start3A_28 = tpu.memref_squeeze %dma_start3A_27 : memref<1x80xi32, #tpu.memory_space<vmem>> -> memref<80xi32, #tpu.memory_space<vmem>>
      %dma_start3A_29 = arith.constant 0 : i32
      %dma_start3A_30 = arith.constant 0 : i32
      %dma_start3A_31 = tpu.memref_slice %arg11[%dma_start3A_29, %dma_start3A_30] : memref<10112x64xf32, #tpu.memory_space<vmem_shared>> -> memref<10112x64xf32, #tpu.memory_space<vmem_shared>>
      tpu.enqueue_indirect_dma source(%arg9 : memref<80x64xf32, #tpu.memory_space<vmem>>) target(%dma_start3A_31 : memref<10112x64xf32, #tpu.memory_space<vmem_shared>>) offsets(%dma_start3A_28 : memref<80xi32, #tpu.memory_space<vmem>>) semaphore(%run_scoped3A_25 : memref<!tpu.dma_semaphore, #tpu.memory_space<semaphore_mem>>) {add = true}
      %dma_wait3A_32 = arith.constant 0 : i32
      %dma_wait3A_33 = tpu.memref_slice %arg8[%run_scoped3A, %dma_wait3A_32] : memref<125x80xi32, #tpu.memory_space<vmem>> -> memref<1x80xi32, #tpu.memory_space<vmem>>
      %dma_wait3A_34 = tpu.memref_squeeze %dma_wait3A_33 : memref<1x80xi32, #tpu.memory_space<vmem>> -> memref<80xi32, #tpu.memory_space<vmem>>
      %dma_wait3A_35 = arith.constant 0 : i32
      %dma_wait3A_36 = arith.constant 0 : i32
      %dma_wait3A_37 = tpu.memref_slice %arg11[%dma_wait3A_35, %dma_wait3A_36] : memref<10112x64xf32, #tpu.memory_space<vmem_shared>> -> memref<10112x64xf32, #tpu.memory_space<vmem_shared>>
      tpu.wait_indirect_dma semaphore(%run_scoped3A_25 : memref<!tpu.dma_semaphore, #tpu.memory_space<semaphore_mem>>) src(%arg9 : memref<80x64xf32, #tpu.memory_space<vmem>>) dst(%dma_wait3A_37 : memref<10112x64xf32, #tpu.memory_space<vmem_shared>>)
      tpu.yield
    }) : () -> ()
    %barrier3A_20 = arith.constant 0 : index
    tpu.barrier barrier_id(%barrier3A_20)
    %mul3A_21 = arith.constant 632 : i32
    %mul3A_22 = arith.muli %arg1, %mul3A_21 : i32
    %mul3A_23 = arith.constant 632 : i32
    %mul3A_24 = arith.muli %arg1, %mul3A_23 : i32
    "tpu.region"() ({
      %run_scoped3A_25 = tpu.sem_alloc : memref<!tpu.dma_semaphore, #tpu.memory_space<semaphore_mem>>
      %dma_start3A_26 = arith.constant 0 : i32
      %dma_start3A_27 = tpu.memref_slice %arg6[%arg0, %mul3A_24, %dma_start3A_26] : memref<2x10112x64xf32, #tpu.memory_space<hbm>> -> memref<1x632x64xf32, #tpu.memory_space<hbm>>
      %dma_start3A_28 = tpu.memref_squeeze %dma_start3A_27 : memref<1x632x64xf32, #tpu.memory_space<hbm>> -> memref<632x64xf32, #tpu.memory_space<hbm>>
      %dma_start3A_29 = arith.constant 0 : i32
      %dma_start3A_30 = tpu.memref_slice %arg11[%mul3A_22, %dma_start3A_29] : memref<10112x64xf32, #tpu.memory_space<vmem_shared>> -> memref<632x64xf32, #tpu.memory_space<vmem_shared>>
      tpu.enqueue_dma source(%dma_start3A_30 : memref<632x64xf32, #tpu.memory_space<vmem_shared>>) target(%dma_start3A_28 : memref<632x64xf32, #tpu.memory_space<hbm>>) target_semaphore(%run_scoped3A_25 : memref<!tpu.dma_semaphore, #tpu.memory_space<semaphore_mem>>)
      %dma_wait3A_31 = arith.constant 0 : i32
      %dma_wait3A_32 = tpu.memref_slice %arg6[%arg0, %mul3A_24, %dma_wait3A_31] : memref<2x10112x64xf32, #tpu.memory_space<hbm>> -> memref<1x632x64xf32, #tpu.memory_space<hbm>>
      %dma_wait3A_33 = tpu.memref_squeeze %dma_wait3A_32 : memref<1x632x64xf32, #tpu.memory_space<hbm>> -> memref<632x64xf32, #tpu.memory_space<hbm>>
      %dma_wait3A_34 = arith.constant 0 : i32
      %dma_wait3A_35 = tpu.memref_slice %arg11[%mul3A_22, %dma_wait3A_34] : memref<10112x64xf32, #tpu.memory_space<vmem_shared>> -> memref<632x64xf32, #tpu.memory_space<vmem_shared>>
      tpu.wait_dma2 semaphore(%run_scoped3A_25 : memref<!tpu.dma_semaphore, #tpu.memory_space<semaphore_mem>>) src(%dma_wait3A_35 : memref<632x64xf32, #tpu.memory_space<vmem_shared>>) dst(%dma_wait3A_33 : memref<632x64xf32, #tpu.memory_space<hbm>>)
      tpu.yield
    }) : () -> ()
    return
  }
}

#map = affine_map<(d0, d1) -> (0, 0)>
#map1 = affine_map<(d0, d1) -> (0, 0, 0)>
module attributes {stable_mosaic.version = 14 : i64} {
  func.func @_spmm(%arg0: i32, %arg1: i32, %arg2: memref<10008x64xf32, #tpu.memory_space<hbm>>, %arg3: memref<32x125x80xi32, #tpu.memory_space<hbm>>, %arg4: memref<32x125x80xi32, #tpu.memory_space<hbm>>, %arg5: memref<632x64xf32, #tpu.memory_space<hbm>>, %arg6: memref<2x10112x64xf32, #tpu.memory_space<hbm>>, %arg7: memref<125x80xi32, #tpu.memory_space<vmem>>, %arg8: memref<125x80xi32, #tpu.memory_space<vmem>>, %arg9: memref<80x64xf32, #tpu.memory_space<vmem>>, %arg10: memref<80x64xf32, #tpu.memory_space<vmem>>, %arg11: memref<10112x64xf32, #tpu.memory_space<vmem_shared>>, %arg12: memref<!tpu.dma_semaphore, #tpu.memory_space<semaphore_mem>>, %arg13: memref<!tpu.dma_semaphore, #tpu.memory_space<semaphore_mem>>) attributes {dimension_semantics = [#tpu.dimension_semantics<core_parallel>, #tpu.dimension_semantics<subcore_parallel>], iteration_bounds = array<i64: 2, 16>, scalar_prefetch = 0 : i64, scratch_operands = 7 : i64, tpu.core_type = #tpu.core_type<sc_vector_subcore>, window_params = [{transform_indices = #map}, {transform_indices = #map1}, {transform_indices = #map1}, {transform_indices = #map}, {transform_indices = #map1}]} {
    %mul3A = arith.constant 2 : i32
    %mul3A_0 = arith.muli %arg1, %mul3A : i32
    %add3A = arith.addi %mul3A_0, %arg0 : i32
    "tpu.region"() ({
      %run_scoped3A_25 = tpu.sem_alloc : memref<!tpu.dma_semaphore, #tpu.memory_space<semaphore_mem>>
      %dma_start3A_26 = arith.constant 0 : i32
      %dma_start3A_27 = arith.constant 0 : i32
      %dma_start3A_28 = tpu.memref_slice %arg3[%add3A, %dma_start3A_26, %dma_start3A_27] : memref<32x125x80xi32, #tpu.memory_space<hbm>> -> memref<1x125x80xi32, #tpu.memory_space<hbm>>
      %dma_start3A_29 = tpu.memref_squeeze %dma_start3A_28 : memref<1x125x80xi32, #tpu.memory_space<hbm>> -> memref<125x80xi32, #tpu.memory_space<hbm>>
      %dma_start3A_30 = arith.constant 0 : i32
      %dma_start3A_31 = arith.constant 0 : i32
      %dma_start3A_32 = tpu.memref_slice %arg3[%add3A, %dma_start3A_30, %dma_start3A_31] : memref<32x125x80xi32, #tpu.memory_space<hbm>> -> memref<1x125x80xi32, #tpu.memory_space<hbm>>
      %dma_start3A_33 = tpu.memref_squeeze %dma_start3A_32 : memref<1x125x80xi32, #tpu.memory_space<hbm>> -> memref<125x80xi32, #tpu.memory_space<hbm>>
      tpu.enqueue_dma source(%dma_start3A_33 : memref<125x80xi32, #tpu.memory_space<hbm>>) target(%arg7 : memref<125x80xi32, #tpu.memory_space<vmem>>) target_semaphore(%run_scoped3A_25 : memref<!tpu.dma_semaphore, #tpu.memory_space<semaphore_mem>>)
      %dma_wait3A_34 = arith.constant 0 : i32
      %dma_wait3A_35 = arith.constant 0 : i32
      %dma_wait3A_36 = tpu.memref_slice %arg3[%add3A, %dma_wait3A_34, %dma_wait3A_35] : memref<32x125x80xi32, #tpu.memory_space<hbm>> -> memref<1x125x80xi32, #tpu.memory_space<hbm>>
      %dma_wait3A_37 = tpu.memref_squeeze %dma_wait3A_36 : memref<1x125x80xi32, #tpu.memory_space<hbm>> -> memref<125x80xi32, #tpu.memory_space<hbm>>
      %dma_wait3A_38 = arith.constant 0 : i32
      %dma_wait3A_39 = arith.constant 0 : i32
      %dma_wait3A_40 = tpu.memref_slice %arg3[%add3A, %dma_wait3A_38, %dma_wait3A_39] : memref<32x125x80xi32, #tpu.memory_space<hbm>> -> memref<1x125x80xi32, #tpu.memory_space<hbm>>
      %dma_wait3A_41 = tpu.memref_squeeze %dma_wait3A_40 : memref<1x125x80xi32, #tpu.memory_space<hbm>> -> memref<125x80xi32, #tpu.memory_space<hbm>>
      tpu.wait_dma2 semaphore(%run_scoped3A_25 : memref<!tpu.dma_semaphore, #tpu.memory_space<semaphore_mem>>) src(%dma_wait3A_41 : memref<125x80xi32, #tpu.memory_space<hbm>>) dst(%arg7 : memref<125x80xi32, #tpu.memory_space<vmem>>)
      tpu.yield
    }) : () -> ()
    "tpu.region"() ({
      %run_scoped3A_25 = tpu.sem_alloc : memref<!tpu.dma_semaphore, #tpu.memory_space<semaphore_mem>>
      %dma_start3A_26 = arith.constant 0 : i32
      %dma_start3A_27 = arith.constant 0 : i32
      %dma_start3A_28 = tpu.memref_slice %arg4[%add3A, %dma_start3A_26, %dma_start3A_27] : memref<32x125x80xi32, #tpu.memory_space<hbm>> -> memref<1x125x80xi32, #tpu.memory_space<hbm>>
      %dma_start3A_29 = tpu.memref_squeeze %dma_start3A_28 : memref<1x125x80xi32, #tpu.memory_space<hbm>> -> memref<125x80xi32, #tpu.memory_space<hbm>>
      %dma_start3A_30 = arith.constant 0 : i32
      %dma_start3A_31 = arith.constant 0 : i32
      %dma_start3A_32 = tpu.memref_slice %arg4[%add3A, %dma_start3A_30, %dma_start3A_31] : memref<32x125x80xi32, #tpu.memory_space<hbm>> -> memref<1x125x80xi32, #tpu.memory_space<hbm>>
      %dma_start3A_33 = tpu.memref_squeeze %dma_start3A_32 : memref<1x125x80xi32, #tpu.memory_space<hbm>> -> memref<125x80xi32, #tpu.memory_space<hbm>>
      tpu.enqueue_dma source(%dma_start3A_33 : memref<125x80xi32, #tpu.memory_space<hbm>>) target(%arg8 : memref<125x80xi32, #tpu.memory_space<vmem>>) target_semaphore(%run_scoped3A_25 : memref<!tpu.dma_semaphore, #tpu.memory_space<semaphore_mem>>)
      %dma_wait3A_34 = arith.constant 0 : i32
      %dma_wait3A_35 = arith.constant 0 : i32
      %dma_wait3A_36 = tpu.memref_slice %arg4[%add3A, %dma_wait3A_34, %dma_wait3A_35] : memref<32x125x80xi32, #tpu.memory_space<hbm>> -> memref<1x125x80xi32, #tpu.memory_space<hbm>>
      %dma_wait3A_37 = tpu.memref_squeeze %dma_wait3A_36 : memref<1x125x80xi32, #tpu.memory_space<hbm>> -> memref<125x80xi32, #tpu.memory_space<hbm>>
      %dma_wait3A_38 = arith.constant 0 : i32
      %dma_wait3A_39 = arith.constant 0 : i32
      %dma_wait3A_40 = tpu.memref_slice %arg4[%add3A, %dma_wait3A_38, %dma_wait3A_39] : memref<32x125x80xi32, #tpu.memory_space<hbm>> -> memref<1x125x80xi32, #tpu.memory_space<hbm>>
      %dma_wait3A_41 = tpu.memref_squeeze %dma_wait3A_40 : memref<1x125x80xi32, #tpu.memory_space<hbm>> -> memref<125x80xi32, #tpu.memory_space<hbm>>
      tpu.wait_dma2 semaphore(%run_scoped3A_25 : memref<!tpu.dma_semaphore, #tpu.memory_space<semaphore_mem>>) src(%dma_wait3A_41 : memref<125x80xi32, #tpu.memory_space<hbm>>) dst(%arg8 : memref<125x80xi32, #tpu.memory_space<vmem>>)
      tpu.yield
    }) : () -> ()
    %mul3A_1 = arith.constant 632 : i32
    %mul3A_2 = arith.muli %arg1, %mul3A_1 : i32
    "tpu.region"() ({
      %run_scoped3A_25 = tpu.sem_alloc : memref<!tpu.dma_semaphore, #tpu.memory_space<semaphore_mem>>
      %dma_start3A_26 = arith.constant 0 : i32
      %dma_start3A_27 = tpu.memref_slice %arg11[%mul3A_2, %dma_start3A_26] : memref<10112x64xf32, #tpu.memory_space<vmem_shared>> -> memref<632x64xf32, #tpu.memory_space<vmem_shared>>
      tpu.enqueue_dma source(%arg5 : memref<632x64xf32, #tpu.memory_space<hbm>>) target(%dma_start3A_27 : memref<632x64xf32, #tpu.memory_space<vmem_shared>>) target_semaphore(%run_scoped3A_25 : memref<!tpu.dma_semaphore, #tpu.memory_space<semaphore_mem>>)
      %dma_wait3A_28 = arith.constant 0 : i32
      %dma_wait3A_29 = tpu.memref_slice %arg11[%mul3A_2, %dma_wait3A_28] : memref<10112x64xf32, #tpu.memory_space<vmem_shared>> -> memref<632x64xf32, #tpu.memory_space<vmem_shared>>
      tpu.wait_dma2 semaphore(%run_scoped3A_25 : memref<!tpu.dma_semaphore, #tpu.memory_space<semaphore_mem>>) src(%arg5 : memref<632x64xf32, #tpu.memory_space<hbm>>) dst(%dma_wait3A_29 : memref<632x64xf32, #tpu.memory_space<vmem_shared>>)
      tpu.yield
    }) : () -> ()
    %barrier3A = arith.constant 0 : index
    tpu.barrier barrier_id(%barrier3A)
    %dma_start3A = arith.constant 0 : i32
    %dma_start3A_3 = arith.constant 0 : i32
    %dma_start3A_4 = tpu.memref_slice %arg7[%dma_start3A, %dma_start3A_3] : memref<125x80xi32, #tpu.memory_space<vmem>> -> memref<1x80xi32, #tpu.memory_space<vmem>>
    %dma_start3A_5 = tpu.memref_squeeze %dma_start3A_4 : memref<1x80xi32, #tpu.memory_space<vmem>> -> memref<80xi32, #tpu.memory_space<vmem>>
    %dma_start3A_6 = arith.constant 0 : i32
    %dma_start3A_7 = arith.constant 0 : i32
    %dma_start3A_8 = tpu.memref_slice %arg2[%dma_start3A_6, %dma_start3A_7] : memref<10008x64xf32, #tpu.memory_space<hbm>> -> memref<10008x64xf32, #tpu.memory_space<hbm>>
    tpu.enqueue_indirect_dma source(%dma_start3A_8 : memref<10008x64xf32, #tpu.memory_space<hbm>>) target(%arg9 : memref<80x64xf32, #tpu.memory_space<vmem>>) offsets(%dma_start3A_5 : memref<80xi32, #tpu.memory_space<vmem>>) semaphore(%arg12 : memref<!tpu.dma_semaphore, #tpu.memory_space<semaphore_mem>>)
    %scan3A = arith.constant 0 : i32
    %scan3A_9 = arith.constant 0 : i32
    %scan3A_10 = arith.constant 62 : i32
    %scan3A_11 = arith.addi %scan3A_9, %scan3A_10 : i32
    %scan3A_12 = arith.constant 1 : i32
    scf.for %scan3A_25 = %scan3A_9 to %scan3A_11 step %scan3A_12  : i32 {
      %mul3A_26 = arith.constant 2 : i32
      %mul3A_27 = arith.muli %mul3A_26, %scan3A_25 : i32
      %add3A_28 = arith.constant 1 : i32
      %add3A_29 = arith.addi %mul3A_27, %add3A_28 : i32
      %dma_start3A_30 = arith.constant 0 : i32
      %dma_start3A_31 = tpu.memref_slice %arg7[%add3A_29, %dma_start3A_30] : memref<125x80xi32, #tpu.memory_space<vmem>> -> memref<1x80xi32, #tpu.memory_space<vmem>>
      %dma_start3A_32 = tpu.memref_squeeze %dma_start3A_31 : memref<1x80xi32, #tpu.memory_space<vmem>> -> memref<80xi32, #tpu.memory_space<vmem>>
      %dma_start3A_33 = arith.constant 0 : i32
      %dma_start3A_34 = arith.constant 0 : i32
      %dma_start3A_35 = tpu.memref_slice %arg2[%dma_start3A_33, %dma_start3A_34] : memref<10008x64xf32, #tpu.memory_space<hbm>> -> memref<10008x64xf32, #tpu.memory_space<hbm>>
      tpu.enqueue_indirect_dma source(%dma_start3A_35 : memref<10008x64xf32, #tpu.memory_space<hbm>>) target(%arg10 : memref<80x64xf32, #tpu.memory_space<vmem>>) offsets(%dma_start3A_32 : memref<80xi32, #tpu.memory_space<vmem>>) semaphore(%arg13 : memref<!tpu.dma_semaphore, #tpu.memory_space<semaphore_mem>>)
      %dma_wait3A_36 = arith.constant 0 : i32
      %dma_wait3A_37 = tpu.memref_slice %arg7[%mul3A_27, %dma_wait3A_36] : memref<125x80xi32, #tpu.memory_space<vmem>> -> memref<1x80xi32, #tpu.memory_space<vmem>>
      %dma_wait3A_38 = tpu.memref_squeeze %dma_wait3A_37 : memref<1x80xi32, #tpu.memory_space<vmem>> -> memref<80xi32, #tpu.memory_space<vmem>>
      %dma_wait3A_39 = arith.constant 0 : i32
      %dma_wait3A_40 = arith.constant 0 : i32
      %dma_wait3A_41 = tpu.memref_slice %arg2[%dma_wait3A_39, %dma_wait3A_40] : memref<10008x64xf32, #tpu.memory_space<hbm>> -> memref<10008x64xf32, #tpu.memory_space<hbm>>
      tpu.wait_indirect_dma semaphore(%arg12 : memref<!tpu.dma_semaphore, #tpu.memory_space<semaphore_mem>>) src(%dma_wait3A_41 : memref<10008x64xf32, #tpu.memory_space<hbm>>) dst(%arg9 : memref<80x64xf32, #tpu.memory_space<vmem>>)
      "tpu.region"() ({
        %run_scoped3A_52 = tpu.sem_alloc : memref<!tpu.dma_semaphore, #tpu.memory_space<semaphore_mem>>
        %dma_start3A_53 = arith.constant 0 : i32
        %dma_start3A_54 = tpu.memref_slice %arg8[%mul3A_27, %dma_start3A_53] : memref<125x80xi32, #tpu.memory_space<vmem>> -> memref<1x80xi32, #tpu.memory_space<vmem>>
        %dma_start3A_55 = tpu.memref_squeeze %dma_start3A_54 : memref<1x80xi32, #tpu.memory_space<vmem>> -> memref<80xi32, #tpu.memory_space<vmem>>
        %dma_start3A_56 = arith.constant 0 : i32
        %dma_start3A_57 = arith.constant 0 : i32
        %dma_start3A_58 = tpu.memref_slice %arg11[%dma_start3A_56, %dma_start3A_57] : memref<10112x64xf32, #tpu.memory_space<vmem_shared>> -> memref<10112x64xf32, #tpu.memory_space<vmem_shared>>
        tpu.enqueue_indirect_dma source(%arg9 : memref<80x64xf32, #tpu.memory_space<vmem>>) target(%dma_start3A_58 : memref<10112x64xf32, #tpu.memory_space<vmem_shared>>) offsets(%dma_start3A_55 : memref<80xi32, #tpu.memory_space<vmem>>) semaphore(%run_scoped3A_52 : memref<!tpu.dma_semaphore, #tpu.memory_space<semaphore_mem>>) {add = true}
        %dma_wait3A_59 = arith.constant 0 : i32
        %dma_wait3A_60 = tpu.memref_slice %arg8[%mul3A_27, %dma_wait3A_59] : memref<125x80xi32, #tpu.memory_space<vmem>> -> memref<1x80xi32, #tpu.memory_space<vmem>>
        %dma_wait3A_61 = tpu.memref_squeeze %dma_wait3A_60 : memref<1x80xi32, #tpu.memory_space<vmem>> -> memref<80xi32, #tpu.memory_space<vmem>>
        %dma_wait3A_62 = arith.constant 0 : i32
        %dma_wait3A_63 = arith.constant 0 : i32
        %dma_wait3A_64 = tpu.memref_slice %arg11[%dma_wait3A_62, %dma_wait3A_63] : memref<10112x64xf32, #tpu.memory_space<vmem_shared>> -> memref<10112x64xf32, #tpu.memory_space<vmem_shared>>
        tpu.wait_indirect_dma semaphore(%run_scoped3A_52 : memref<!tpu.dma_semaphore, #tpu.memory_space<semaphore_mem>>) src(%arg9 : memref<80x64xf32, #tpu.memory_space<vmem>>) dst(%dma_wait3A_64 : memref<10112x64xf32, #tpu.memory_space<vmem_shared>>)
        tpu.yield
      }) : () -> ()
      %add3A_42 = arith.constant 2 : i32
      %add3A_43 = arith.addi %mul3A_27, %add3A_42 : i32
      %lt3A = arith.constant 125 : i32
      %lt3A_44 = arith.cmpi slt, %add3A_43, %lt3A : i32
      %convert_element_type3A = arith.extui %lt3A_44 : i1 to i32
      %cond3A = arith.constant 0 : i32
      %cond3A_45 = arith.cmpi ne, %convert_element_type3A, %cond3A : i32
      scf.if %cond3A_45 {
        %add3A_52 = arith.constant 2 : i32
        %add3A_53 = arith.addi %mul3A_27, %add3A_52 : i32
        %dma_start3A_54 = arith.constant 0 : i32
        %dma_start3A_55 = tpu.memref_slice %arg7[%add3A_53, %dma_start3A_54] : memref<125x80xi32, #tpu.memory_space<vmem>> -> memref<1x80xi32, #tpu.memory_space<vmem>>
        %dma_start3A_56 = tpu.memref_squeeze %dma_start3A_55 : memref<1x80xi32, #tpu.memory_space<vmem>> -> memref<80xi32, #tpu.memory_space<vmem>>
        %dma_start3A_57 = arith.constant 0 : i32
        %dma_start3A_58 = arith.constant 0 : i32
        %dma_start3A_59 = tpu.memref_slice %arg2[%dma_start3A_57, %dma_start3A_58] : memref<10008x64xf32, #tpu.memory_space<hbm>> -> memref<10008x64xf32, #tpu.memory_space<hbm>>
        tpu.enqueue_indirect_dma source(%dma_start3A_59 : memref<10008x64xf32, #tpu.memory_space<hbm>>) target(%arg9 : memref<80x64xf32, #tpu.memory_space<vmem>>) offsets(%dma_start3A_56 : memref<80xi32, #tpu.memory_space<vmem>>) semaphore(%arg12 : memref<!tpu.dma_semaphore, #tpu.memory_space<semaphore_mem>>)
      } else {
      }
      %dma_wait3A_46 = arith.constant 0 : i32
      %dma_wait3A_47 = tpu.memref_slice %arg7[%add3A_29, %dma_wait3A_46] : memref<125x80xi32, #tpu.memory_space<vmem>> -> memref<1x80xi32, #tpu.memory_space<vmem>>
      %dma_wait3A_48 = tpu.memref_squeeze %dma_wait3A_47 : memref<1x80xi32, #tpu.memory_space<vmem>> -> memref<80xi32, #tpu.memory_space<vmem>>
      %dma_wait3A_49 = arith.constant 0 : i32
      %dma_wait3A_50 = arith.constant 0 : i32
      %dma_wait3A_51 = tpu.memref_slice %arg2[%dma_wait3A_49, %dma_wait3A_50] : memref<10008x64xf32, #tpu.memory_space<hbm>> -> memref<10008x64xf32, #tpu.memory_space<hbm>>
      tpu.wait_indirect_dma semaphore(%arg13 : memref<!tpu.dma_semaphore, #tpu.memory_space<semaphore_mem>>) src(%dma_wait3A_51 : memref<10008x64xf32, #tpu.memory_space<hbm>>) dst(%arg10 : memref<80x64xf32, #tpu.memory_space<vmem>>)
      "tpu.region"() ({
        %run_scoped3A_52 = tpu.sem_alloc : memref<!tpu.dma_semaphore, #tpu.memory_space<semaphore_mem>>
        %dma_start3A_53 = arith.constant 0 : i32
        %dma_start3A_54 = tpu.memref_slice %arg8[%add3A_29, %dma_start3A_53] : memref<125x80xi32, #tpu.memory_space<vmem>> -> memref<1x80xi32, #tpu.memory_space<vmem>>
        %dma_start3A_55 = tpu.memref_squeeze %dma_start3A_54 : memref<1x80xi32, #tpu.memory_space<vmem>> -> memref<80xi32, #tpu.memory_space<vmem>>
        %dma_start3A_56 = arith.constant 0 : i32
        %dma_start3A_57 = arith.constant 0 : i32
        %dma_start3A_58 = tpu.memref_slice %arg11[%dma_start3A_56, %dma_start3A_57] : memref<10112x64xf32, #tpu.memory_space<vmem_shared>> -> memref<10112x64xf32, #tpu.memory_space<vmem_shared>>
        tpu.enqueue_indirect_dma source(%arg10 : memref<80x64xf32, #tpu.memory_space<vmem>>) target(%dma_start3A_58 : memref<10112x64xf32, #tpu.memory_space<vmem_shared>>) offsets(%dma_start3A_55 : memref<80xi32, #tpu.memory_space<vmem>>) semaphore(%run_scoped3A_52 : memref<!tpu.dma_semaphore, #tpu.memory_space<semaphore_mem>>) {add = true}
        %dma_wait3A_59 = arith.constant 0 : i32
        %dma_wait3A_60 = tpu.memref_slice %arg8[%add3A_29, %dma_wait3A_59] : memref<125x80xi32, #tpu.memory_space<vmem>> -> memref<1x80xi32, #tpu.memory_space<vmem>>
        %dma_wait3A_61 = tpu.memref_squeeze %dma_wait3A_60 : memref<1x80xi32, #tpu.memory_space<vmem>> -> memref<80xi32, #tpu.memory_space<vmem>>
        %dma_wait3A_62 = arith.constant 0 : i32
        %dma_wait3A_63 = arith.constant 0 : i32
        %dma_wait3A_64 = tpu.memref_slice %arg11[%dma_wait3A_62, %dma_wait3A_63] : memref<10112x64xf32, #tpu.memory_space<vmem_shared>> -> memref<10112x64xf32, #tpu.memory_space<vmem_shared>>
        tpu.wait_indirect_dma semaphore(%run_scoped3A_52 : memref<!tpu.dma_semaphore, #tpu.memory_space<semaphore_mem>>) src(%arg10 : memref<80x64xf32, #tpu.memory_space<vmem>>) dst(%dma_wait3A_64 : memref<10112x64xf32, #tpu.memory_space<vmem_shared>>)
        tpu.yield
      }) : () -> ()
    }
    %scan3A_13 = arith.constant 62 : i32
    %dma_wait3A = arith.constant 124 : i32
    %dma_wait3A_14 = arith.constant 0 : i32
    %dma_wait3A_15 = tpu.memref_slice %arg7[%dma_wait3A, %dma_wait3A_14] : memref<125x80xi32, #tpu.memory_space<vmem>> -> memref<1x80xi32, #tpu.memory_space<vmem>>
    %dma_wait3A_16 = tpu.memref_squeeze %dma_wait3A_15 : memref<1x80xi32, #tpu.memory_space<vmem>> -> memref<80xi32, #tpu.memory_space<vmem>>
    %dma_wait3A_17 = arith.constant 0 : i32
    %dma_wait3A_18 = arith.constant 0 : i32
    %dma_wait3A_19 = tpu.memref_slice %arg2[%dma_wait3A_17, %dma_wait3A_18] : memref<10008x64xf32, #tpu.memory_space<hbm>> -> memref<10008x64xf32, #tpu.memory_space<hbm>>
    tpu.wait_indirect_dma semaphore(%arg12 : memref<!tpu.dma_semaphore, #tpu.memory_space<semaphore_mem>>) src(%dma_wait3A_19 : memref<10008x64xf32, #tpu.memory_space<hbm>>) dst(%arg9 : memref<80x64xf32, #tpu.memory_space<vmem>>)
    %run_scoped3A = arith.constant 124 : i32
    "tpu.region"() ({
      %run_scoped3A_25 = tpu.sem_alloc : memref<!tpu.dma_semaphore, #tpu.memory_space<semaphore_mem>>
      %dma_start3A_26 = arith.constant 0 : i32
      %dma_start3A_27 = tpu.memref_slice %arg8[%run_scoped3A, %dma_start3A_26] : memref<125x80xi32, #tpu.memory_space<vmem>> -> memref<1x80xi32, #tpu.memory_space<vmem>>
      %dma_start3A_28 = tpu.memref_squeeze %dma_start3A_27 : memref<1x80xi32, #tpu.memory_space<vmem>> -> memref<80xi32, #tpu.memory_space<vmem>>
      %dma_start3A_29 = arith.constant 0 : i32
      %dma_start3A_30 = arith.constant 0 : i32
      %dma_start3A_31 = tpu.memref_slice %arg11[%dma_start3A_29, %dma_start3A_30] : memref<10112x64xf32, #tpu.memory_space<vmem_shared>> -> memref<10112x64xf32, #tpu.memory_space<vmem_shared>>
      tpu.enqueue_indirect_dma source(%arg9 : memref<80x64xf32, #tpu.memory_space<vmem>>) target(%dma_start3A_31 : memref<10112x64xf32, #tpu.memory_space<vmem_shared>>) offsets(%dma_start3A_28 : memref<80xi32, #tpu.memory_space<vmem>>) semaphore(%run_scoped3A_25 : memref<!tpu.dma_semaphore, #tpu.memory_space<semaphore_mem>>) {add = true}
      %dma_wait3A_32 = arith.constant 0 : i32
      %dma_wait3A_33 = tpu.memref_slice %arg8[%run_scoped3A, %dma_wait3A_32] : memref<125x80xi32, #tpu.memory_space<vmem>> -> memref<1x80xi32, #tpu.memory_space<vmem>>
      %dma_wait3A_34 = tpu.memref_squeeze %dma_wait3A_33 : memref<1x80xi32, #tpu.memory_space<vmem>> -> memref<80xi32, #tpu.memory_space<vmem>>
      %dma_wait3A_35 = arith.constant 0 : i32
      %dma_wait3A_36 = arith.constant 0 : i32
      %dma_wait3A_37 = tpu.memref_slice %arg11[%dma_wait3A_35, %dma_wait3A_36] : memref<10112x64xf32, #tpu.memory_space<vmem_shared>> -> memref<10112x64xf32, #tpu.memory_space<vmem_shared>>
      tpu.wait_indirect_dma semaphore(%run_scoped3A_25 : memref<!tpu.dma_semaphore, #tpu.memory_space<semaphore_mem>>) src(%arg9 : memref<80x64xf32, #tpu.memory_space<vmem>>) dst(%dma_wait3A_37 : memref<10112x64xf32, #tpu.memory_space<vmem_shared>>)
      tpu.yield
    }) : () -> ()
    %barrier3A_20 = arith.constant 0 : index
    tpu.barrier barrier_id(%barrier3A_20)
    %mul3A_21 = arith.constant 632 : i32
    %mul3A_22 = arith.muli %arg1, %mul3A_21 : i32
    %mul3A_23 = arith.constant 632 : i32
    %mul3A_24 = arith.muli %arg1, %mul3A_23 : i32
    "tpu.region"() ({
      %run_scoped3A_25 = tpu.sem_alloc : memref<!tpu.dma_semaphore, #tpu.memory_space<semaphore_mem>>
      %dma_start3A_26 = arith.constant 0 : i32
      %dma_start3A_27 = tpu.memref_slice %arg6[%arg0, %mul3A_24, %dma_start3A_26] : memref<2x10112x64xf32, #tpu.memory_space<hbm>> -> memref<1x632x64xf32, #tpu.memory_space<hbm>>
      %dma_start3A_28 = tpu.memref_squeeze %dma_start3A_27 : memref<1x632x64xf32, #tpu.memory_space<hbm>> -> memref<632x64xf32, #tpu.memory_space<hbm>>
      %dma_start3A_29 = arith.constant 0 : i32
      %dma_start3A_30 = tpu.memref_slice %arg11[%mul3A_22, %dma_start3A_29] : memref<10112x64xf32, #tpu.memory_space<vmem_shared>> -> memref<632x64xf32, #tpu.memory_space<vmem_shared>>
      tpu.enqueue_dma source(%dma_start3A_30 : memref<632x64xf32, #tpu.memory_space<vmem_shared>>) target(%dma_start3A_28 : memref<632x64xf32, #tpu.memory_space<hbm>>) target_semaphore(%run_scoped3A_25 : memref<!tpu.dma_semaphore, #tpu.memory_space<semaphore_mem>>)
      %dma_wait3A_31 = arith.constant 0 : i32
      %dma_wait3A_32 = tpu.memref_slice %arg6[%arg0, %mul3A_24, %dma_wait3A_31] : memref<2x10112x64xf32, #tpu.memory_space<hbm>> -> memref<1x632x64xf32, #tpu.memory_space<hbm>>
      %dma_wait3A_33 = tpu.memref_squeeze %dma_wait3A_32 : memref<1x632x64xf32, #tpu.memory_space<hbm>> -> memref<632x64xf32, #tpu.memory_space<hbm>>
      %dma_wait3A_34 = arith.constant 0 : i32
      %dma_wait3A_35 = tpu.memref_slice %arg11[%mul3A_22, %dma_wait3A_34] : memref<10112x64xf32, #tpu.memory_space<vmem_shared>> -> memref<632x64xf32, #tpu.memory_space<vmem_shared>>
      tpu.wait_dma2 semaphore(%run_scoped3A_25 : memref<!tpu.dma_semaphore, #tpu.memory_space<semaphore_mem>>) src(%dma_wait3A_35 : memref<632x64xf32, #tpu.memory_space<vmem_shared>>) dst(%dma_wait3A_33 : memref<632x64xf32, #tpu.memory_space<hbm>>)
      tpu.yield
    }) : () -> ()
    return
  }
}

</mosaic_0001>

<sc_bundles>
// kernel: kernel.12.cloned.1.call-start
scs
__scs_entry_jumppad:
0x0: {  	(pc) =	sbr.rel $0x88, $3  }
0x1: {  	(tag) =	ssettag $0x0;
	lr =	simm.s32 $0x1  }
0x2: {  	[smem:$0x3F9E] =	sst lr;
	_ =	strace $0xD0000000  }
0x3: {  	_ = 	snop  }
0x4: {  	_ = 	snop  }
0x5: {  	_ = 	snop  }
0x6: {  	_ = 	snop  }
0x7: {  	_ = 	snop  }
__scs_overlays_trampoline_lowered:
0x8: {  	[smem:$0x3FAD] =	sst s0  }
0x9: {  	[smem:$0x3FAE] =	sst s1  }
0xa: {  	[smem:$0x3FAF] =	sst s2  }
0xb: {  	[smem:$0x3FB0] =	sst s3  }
0xc: {  	[smem:$0x3FB1] =	sst s4  }
0xd: {  	[smem:$0x3FB2] =	sst s5  }
0xe: {  	[smem:$0x3FB3] =	sst s6  }
0xf: {  	[smem:$0x3FB4] =	sst s7  }
0x10: {  	[smem:$0x3FB5] =	sst s8  }
0x11: {  	[smem:$0x3FB6] =	sst s9;
	s0 =	simm.s32 @!p0 $0x0  }
0x12: {  	s1 =	sld [smem:$0x3F9C];
	s0 =	simm.s32 @p0 $0x1  }
0x13: {  	[smem:$0x3FB7] =	sst s0;
	s0 =	simm.s32 @!p1 $0x0  }
0x14: {  	s2 =	sld [smem:$0x3F9B];
	s0 =	simm.s32 @p1 $0x1  }
0x15: {  	[smem:$0x3FB8] =	sst s0;
	s0 =	simm.s32 @!p2 $0x0  }
0x16: {  	s3 =	sld [smem:$0x3FDB];
	s0 =	simm.s32 @p2 $0x1  }
0x17: {  	s4 =	simm.s32 $0x1BF5;
	[smem:$0x3FBA] =	sst s0  }
0x18: {  	s0 =	sld [smem:$0x3F9D];
	_ =	swait.ge [sflag:s4], $0x0  }
0x19: {  	s7 =	sld [smem:$0x3F9E]  }
0x1a: {  	s8 =	sadd.s32 $0xFFFFE003, lr  }
0x1b: {  	s9 =	sadd.s32 $0xFFFFFEF7, lr;
	s5 =	simm.s32 $0xFFFFFFFF;
	p2 =	slt.u32 s8, $0xFFFFF086  }
0x1c: {  	p1 =	slt.u32 s9, $0xF7A;
	s5 =	simm.s32 @!p2 $0x0  }
0x1d: {  	s5 =	simm.s32 @p1 $0x1;
	p0 =	seq.s32 s7, s2  }
0x1e: {  	s7 =	smul.u32 @!p0 $0xF7A, s2;
	p2 =	seq.s32 @!p0 s5, $0x0  }
0x1f: {  	s9 =	smul.u32 $0xF7A, s1;
	s8 =	simm.s32 @!p0 $0x1BF5;
	p2 =	por !p2, p0  }
0x20: {  	[sflag:s8] =	ssyncset.s32 @!p0 $0xFFFFF086;
	s6 =	sadd.s32 @!p0 s3, s7;
	s7 =	simm.s32 @!p0 $0x108  }
0x21: {  	s3 =	sadd.s32 s3, s9;
	s6 =	sadd.s32 @!p0 $0x88, s6;
	s7 =	simm.s32 @p2 $0x1082  }
0x22: {  	[simem:s7], [sflag:s8] =	dma.local @!p0 [hbm:s6], $0xF7A  }
0x23: {  	s9 =	sor.u32 $0xD0000000, s2;
	s6 =	simm.s32 $0x108;
	_ =	swait.ge @!p0 [sflag:s8], $0x0  }
0x24: {  	s3 =	sadd.s32 $0x88, s3;
	s6 =	simm.s32 @!p1 $0x1082;
	[sflag:s4] =	ssyncset.s32 $0xFFFFF086  }
0x25: {  	[simem:s6], [sflag:s4] =	dma.local [hbm:s3], $0xF7A  }
0x26: {  	[smem:$0x3F9E] =	sst s1;
	(tag) =	ssettag s2;
	_ =	strace s9  }
0x27: {  	s1 =	sld [smem:$0x3FAE]  }
0x28: {  	s2 =	sld [smem:$0x3FAF]  }
0x29: {  	s4 =	sld [smem:$0x3FB1]  }
0x2a: {  	p0 =	seq.s32 s5, $0x0;
	s5 =	sld [smem:$0x3FB2]  }
0x2b: {  	s6 =	sld [smem:$0x3FB3]  }
0x2c: {  	s7 =	sld [smem:$0x3FB4]  }
0x2d: {  	s3 =	simm.s32 $0x108;
	s8 =	sld [smem:$0x3FB5]  }
0x2e: {  	s3 =	simm.s32 @!p0 $0x1082;
	s9 =	sld [smem:$0x3FB6]  }
0x2f: {  	lr =	sadd.s32 s0, s3;
	s0 =	sld [smem:$0x3FAD]  }
0x30: {  	s3 =	sld [smem:$0x3FB0]  }
0x31: {  	[smem:$0x3FB9] =	sst s10  }
0x32: {  	s10 =	sld [smem:$0x3FB7];
	_ =	sdelay $0x3  }
0x33: {  	p0 =	seq.s32 s10, $0x1;
	s10 =	sld [smem:$0x3FB9];
	_ =	sdelay $0x3  }
0x34: {  	[smem:$0x3FB9] =	sst s10  }
0x35: {  	s10 =	sld [smem:$0x3FB8];
	_ =	sdelay $0x3  }
0x36: {  	p1 =	seq.s32 s10, $0x1;
	s10 =	sld [smem:$0x3FB9];
	_ =	sdelay $0x3  }
0x37: {  	[smem:$0x3FB9] =	sst s10  }
0x38: {  	s10 =	sld [smem:$0x3FBA]  }
0x39: {  	_ = 	snop;
	(pc) =	sbr.ind lr, $3  }
0x3a: {  	_ = 	snop  }
0x3b: {  	_ = 	snop  }
0x3c: {  	p2 =	seq.s32 s10, $0x1;
	s10 =	sld [smem:$0x3FB9]  }
0x3d: {  	_ =	shalt  }
0x3e: {  	_ =	shalt  }
0x3f: {  	_ =	shalt  }
0x40: {  	_ =	shalt  }
0x41: {  	_ =	shalt  }
0x42: {  	_ =	shalt  }
0x43: {  	_ =	shalt  }
0x44: {  	_ =	shalt  }
0x45: {  	_ =	shalt  }
0x46: {  	_ =	shalt  }
0x47: {  	_ =	shalt  }
0x48: {  	_ =	shalt  }
0x49: {  	_ =	shalt  }
0x4a: {  	_ =	shalt  }
0x4b: {  	_ =	shalt  }
0x4c: {  	_ =	shalt  }
0x4d: {  	_ =	shalt  }
0x4e: {  	_ =	shalt  }
0x4f: {  	_ =	shalt  }
0x50: {  	_ =	shalt  }
0x51: {  	_ =	shalt  }
0x52: {  	_ =	shalt  }
0x53: {  	_ =	shalt  }
0x54: {  	_ =	shalt  }
0x55: {  	_ =	shalt  }
0x56: {  	_ =	shalt  }
0x57: {  	_ =	shalt  }
0x58: {  	_ =	shalt  }
0x59: {  	_ =	shalt  }
0x5a: {  	_ =	shalt  }
0x5b: {  	_ =	shalt  }
0x5c: {  	_ =	shalt  }
0x5d: {  	_ =	shalt  }
0x5e: {  	_ =	shalt  }
0x5f: {  	_ =	shalt  }
0x60: {  	_ =	shalt  }
0x61: {  	_ =	shalt  }
0x62: {  	_ =	shalt  }
0x63: {  	_ =	shalt  }
0x64: {  	_ =	shalt  }
0x65: {  	_ =	shalt  }
0x66: {  	_ =	shalt  }
0x67: {  	_ =	shalt  }
0x68: {  	_ =	shalt  }
0x69: {  	_ =	shalt  }
0x6a: {  	_ =	shalt  }
0x6b: {  	_ =	shalt  }
0x6c: {  	_ =	shalt  }
0x6d: {  	_ =	shalt  }
0x6e: {  	_ =	shalt  }
0x6f: {  	_ =	shalt  }
0x70: {  	_ =	shalt  }
0x71: {  	_ =	shalt  }
0x72: {  	_ =	shalt  }
0x73: {  	_ =	shalt  }
0x74: {  	_ =	shalt  }
0x75: {  	_ =	shalt  }
0x76: {  	_ =	shalt  }
0x77: {  	_ =	shalt  }
0x78: {  	_ =	shalt  }
0x79: {  	_ =	shalt  }
0x7a: {  	_ =	shalt  }
0x7b: {  	_ =	shalt  }
0x7c: {  	_ =	shalt  }
0x7d: {  	_ =	shalt  }
0x7e: {  	_ =	shalt  }
0x7f: {  	_ =	shalt  }
0x80: {  	_ =	shalt  }
0x81: {  	_ =	shalt  }
0x82: {  	_ =	shalt  }
0x83: {  	_ =	shalt  }
0x84: {  	_ =	shalt  }
0x85: {  	_ =	shalt  }
0x86: {  	_ =	shalt  }
0x87: {  	_ =	shalt  }
.Lfunc_end0:
.L_simem_size_0:
called_computation.1_lowered:
.L_overlay_start_0:
0x88: {  	s2 =	sld [smem:$0x3FD9]  }
0x89: {  	s3 =	sld [smem:$0x3FFE];
	_ =	sdelay $0x1  }
0x8a: {  	s1 =	srdreg.scid  }
0x8b: {  	s0 =	sand.u32 $0x1, s1  }
0x8c: {  	s14 =	sshll.u32 s0, $0xA;
	s2 =	sadd.s32 s3, s2  }
0x8d: {  	s2 =	sadd.s32 s2, s14  }
0x8e: {  	[smem:$0x3FC5] =	sst s2  }
0x8f: {  	_ = 	snop  }
0x90: {  	s2 =	sld [smem:$0x3FD0];
	_ =	sdelay $0x2  }
0x91: {  	s15 =	simm.s32 $0xB;
	s4 =	simm.s32 $0x10  }
0x92: {  	[smem:s4], [sflag:s15] =	dma.local [hbm:s2], $0x1  }
0x93: {  	_ =	swait.eq [sflag:s15], $0x1  }
0x94: {  	[sflag:s15] =	ssyncset.done $0x0  }
0x95: {  	s16 =	sld [smem:$0x10];
	[sflag:s15] =	ssyncadd.s32 $0xFFFFFFFF  }
0x96: {  	s17 =	sld [smem:$0x11];
	(tm) =	ssettm $0x1  }
0x97: {  	s18 =	sld [smem:$0x3FFB];
	_ =	sdelay $0x3  }
0x98: {  	_ =	strace s18  }
0x99: {  	s4 =	sld [smem:$0x3FFC];
	_ =	sdelay $0x3  }
0x9a: {  	_ =	strace s4  }
0x9b: {  	s4 =	sld [smem:$0x3FFD];
	_ =	sdelay $0x3  }
0x9c: {  	_ =	strace s4  }
0x9d: {  	_ =	strace $0x8FFFFFFF  }
0x9e: {  	s19 =	sld [smem:$0x3FDB];
	_ =	sdelay $0x1  }
0x9f: {  	s5 =	simm.s32 $_scs_section_size  }
0xa0: {  	s6 =	simm.s32 $_size__tile_overlayer_lowered;
	s7 =	simm.s32 $_tile_overlayer_lowered  }
0xa1: {  	s22 =	simm.s32 $0x1BFF;
	s21 =	sshll.u32 s7, $0x1;
	s4 =	sadd.s32 s5, s19  }
0xa2: {  	s8 =	simm.s32 $0x0;
	s20 =	sshll.u32 s6, $0x1;
	s6 =	sadd.s32 s21, s4  }
0xa3: {  	[timem:s8], [sflag:s22] =	dma.local [hbm:s6], s20  }
0xa4: {  	_ =	swait.ge [sflag:s22], s20  }
0xa5: {  	s5 =	ssub.s32 $0x0, s20;
	[sflag:s22] =	ssyncset.done $0x0  }
0xa6: {  	[sflag:s22] =	ssyncadd.s32 s5;
	_ =	sdelay $0x1  }
0xa7: {  	s23 =	simm.s32 $0x1B8B  }
0xa8: {  	_ =	swait.ge [sflag:s23], $0x1  }
0xa9: {  	[sflag:s23] =	ssyncset.done $0x0  }
0xaa: {  	s25 =	simm.s32 $0x1B8E;
	s24 =	sld [smem:$0x3FFE];
	[sflag:s23] =	ssyncadd.s32 $0xFFFFFFFF  }
0xab: {  	s26 =	simm.s32 $execute0_lowered;
	[smem:$0x3FD2] =	sst s25  }
0xac: {  	s6 =	sshll.u32 s26, $0x1;
	_ =	strace $0x80000049;
	[dreg:$0x1] =	wrdreg $0xFFFFFFFF  }
0xad: {  	s28 =	simm.s32 $_size_execute0_lowered;
	s4 =	sadd.s32 s4, s6;
	[dreg:$0x0] =	wrdreg $0x0  }
0xae: {  	s6 =	sshll.u32 s28, $0x1;
	[dreg:$0x2] =	wrdreg s4  }
0xaf: {  	[dreg:$0x3] =	wrdreg s6  }
0xb0: {  	[dreg:$0x4] =	wrdreg $0xC0  }
0xb1: {  	_ =	task [dreg:s8], $0x5FFFF  }
0xb2: {  	[dreg:$0x1] =	wrdreg $0xFFFFFFFF  }
0xb3: {  	[dreg:$0x0] =	wrdreg $0x60  }
0xb4: {  	[dreg:$0x2] =	wrdreg s16  }
0xb5: {  	[dreg:$0x3] =	wrdreg s24  }
0xb6: {  	[dreg:$0x4] =	wrdreg s17  }
0xb7: {  	[dreg:$0x5] =	wrdreg $0x76200  }
0xb8: {  	[dreg:$0x6] =	wrdreg $0xA  }
0xb9: {  	_ =	task.clear_ibuf [dreg:s8], $0x7FFFF;
	_ =	strace $0x90000049  }
0xba: {  	s29 =	simm.s32 $0xA;
	_ =	strace $0x8000004B  }
0xbb: {  	_ =	swait.ge [sflag:s29], $0x1  }
0xbc: {  	[sflag:s29] =	ssyncadd.s32 $0xFFFFFFFF  }
0xbd: {  	_ =	strace $0x9000004B  }
0xbe: {  	_ =	sfence  }
0xbf: {  	s30 =	sld [smem:$0x0];
	_ =	sdelay $0x2  }
0xc0: {  	s31 =	sshll.u32 s1, $0xD;
	s1 =	sshrl.u32 s1, $0x2  }
0xc1: {  	s3 =	sand.u32 $0x4000, s31;
	s1 =	sadd.s32 s1, s30  }
0xc2: {  	s0 =	sor.u32 s3, s0;
	s1 =	sshll.u32 s1, $0x11  }
0xc3: {  	s0 =	sor.u32 s1, s0  }
0xc4: {  	s0 =	sadd.s32 $0x8F2B, s0  }
0xc5: {  	[sflag:s0] =	ssyncadd.remote.s32 $0x1  }
0xc6: {  	_ =	sfence.sel $0xFFFF  }
0xc7: {  	[dreg:$0x0] =	wrdreg $0xFFFFFFFF;
	(pc) =	sbr.abs _section_cstart, $3  }
0xc8: {  	[dreg:$0x1] =	wrdreg $0xFFFFFFFF  }
0xc9: {  	_ =	task.clear_ibuf [dreg:s8], $0x2FFFF;
	_ =	strace $0x9FFFFFFF  }
0xca: {  	(tm) =	ssettm $0x7FFFFFFF  }
0xcb: {  	_ =	shalt  }
tec
execute0_lowered:
.L_overlay_start_1:
0x0: {  	(tag) =	ssettag $0x1  }
0x1: {  	s1 =	rddreg [dreg:$0x0]  }
0x2: {  	s6 =	rddreg [dreg:$0x1]  }
0x3: {  	s2 =	srdreg.scid;
	s3 =	rddreg [dreg:$0x2]  }
0x4: {  	s0 =	stileid.u32;
	s4 =	rddreg [dreg:$0x3];
	s5 =	simm.s32 $0x0  }
0x5: {  	s14 =	simm.s32 $0x50;
	s15 =	simm.s32 $0x4E20;
	s16 =	simm.s32 $0x6220  }
0x6: {  	s17 =	simm.s32 $0x1;
	s18 =	simm.s32 $0x2;
	s19 =	simm.s32 $0x4DD0  }
0x7: {  	s20 =	simm.s32 $0x0;
	s7 =	sand.u32 $0x1, s2;
	s2 =	rddreg [dreg:$0x4]  }
0x8: {  	s8 =	smul.u32 $0x9E00, s0;
	s9 =	sshll.u32 s0, $0x1;
	[smem:$0x7FF] =	sst s5  }
0x9: {  	s12 =	sshll.u32 s0, $0x6;
	s10 =	smul.u32 $0x9E000, s7;
	s9 =	sor.u32 s7, s9  }
0xa: {  	_ =	strace $0x8000004A;
	s7 =	ssub.s32 $0x2, s7;
	s12 =	sor.u32 $0x1C03, s12  }
0xb: {  	s9 =	smul.u32 $0x4E2, s9;
	s31 =	sshrl.u32 s7, $0x1;
	s10 =	sadd.s32 s8, s10  }
0xc: {  	s13 =	sadd.s32 s8, s4;
	s11 =	ssub.s32 s7, s31;
	s10 =	sshrl.u32 s10, $0x3  }
0xd: {  	s13 =	sshrl.u32 s13, $0x3;
	s9 =	sadd.s32 s9, s6;
	s10 =	sadd.s32 s10, s6  }
0xe: {  	s6 =	sadd.s32 $0x2600, s9;
	s7 =	sadd.s32 $0xC400, s9;
	s9 =	smax.u32 s11, $0x1  }
0xf: {  	s11 =	simm.s32 $0x2710;
	s8 =	sadd.s32 $0x3D600, s10;
	s10 =	simm.s32 $0x3  }
.LBB2_1:
0x10: {  	[tilespmem:s5], [sflag:$0x3] =	stream.linear.gather [hbm4b:s6+s5], $0x2710, $0x38;
	[tilespmem:$0x11420] =	vst v63  }
0x11: {  	_ =	swait.ge [sflag:s10], $0x2710  }
0x12: {  	[sflag:s10] =	ssyncset.done $0x0  }
0x13: {  	[sflag:s10] =	ssyncadd.s32 $0xFFFFD8F0  }
0x14: {  	[tilespmem:s11], [sflag:$0x3] =	stream.linear.gather [hbm4b:s7+s5], $0x2710, $0x38;
	[tilespmem:$0x11420] =	vst v63  }
0x15: {  	_ =	swait.ge [sflag:s10], $0x2710  }
0x16: {  	[sflag:s10] =	ssyncset.done $0x0  }
0x17: {  	[sflag:s10] =	ssyncadd.s32 $0xFFFFD8F0  }
0x18: {  	[spmem:s13], [sflag:s12] =	dma.local [hbm:s3], $0x13C0  }
0x19: {  	_ =	swait.ge [sflag:s10], $0x13C0  }
0x1a: {  	[sflag:s10] =	ssyncset.done $0x0  }
0x1b: {  	[sflag:s10] =	ssyncadd.s32 $0xFFFFEC40  }
0x1c: {  	[bflag:$0x0] =	sbarrier.arrive $0xFFFF  }
0x1d: {  	[tilespmem:s15], [sflag:$0x1] =	stream.indirect.gather [hbm4b:s1+s14], $0x40, s5, s14, $0xb8;
	[tilespmem:$0x11420] =	vst v63  }
0x1e: {  	s21 =	simm.s32 $0x50  }
0x1f: {  	[tilespmem:s16], [sflag:$0x2] =	stream.indirect.gather [hbm4b:s1+s14], $0x40, s21, s14, $0xb8;
	[tilespmem:$0x11420] =	vst v63  }
0x20: {  	_ =	swait.ge [sflag:s17], $0x1400  }
0x21: {  	[sflag:s17] =	ssyncset.done $0x0  }
0x22: {  	s29 =	simm.s32 $0x2710;
	[sflag:s17] =	ssyncadd.s32 $0xFFFFEC00  }
0x23: {  	[spmem:s4] =	stream.indirect.scatter.add.f32 [tilespmem:s15], [sflag:$0x3], $0x40, s29, s14, $0xb8;
	[tilespmem:$0x11420] =	vst v63  }
0x24: {  	_ =	swait.ge [sflag:s10], $0x1400  }
0x25: {  	[sflag:s10] =	ssyncset.done $0x0  }
0x26: {  	s30 =	simm.s32 $0xA0;
	[sflag:s10] =	ssyncadd.s32 $0xFFFFEC00  }
0x27: {  	[tilespmem:s15], [sflag:$0x1] =	stream.indirect.gather [hbm4b:s1+s14], $0x40, s30, s14, $0xb8;
	[tilespmem:$0x11420] =	vst v63  }
0x28: {  	_ =	swait.ge [sflag:s18], $0x1400  }
0x29: {  	[sflag:s18] =	ssyncset.done $0x0  }
0x2a: {  	s31 =	simm.s32 $0x2760;
	[sflag:s18] =	ssyncadd.s32 $0xFFFFEC00  }
0x2b: {  	[spmem:s4] =	stream.indirect.scatter.add.f32 [tilespmem:s16], [sflag:$0x3], $0x40, s31, s14, $0xb8;
	[tilespmem:$0x11420] =	vst v63  }
0x2c: {  	_ =	swait.ge [sflag:s10], $0x1400  }
0x2d: {  	s22 =	simm.s32 $0x500;
	s21 =	simm.s32 $0xA0;
	[sflag:s10] =	ssyncset.done $0x0  }
.LBB2_2:
0x2e: {  	s23 =	sadd.s32 $0x50, s21  }
0x2f: {  	[sflag:s10] =	ssyncadd.s32 $0xFFFFEC00;
	s24 =	smov.u32 s22;
	s25 =	sadd.s32 $0x280, s22  }
0x30: {  	[tilespmem:s16], [sflag:$0x2] =	stream.indirect.gather [hbm4b:s1+s14], $0x40, s23, s14, $0xb8;
	[tilespmem:$0x11420] =	vst v63  }
0x31: {  	p0 =	sne.s32 s22, $0x9880;
	_ =	swait.ge [sflag:s17], $0x1400  }
0x32: {  	[sflag:s17] =	ssyncset.done $0x0  }
0x33: {  	s22 =	sadd.s32 $0x2710, s21;
	[sflag:s17] =	ssyncadd.s32 $0xFFFFEC00  }
0x34: {  	[spmem:s4] =	stream.indirect.scatter.add.f32 [tilespmem:s15], [sflag:$0x3], $0x40, s22, s14, $0xb8;
	[tilespmem:$0x11420] =	vst v63  }
0x35: {  	_ =	swait.ge [sflag:s10], $0x1400  }
0x36: {  	[sflag:s10] =	ssyncset.done $0x0  }
0x37: {  	s22 =	sadd.s32 $0xA0, s21;
	[sflag:s10] =	ssyncadd.s32 $0xFFFFEC00  }
0x38: {  	[tilespmem:s15], [sflag:$0x1] =	stream.indirect.gather [hbm4b:s1+s14], $0x40, s22, s14, $0xb8;
	[tilespmem:$0x11420] =	vst v63  }
0x39: {  	_ =	swait.ge [sflag:s18], $0x1400  }
.Ltmp0:
0x3a: {  	[sflag:s18] =	ssyncset.done $0x0;
	(pc) =	sbr.rel @p0 .LBB2_2-.Ltmp0, $4  }
0x3b: {  	s21 =	sadd.s32 $0x2760, s21;
	[sflag:s18] =	ssyncadd.s32 $0xFFFFEC00  }
0x3c: {  	[spmem:s4] =	stream.indirect.scatter.add.f32 [tilespmem:s16], [sflag:$0x3], $0x40, s21, s14, $0xb8;
	[tilespmem:$0x11420] =	vst v63  }
0x3d: {  	_ =	swait.ge [sflag:s10], $0x1400  }
0x3e: {  	s22 =	smov.u32 s25;
	s21 =	sshra.s32 s24, $0x2;
	[sflag:s10] =	ssyncset.done $0x0  }
0x3f: {  	s22 =	sadd.s32 $0x50, s21;
	[sflag:s10] =	ssyncadd.s32 $0xFFFFEC00  }
0x40: {  	[tilespmem:s16], [sflag:$0x2] =	stream.indirect.gather [hbm4b:s1+s14], $0x40, s22, s14, $0xb8;
	[tilespmem:$0x11420] =	vst v63  }
0x41: {  	_ =	swait.ge [sflag:s17], $0x1400  }
0x42: {  	[sflag:s17] =	ssyncset.done $0x0  }
0x43: {  	s29 =	sadd.s32 $0x2710, s21;
	[sflag:s17] =	ssyncadd.s32 $0xFFFFEC00  }
0x44: {  	[spmem:s4] =	stream.indirect.scatter.add.f32 [tilespmem:s15], [sflag:$0x3], $0x40, s29, s14, $0xb8;
	[tilespmem:$0x11420] =	vst v63  }
0x45: {  	_ =	swait.ge [sflag:s10], $0x1400  }
0x46: {  	[sflag:s10] =	ssyncset.done $0x0  }
0x47: {  	s30 =	sadd.s32 $0xA0, s21;
	[sflag:s10] =	ssyncadd.s32 $0xFFFFEC00  }
0x48: {  	[tilespmem:s15], [sflag:$0x1] =	stream.indirect.gather [hbm4b:s1+s14], $0x40, s30, s14, $0xb8;
	[tilespmem:$0x11420] =	vst v63  }
0x49: {  	_ =	swait.ge [sflag:s18], $0x1400  }
0x4a: {  	[sflag:s18] =	ssyncset.done $0x0  }
0x4b: {  	s31 =	sadd.s32 $0x2760, s21;
	[sflag:s18] =	ssyncadd.s32 $0xFFFFEC00  }
0x4c: {  	[spmem:s4] =	stream.indirect.scatter.add.f32 [tilespmem:s16], [sflag:$0x3], $0x40, s31, s14, $0xb8;
	[tilespmem:$0x11420] =	vst v63  }
0x4d: {  	_ =	swait.ge [sflag:s10], $0x1400  }
0x4e: {  	[sflag:s10] =	ssyncset.done $0x0  }
0x4f: {  	[sflag:s10] =	ssyncadd.s32 $0xFFFFEC00  }
0x50: {  	_ =	swait.ge [sflag:s17], $0x1400  }
0x51: {  	[sflag:s17] =	ssyncset.done $0x0  }
0x52: {  	[sflag:s17] =	ssyncadd.s32 $0xFFFFEC00  }
0x53: {  	[spmem:s4] =	stream.indirect.scatter.add.f32 [tilespmem:s15], [sflag:$0x3], $0x40, s19, s14, $0xb8;
	[tilespmem:$0x11420] =	vst v63  }
0x54: {  	_ =	swait.ge [sflag:s10], $0x1400  }
0x55: {  	s20 =	sadd.s32 $0x1, s20;
	[sflag:s10] =	ssyncset.done $0x0  }
0x56: {  	p0 =	sne.s32 s20, s9;
	[sflag:s10] =	ssyncadd.s32 $0xFFFFEC00  }
.Ltmp1:
0x57: {  	[bflag:$0x0] =	sbarrier.arrive $0xFFFF;
	(pc) =	sbr.rel @p0 .LBB2_1-.Ltmp1, $4  }
0x58: {  	[hbm:s8], [sflag:s12] =	dma.local [spmem:s13], $0x13C0  }
0x59: {  	_ =	swait.ge [sflag:s10], $0x13C0  }
0x5a: {  	[sflag:s10] =	ssyncset.done $0x0  }
0x5b: {  	[sflag:s10] =	ssyncadd.s32 $0xFFFFEC40  }
0x5c: {  	_ =	sfence.sel $0x180000  }
0x5d: {  	[bflag:$0x0] =	sbarrier.arrive $0xFFFF  }
0x5e: {  	p0 =	sne.s32 s0, $0x0;
	_ =	strace $0x9000004A  }
0x5f: {  	s0 =	sadd.s32 @!p0 $0x100000, s2;
	[bflag:$0x2] =	sbarrier.arrive $0xFFFF  }
0x60: {  	[sflag:s0] =	ssyncadd.tile.s32 @!p0 $0x1;
	_ =	shalt  }
.Lfunc_end2:
_tile_overlayer_lowered:
.L_overlay_start_2:
0x61: {  	(tag) =	ssettag $0x2  }
0x62: {  	s0 =	rddreg [dreg:$0x0];
	s2 =	stileid.u32  }
0x63: {  	s1 =	rddreg [dreg:$0x1];
	p0 =	sne.s32 s2, $0x0  }
0x64: {  	s3 =	rddreg [dreg:$0x2];
	[bflag:$0x3] =	sbarrier.arrive $0xFFFF;
	s2 =	simm.s32 @!p0 $0x1C03  }
0x65: {  	[timem:s3], [sflag:s2] =	dma.local @!p0 [hbm:s0], s1  }
0x66: {  	s0 =	simm.s32 @!p0 $0x3  }
0x67: {  	_ =	swait.ge @!p0 [sflag:s0], s1  }
0x68: {  	s1 =	ssub.s32 @!p0 $0x0, s1;
	[sflag:s0] =	ssyncset.done @!p0 $0x0  }
0x69: {  	[sflag:s0] =	ssyncadd.s32 @!p0 s1  }
0x6a: {  	[bflag:$0x3] =	sbarrier.arrive $0xFFFF  }
0x6b: {  	_ =	shalt  }

// kernel: kernel.15.cloned.1.call-start
scs
__scs_entry_jumppad:
0x0: {  	(pc) =	sbr.rel $0x88, $3  }
0x1: {  	(tag) =	ssettag $0x0;
	lr =	simm.s32 $0x1  }
0x2: {  	[smem:$0x3F9E] =	sst lr;
	_ =	strace $0xD0000000  }
0x3: {  	_ = 	snop  }
0x4: {  	_ = 	snop  }
0x5: {  	_ = 	snop  }
0x6: {  	_ = 	snop  }
0x7: {  	_ = 	snop  }
__scs_overlays_trampoline_lowered:
0x8: {  	[smem:$0x3FAD] =	sst s0  }
0x9: {  	[smem:$0x3FAE] =	sst s1  }
0xa: {  	[smem:$0x3FAF] =	sst s2  }
0xb: {  	[smem:$0x3FB0] =	sst s3  }
0xc: {  	[smem:$0x3FB1] =	sst s4  }
0xd: {  	[smem:$0x3FB2] =	sst s5  }
0xe: {  	[smem:$0x3FB3] =	sst s6  }
0xf: {  	[smem:$0x3FB4] =	sst s7  }
0x10: {  	[smem:$0x3FB5] =	sst s8  }
0x11: {  	[smem:$0x3FB6] =	sst s9;
	s0 =	simm.s32 @!p0 $0x0  }
0x12: {  	s1 =	sld [smem:$0x3F9C];
	s0 =	simm.s32 @p0 $0x1  }
0x13: {  	[smem:$0x3FB7] =	sst s0;
	s0 =	simm.s32 @!p1 $0x0  }
0x14: {  	s2 =	sld [smem:$0x3F9B];
	s0 =	simm.s32 @p1 $0x1  }
0x15: {  	[smem:$0x3FB8] =	sst s0;
	s0 =	simm.s32 @!p2 $0x0  }
0x16: {  	s3 =	sld [smem:$0x3FDB];
	s0 =	simm.s32 @p2 $0x1  }
0x17: {  	s4 =	simm.s32 $0x1BF5;
	[smem:$0x3FBA] =	sst s0  }
0x18: {  	s0 =	sld [smem:$0x3F9D];
	_ =	swait.ge [sflag:s4], $0x0  }
0x19: {  	s7 =	sld [smem:$0x3F9E]  }
0x1a: {  	s8 =	sadd.s32 $0xFFFFE003, lr  }
0x1b: {  	s9 =	sadd.s32 $0xFFFFFEF7, lr;
	s5 =	simm.s32 $0xFFFFFFFF;
	p2 =	slt.u32 s8, $0xFFFFF086  }
0x1c: {  	p1 =	slt.u32 s9, $0xF7A;
	s5 =	simm.s32 @!p2 $0x0  }
0x1d: {  	s5 =	simm.s32 @p1 $0x1;
	p0 =	seq.s32 s7, s2  }
0x1e: {  	s7 =	smul.u32 @!p0 $0xF7A, s2;
	p2 =	seq.s32 @!p0 s5, $0x0  }
0x1f: {  	s9 =	smul.u32 $0xF7A, s1;
	s8 =	simm.s32 @!p0 $0x1BF5;
	p2 =	por !p2, p0  }
0x20: {  	[sflag:s8] =	ssyncset.s32 @!p0 $0xFFFFF086;
	s6 =	sadd.s32 @!p0 s3, s7;
	s7 =	simm.s32 @!p0 $0x108  }
0x21: {  	s3 =	sadd.s32 s3, s9;
	s6 =	sadd.s32 @!p0 $0x88, s6;
	s7 =	simm.s32 @p2 $0x1082  }
0x22: {  	[simem:s7], [sflag:s8] =	dma.local @!p0 [hbm:s6], $0xF7A  }
0x23: {  	s9 =	sor.u32 $0xD0000000, s2;
	s6 =	simm.s32 $0x108;
	_ =	swait.ge @!p0 [sflag:s8], $0x0  }
0x24: {  	s3 =	sadd.s32 $0x88, s3;
	s6 =	simm.s32 @!p1 $0x1082;
	[sflag:s4] =	ssyncset.s32 $0xFFFFF086  }
0x25: {  	[simem:s6], [sflag:s4] =	dma.local [hbm:s3], $0xF7A  }
0x26: {  	[smem:$0x3F9E] =	sst s1;
	(tag) =	ssettag s2;
	_ =	strace s9  }
0x27: {  	s1 =	sld [smem:$0x3FAE]  }
0x28: {  	s2 =	sld [smem:$0x3FAF]  }
0x29: {  	s4 =	sld [smem:$0x3FB1]  }
0x2a: {  	p0 =	seq.s32 s5, $0x0;
	s5 =	sld [smem:$0x3FB2]  }
0x2b: {  	s6 =	sld [smem:$0x3FB3]  }
0x2c: {  	s7 =	sld [smem:$0x3FB4]  }
0x2d: {  	s3 =	simm.s32 $0x108;
	s8 =	sld [smem:$0x3FB5]  }
0x2e: {  	s3 =	simm.s32 @!p0 $0x1082;
	s9 =	sld [smem:$0x3FB6]  }
0x2f: {  	lr =	sadd.s32 s0, s3;
	s0 =	sld [smem:$0x3FAD]  }
0x30: {  	s3 =	sld [smem:$0x3FB0]  }
0x31: {  	[smem:$0x3FB9] =	sst s10  }
0x32: {  	s10 =	sld [smem:$0x3FB7];
	_ =	sdelay $0x3  }
0x33: {  	p0 =	seq.s32 s10, $0x1;
	s10 =	sld [smem:$0x3FB9];
	_ =	sdelay $0x3  }
0x34: {  	[smem:$0x3FB9] =	sst s10  }
0x35: {  	s10 =	sld [smem:$0x3FB8];
	_ =	sdelay $0x3  }
0x36: {  	p1 =	seq.s32 s10, $0x1;
	s10 =	sld [smem:$0x3FB9];
	_ =	sdelay $0x3  }
0x37: {  	[smem:$0x3FB9] =	sst s10  }
0x38: {  	s10 =	sld [smem:$0x3FBA]  }
0x39: {  	_ = 	snop;
	(pc) =	sbr.ind lr, $3  }
0x3a: {  	_ = 	snop  }
0x3b: {  	_ = 	snop  }
0x3c: {  	p2 =	seq.s32 s10, $0x1;
	s10 =	sld [smem:$0x3FB9]  }
0x3d: {  	_ =	shalt  }
0x3e: {  	_ =	shalt  }
0x3f: {  	_ =	shalt  }
0x40: {  	_ =	shalt  }
0x41: {  	_ =	shalt  }
0x42: {  	_ =	shalt  }
0x43: {  	_ =	shalt  }
0x44: {  	_ =	shalt  }
0x45: {  	_ =	shalt  }
0x46: {  	_ =	shalt  }
0x47: {  	_ =	shalt  }
0x48: {  	_ =	shalt  }
0x49: {  	_ =	shalt  }
0x4a: {  	_ =	shalt  }
0x4b: {  	_ =	shalt  }
0x4c: {  	_ =	shalt  }
0x4d: {  	_ =	shalt  }
0x4e: {  	_ =	shalt  }
0x4f: {  	_ =	shalt  }
0x50: {  	_ =	shalt  }
0x51: {  	_ =	shalt  }
0x52: {  	_ =	shalt  }
0x53: {  	_ =	shalt  }
0x54: {  	_ =	shalt  }
0x55: {  	_ =	shalt  }
0x56: {  	_ =	shalt  }
0x57: {  	_ =	shalt  }
0x58: {  	_ =	shalt  }
0x59: {  	_ =	shalt  }
0x5a: {  	_ =	shalt  }
0x5b: {  	_ =	shalt  }
0x5c: {  	_ =	shalt  }
0x5d: {  	_ =	shalt  }
0x5e: {  	_ =	shalt  }
0x5f: {  	_ =	shalt  }
0x60: {  	_ =	shalt  }
0x61: {  	_ =	shalt  }
0x62: {  	_ =	shalt  }
0x63: {  	_ =	shalt  }
0x64: {  	_ =	shalt  }
0x65: {  	_ =	shalt  }
0x66: {  	_ =	shalt  }
0x67: {  	_ =	shalt  }
0x68: {  	_ =	shalt  }
0x69: {  	_ =	shalt  }
0x6a: {  	_ =	shalt  }
0x6b: {  	_ =	shalt  }
0x6c: {  	_ =	shalt  }
0x6d: {  	_ =	shalt  }
0x6e: {  	_ =	shalt  }
0x6f: {  	_ =	shalt  }
0x70: {  	_ =	shalt  }
0x71: {  	_ =	shalt  }
0x72: {  	_ =	shalt  }
0x73: {  	_ =	shalt  }
0x74: {  	_ =	shalt  }
0x75: {  	_ =	shalt  }
0x76: {  	_ =	shalt  }
0x77: {  	_ =	shalt  }
0x78: {  	_ =	shalt  }
0x79: {  	_ =	shalt  }
0x7a: {  	_ =	shalt  }
0x7b: {  	_ =	shalt  }
0x7c: {  	_ =	shalt  }
0x7d: {  	_ =	shalt  }
0x7e: {  	_ =	shalt  }
0x7f: {  	_ =	shalt  }
0x80: {  	_ =	shalt  }
0x81: {  	_ =	shalt  }
0x82: {  	_ =	shalt  }
0x83: {  	_ =	shalt  }
0x84: {  	_ =	shalt  }
0x85: {  	_ =	shalt  }
0x86: {  	_ =	shalt  }
0x87: {  	_ =	shalt  }
.Lfunc_end0:
.L_simem_size_0:
called_computation.2_lowered:
.L_overlay_start_0:
0x88: {  	s2 =	sld [smem:$0x3FD9]  }
0x89: {  	s3 =	sld [smem:$0x3FFE];
	_ =	sdelay $0x1  }
0x8a: {  	s1 =	srdreg.scid  }
0x8b: {  	s0 =	sand.u32 $0x1, s1  }
0x8c: {  	s15 =	sshll.u32 s0, $0xA;
	s2 =	sadd.s32 s3, s2  }
0x8d: {  	s2 =	sadd.s32 s2, s15  }
0x8e: {  	[smem:$0x3FC5] =	sst s2  }
0x8f: {  	_ = 	snop  }
0x90: {  	s2 =	sld [smem:$0x3FD0];
	_ =	sdelay $0x2  }
0x91: {  	s16 =	simm.s32 $0xB;
	s4 =	simm.s32 $0x10  }
0x92: {  	[smem:s4], [sflag:s16] =	dma.local [hbm:s2], $0x1  }
0x93: {  	_ =	swait.eq [sflag:s16], $0x1  }
0x94: {  	[sflag:s16] =	ssyncset.done $0x0  }
0x95: {  	[sflag:s16] =	ssyncadd.s32 $0xFFFFFFFF  }
0x96: {  	s17 =	sld [smem:$0x11];
	(tm) =	ssettm $0x1  }
0x97: {  	s18 =	sld [smem:$0x3FFB];
	_ =	sdelay $0x3  }
0x98: {  	_ =	strace s18  }
0x99: {  	s2 =	sld [smem:$0x3FFC];
	_ =	sdelay $0x3  }
0x9a: {  	_ =	strace s2  }
0x9b: {  	s2 =	sld [smem:$0x3FFD];
	_ =	sdelay $0x3  }
0x9c: {  	_ =	strace s2  }
0x9d: {  	_ =	strace $0x8FFFFFFF  }
0x9e: {  	s19 =	sld [smem:$0x3FDB];
	_ =	sdelay $0x1  }
0x9f: {  	s20 =	simm.s32 $_scs_section_size  }
0xa0: {  	s5 =	simm.s32 $_size__tile_overlayer_lowered;
	s6 =	simm.s32 $_tile_overlayer_lowered  }
0xa1: {  	s7 =	simm.s32 $0x1BFF;
	s21 =	sshll.u32 s6, $0x1;
	s4 =	sadd.s32 s20, s19  }
0xa2: {  	s22 =	simm.s32 $0x0;
	s5 =	sshll.u32 s5, $0x1;
	s6 =	sadd.s32 s21, s4  }
0xa3: {  	[timem:s22], [sflag:s7] =	dma.local [hbm:s6], s5  }
0xa4: {  	_ =	swait.ge [sflag:s7], s5  }
0xa5: {  	s5 =	ssub.s32 $0x0, s5;
	[sflag:s7] =	ssyncset.done $0x0  }
0xa6: {  	[sflag:s7] =	ssyncadd.s32 s5;
	_ =	sdelay $0x1  }
0xa7: {  	s23 =	simm.s32 $0x1B8B  }
0xa8: {  	_ =	swait.ge [sflag:s23], $0x1  }
0xa9: {  	[sflag:s23] =	ssyncset.done $0x0  }
0xaa: {  	[sflag:s23] =	ssyncadd.s32 $0xFFFFFFFF  }
0xab: {  	s5 =	sld [smem:$0x0]  }
0xac: {  	s6 =	sand.u32 $0xFFFFFFFE, s1  }
0xad: {  	p0 =	sne.s32 s1, s6  }
0xae: {  	s6 =	sshll.u32 @p0 s6, $0xE  }
0xaf: {  	s6 =	sadd.s32 @p0 $0x11B8D, s6;
	s7 =	sshll.u32 @p0 s5, $0x11  }
0xb0: {  	s6 =	sor.u32 @p0 s7, s6  }
0xb1: {  	[sflag:s6] =	ssyncadd.remote.s32 @p0 $0x1;
	_ =	sdelay $0x1  }
0xb2: {  	s6 =	simm.s32 @p0 $0x1B8D  }
0xb3: {  	_ =	swait.eq @p0 [sflag:s6], $0x1  }
0xb4: {  	[sflag:s6] =	ssyncadd.s32 @p0 $0xFFFFFFFF  }
0xb5: {  	s7 =	sshll.u32 @!p0 s1, $0xE  }
0xb6: {  	s7 =	sor.u32 @!p0 $0x4000, s7;
	s6 =	simm.s32 @!p0 $0x1B8D  }
0xb7: {  	s5 =	sshll.u32 @!p0 s5, $0x11;
	s7 =	sadd.s32 @!p0 $0x11B8D, s7;
	_ =	swait.eq @!p0 [sflag:s6], $0x1  }
0xb8: {  	s5 =	sor.u32 @!p0 s5, s7;
	[sflag:s6] =	ssyncadd.s32 @!p0 $0xFFFFFFFF  }
0xb9: {  	s25 =	simm.s32 $0x1B8E;
	s24 =	sld [smem:$0x3FFE];
	[sflag:s5] =	ssyncadd.remote.s32 @!p0 $0x1  }
0xba: {  	s26 =	simm.s32 $execute0_lowered;
	[smem:$0x3FD2] =	sst s25  }
0xbb: {  	s6 =	sshll.u32 s26, $0x1;
	_ =	strace $0x8000004C;
	[dreg:$0x1] =	wrdreg $0xFFFFFFFF  }
0xbc: {  	s28 =	simm.s32 $_size_execute0_lowered;
	s4 =	sadd.s32 s4, s6;
	[dreg:$0x0] =	wrdreg $0x0  }
0xbd: {  	s6 =	sshll.u32 s28, $0x1;
	[dreg:$0x2] =	wrdreg s4  }
0xbe: {  	[dreg:$0x3] =	wrdreg s6  }
0xbf: {  	[dreg:$0x4] =	wrdreg $0xC0  }
0xc0: {  	_ =	task [dreg:s22], $0x5FFFF  }
0xc1: {  	[dreg:$0x1] =	wrdreg $0xFFFFFFFF  }
0xc2: {  	[dreg:$0x0] =	wrdreg $0x60  }
0xc3: {  	[dreg:$0x2] =	wrdreg s24  }
0xc4: {  	[dreg:$0x3] =	wrdreg s17  }
0xc5: {  	[dreg:$0x4] =	wrdreg $0x76200  }
0xc6: {  	[dreg:$0x5] =	wrdreg $0x9  }
0xc7: {  	_ =	task.clear_ibuf [dreg:s22], $0x6FFFF;
	_ =	strace $0x9000004C  }
0xc8: {  	s29 =	simm.s32 $0x9;
	_ =	strace $0x8000004E  }
0xc9: {  	_ =	swait.ge [sflag:s29], $0x1  }
0xca: {  	[sflag:s29] =	ssyncadd.s32 $0xFFFFFFFF  }
0xcb: {  	_ =	strace $0x9000004E  }
0xcc: {  	_ =	sfence  }
0xcd: {  	s30 =	sld [smem:$0x0];
	_ =	sdelay $0x2  }
0xce: {  	s31 =	sshll.u32 s1, $0xD;
	s1 =	sshrl.u32 s1, $0x2  }
0xcf: {  	s4 =	sand.u32 $0x4000, s31;
	s1 =	sadd.s32 s1, s30  }
0xd0: {  	s0 =	sor.u32 s4, s0;
	s1 =	sshll.u32 s1, $0x11  }
0xd1: {  	s0 =	sor.u32 s1, s0  }
0xd2: {  	s0 =	sadd.s32 $0x8F2B, s0  }
0xd3: {  	[sflag:s0] =	ssyncadd.remote.s32 $0x1  }
0xd4: {  	_ =	sfence.sel $0xFFFF  }
0xd5: {  	[dreg:$0x0] =	wrdreg $0xFFFFFFFF;
	(pc) =	sbr.abs _section_cstart, $3  }
0xd6: {  	[dreg:$0x1] =	wrdreg $0xFFFFFFFF  }
0xd7: {  	_ =	task.clear_ibuf [dreg:s22], $0x2FFFF;
	_ =	strace $0x9FFFFFFF  }
0xd8: {  	(tm) =	ssettm $0x7FFFFFFF  }
0xd9: {  	_ =	shalt  }
tec
execute0_lowered:
.L_overlay_start_1:
0x0: {  	(tag) =	ssettag $0x1  }
0x1: {  	s6 =	rddreg [dreg:$0x0]  }
0x2: {  	s2 =	rddreg [dreg:$0x1]  }
0x3: {  	s3 =	rddreg [dreg:$0x2];
	s4 =	srdreg.scid  }
0x4: {  	s1 =	stileid.u32;
	s0 =	rddreg [dreg:$0x3];
	s14 =	simm.s32 $0x50  }
0x5: {  	s15 =	simm.s32 $0x4E20;
	s16 =	simm.s32 $0x6220;
	s17 =	simm.s32 $0x1  }
0x6: {  	s18 =	simm.s32 $0x2;
	s19 =	simm.s32 $0x4DD0;
	s20 =	simm.s32 $0x0  }
0x7: {  	s7 =	sand.u32 $0x1, s4;
	s8 =	smul.u32 $0x9E00, s1;
	s4 =	simm.s32 $0x0  }
0x8: {  	s5 =	sshll.u32 s1, $0x1;
	s12 =	sshll.u32 s1, $0x6;
	s9 =	smul.u32 $0x9E000, s7  }
0x9: {  	[smem:$0x7FF] =	sst s4;
	s5 =	sor.u32 s7, s5;
	s7 =	ssub.s32 $0x2, s7  }
0xa: {  	s12 =	sor.u32 $0x1C03, s12;
	_ =	strace $0x8000004D;
	s10 =	smul.u32 $0x4E2, s5  }
0xb: {  	s5 =	sadd.s32 $0x64E00, s6;
	s31 =	sshrl.u32 s7, $0x1;
	s9 =	sadd.s32 s8, s9  }
0xc: {  	s13 =	sadd.s32 s8, s3;
	s11 =	ssub.s32 s7, s31;
	s9 =	sshrl.u32 s9, $0x3  }
0xd: {  	s13 =	sshrl.u32 s13, $0x3;
	s10 =	sadd.s32 s10, s6;
	s9 =	sadd.s32 s9, s6  }
0xe: {  	s6 =	sadd.s32 $0x2600, s10;
	s7 =	sadd.s32 $0xC400, s10;
	s10 =	simm.s32 $0x3  }
0xf: {  	s8 =	sadd.s32 $0x78800, s9;
	s9 =	smax.u32 s11, $0x1;
	s11 =	simm.s32 $0x2710  }
.LBB2_1:
0x10: {  	[tilespmem:s4], [sflag:$0x3] =	stream.linear.gather [hbm4b:s6+s4], $0x2710, $0x38;
	[tilespmem:$0x11420] =	vst v63  }
0x11: {  	_ =	swait.ge [sflag:s10], $0x2710  }
0x12: {  	[sflag:s10] =	ssyncset.done $0x0  }
0x13: {  	[sflag:s10] =	ssyncadd.s32 $0xFFFFD8F0  }
0x14: {  	[tilespmem:s11], [sflag:$0x3] =	stream.linear.gather [hbm4b:s7+s4], $0x2710, $0x38;
	[tilespmem:$0x11420] =	vst v63  }
0x15: {  	_ =	swait.ge [sflag:s10], $0x2710  }
0x16: {  	[sflag:s10] =	ssyncset.done $0x0  }
0x17: {  	[sflag:s10] =	ssyncadd.s32 $0xFFFFD8F0  }
0x18: {  	[spmem:s13], [sflag:s12] =	dma.local [hbm:s2], $0x13C0  }
0x19: {  	_ =	swait.ge [sflag:s10], $0x13C0  }
0x1a: {  	[sflag:s10] =	ssyncset.done $0x0  }
0x1b: {  	[sflag:s10] =	ssyncadd.s32 $0xFFFFEC40  }
0x1c: {  	[bflag:$0x0] =	sbarrier.arrive $0xFFFF  }
0x1d: {  	[tilespmem:s15], [sflag:$0x1] =	stream.indirect.gather [hbm4b:s5+s14], $0x40, s4, s14, $0xb8;
	[tilespmem:$0x11420] =	vst v63  }
0x1e: {  	s21 =	simm.s32 $0x50  }
0x1f: {  	[tilespmem:s16], [sflag:$0x2] =	stream.indirect.gather [hbm4b:s5+s14], $0x40, s21, s14, $0xb8;
	[tilespmem:$0x11420] =	vst v63  }
0x20: {  	_ =	swait.ge [sflag:s17], $0x1400  }
0x21: {  	[sflag:s17] =	ssyncset.done $0x0  }
0x22: {  	s29 =	simm.s32 $0x2710;
	[sflag:s17] =	ssyncadd.s32 $0xFFFFEC00  }
0x23: {  	[spmem:s3] =	stream.indirect.scatter.add.f32 [tilespmem:s15], [sflag:$0x3], $0x40, s29, s14, $0xb8;
	[tilespmem:$0x11420] =	vst v63  }
0x24: {  	_ =	swait.ge [sflag:s10], $0x1400  }
0x25: {  	[sflag:s10] =	ssyncset.done $0x0  }
0x26: {  	s30 =	simm.s32 $0xA0;
	[sflag:s10] =	ssyncadd.s32 $0xFFFFEC00  }
0x27: {  	[tilespmem:s15], [sflag:$0x1] =	stream.indirect.gather [hbm4b:s5+s14], $0x40, s30, s14, $0xb8;
	[tilespmem:$0x11420] =	vst v63  }
0x28: {  	_ =	swait.ge [sflag:s18], $0x1400  }
0x29: {  	[sflag:s18] =	ssyncset.done $0x0  }
0x2a: {  	s31 =	simm.s32 $0x2760;
	[sflag:s18] =	ssyncadd.s32 $0xFFFFEC00  }
0x2b: {  	[spmem:s3] =	stream.indirect.scatter.add.f32 [tilespmem:s16], [sflag:$0x3], $0x40, s31, s14, $0xb8;
	[tilespmem:$0x11420] =	vst v63  }
0x2c: {  	_ =	swait.ge [sflag:s10], $0x1400  }
0x2d: {  	s22 =	simm.s32 $0x500;
	s21 =	simm.s32 $0xA0;
	[sflag:s10] =	ssyncset.done $0x0  }
.LBB2_2:
0x2e: {  	s23 =	sadd.s32 $0x50, s21  }
0x2f: {  	[sflag:s10] =	ssyncadd.s32 $0xFFFFEC00;
	s24 =	smov.u32 s22;
	s25 =	sadd.s32 $0x280, s22  }
0x30: {  	[tilespmem:s16], [sflag:$0x2] =	stream.indirect.gather [hbm4b:s5+s14], $0x40, s23, s14, $0xb8;
	[tilespmem:$0x11420] =	vst v63  }
0x31: {  	p0 =	sne.s32 s22, $0x9880;
	_ =	swait.ge [sflag:s17], $0x1400  }
0x32: {  	[sflag:s17] =	ssyncset.done $0x0  }
0x33: {  	s22 =	sadd.s32 $0x2710, s21;
	[sflag:s17] =	ssyncadd.s32 $0xFFFFEC00  }
0x34: {  	[spmem:s3] =	stream.indirect.scatter.add.f32 [tilespmem:s15], [sflag:$0x3], $0x40, s22, s14, $0xb8;
	[tilespmem:$0x11420] =	vst v63  }
0x35: {  	_ =	swait.ge [sflag:s10], $0x1400  }
0x36: {  	[sflag:s10] =	ssyncset.done $0x0  }
0x37: {  	s22 =	sadd.s32 $0xA0, s21;
	[sflag:s10] =	ssyncadd.s32 $0xFFFFEC00  }
0x38: {  	[tilespmem:s15], [sflag:$0x1] =	stream.indirect.gather [hbm4b:s5+s14], $0x40, s22, s14, $0xb8;
	[tilespmem:$0x11420] =	vst v63  }
0x39: {  	_ =	swait.ge [sflag:s18], $0x1400  }
.Ltmp0:
0x3a: {  	[sflag:s18] =	ssyncset.done $0x0;
	(pc) =	sbr.rel @p0 .LBB2_2-.Ltmp0, $4  }
0x3b: {  	s21 =	sadd.s32 $0x2760, s21;
	[sflag:s18] =	ssyncadd.s32 $0xFFFFEC00  }
0x3c: {  	[spmem:s3] =	stream.indirect.scatter.add.f32 [tilespmem:s16], [sflag:$0x3], $0x40, s21, s14, $0xb8;
	[tilespmem:$0x11420] =	vst v63  }
0x3d: {  	_ =	swait.ge [sflag:s10], $0x1400  }
0x3e: {  	s22 =	smov.u32 s25;
	s21 =	sshra.s32 s24, $0x2;
	[sflag:s10] =	ssyncset.done $0x0  }
0x3f: {  	s22 =	sadd.s32 $0x50, s21;
	[sflag:s10] =	ssyncadd.s32 $0xFFFFEC00  }
0x40: {  	[tilespmem:s16], [sflag:$0x2] =	stream.indirect.gather [hbm4b:s5+s14], $0x40, s22, s14, $0xb8;
	[tilespmem:$0x11420] =	vst v63  }
0x41: {  	_ =	swait.ge [sflag:s17], $0x1400  }
0x42: {  	[sflag:s17] =	ssyncset.done $0x0  }
0x43: {  	s29 =	sadd.s32 $0x2710, s21;
	[sflag:s17] =	ssyncadd.s32 $0xFFFFEC00  }
0x44: {  	[spmem:s3] =	stream.indirect.scatter.add.f32 [tilespmem:s15], [sflag:$0x3], $0x40, s29, s14, $0xb8;
	[tilespmem:$0x11420] =	vst v63  }
0x45: {  	_ =	swait.ge [sflag:s10], $0x1400  }
0x46: {  	[sflag:s10] =	ssyncset.done $0x0  }
0x47: {  	s30 =	sadd.s32 $0xA0, s21;
	[sflag:s10] =	ssyncadd.s32 $0xFFFFEC00  }
0x48: {  	[tilespmem:s15], [sflag:$0x1] =	stream.indirect.gather [hbm4b:s5+s14], $0x40, s30, s14, $0xb8;
	[tilespmem:$0x11420] =	vst v63  }
0x49: {  	_ =	swait.ge [sflag:s18], $0x1400  }
0x4a: {  	[sflag:s18] =	ssyncset.done $0x0  }
0x4b: {  	s31 =	sadd.s32 $0x2760, s21;
	[sflag:s18] =	ssyncadd.s32 $0xFFFFEC00  }
0x4c: {  	[spmem:s3] =	stream.indirect.scatter.add.f32 [tilespmem:s16], [sflag:$0x3], $0x40, s31, s14, $0xb8;
	[tilespmem:$0x11420] =	vst v63  }
0x4d: {  	_ =	swait.ge [sflag:s10], $0x1400  }
0x4e: {  	[sflag:s10] =	ssyncset.done $0x0  }
0x4f: {  	[sflag:s10] =	ssyncadd.s32 $0xFFFFEC00  }
0x50: {  	_ =	swait.ge [sflag:s17], $0x1400  }
0x51: {  	[sflag:s17] =	ssyncset.done $0x0  }
0x52: {  	[sflag:s17] =	ssyncadd.s32 $0xFFFFEC00  }
0x53: {  	[spmem:s3] =	stream.indirect.scatter.add.f32 [tilespmem:s15], [sflag:$0x3], $0x40, s19, s14, $0xb8;
	[tilespmem:$0x11420] =	vst v63  }
0x54: {  	_ =	swait.ge [sflag:s10], $0x1400  }
0x55: {  	s20 =	sadd.s32 $0x1, s20;
	[sflag:s10] =	ssyncset.done $0x0  }
0x56: {  	p0 =	sne.s32 s20, s9;
	[sflag:s10] =	ssyncadd.s32 $0xFFFFEC00  }
.Ltmp1:
0x57: {  	[bflag:$0x0] =	sbarrier.arrive $0xFFFF;
	(pc) =	sbr.rel @p0 .LBB2_1-.Ltmp1, $4  }
0x58: {  	[hbm:s8], [sflag:s12] =	dma.local [spmem:s13], $0x13C0  }
0x59: {  	_ =	swait.ge [sflag:s10], $0x13C0  }
0x5a: {  	[sflag:s10] =	ssyncset.done $0x0  }
0x5b: {  	[sflag:s10] =	ssyncadd.s32 $0xFFFFEC40  }
0x5c: {  	_ =	sfence.sel $0x180000  }
0x5d: {  	[bflag:$0x0] =	sbarrier.arrive $0xFFFF  }
0x5e: {  	p0 =	sne.s32 s1, $0x0;
	_ =	strace $0x9000004D  }
0x5f: {  	s0 =	sadd.s32 @!p0 $0x100000, s0;
	[bflag:$0x2] =	sbarrier.arrive $0xFFFF  }
0x60: {  	[sflag:s0] =	ssyncadd.tile.s32 @!p0 $0x1;
	_ =	shalt  }
.Lfunc_end2:
_tile_overlayer_lowered:
.L_overlay_start_2:
0x61: {  	(tag) =	ssettag $0x2  }
0x62: {  	s0 =	rddreg [dreg:$0x0];
	s2 =	stileid.u32  }
0x63: {  	s1 =	rddreg [dreg:$0x1];
	p0 =	sne.s32 s2, $0x0  }
0x64: {  	s3 =	rddreg [dreg:$0x2];
	[bflag:$0x3] =	sbarrier.arrive $0xFFFF;
	s2 =	simm.s32 @!p0 $0x1C03  }
0x65: {  	[timem:s3], [sflag:s2] =	dma.local @!p0 [hbm:s0], s1  }
0x66: {  	s0 =	simm.s32 @!p0 $0x3  }
0x67: {  	_ =	swait.ge @!p0 [sflag:s0], s1  }
0x68: {  	s1 =	ssub.s32 @!p0 $0x0, s1;
	[sflag:s0] =	ssyncset.done @!p0 $0x0  }
0x69: {  	[sflag:s0] =	ssyncadd.s32 @!p0 s1  }
0x6a: {  	[bflag:$0x3] =	sbarrier.arrive $0xFFFF  }
0x6b: {  	_ =	shalt  }

// kernel: kernel.18.cloned.1.call-start
scs
__scs_entry_jumppad:
0x0: {  	(pc) =	sbr.rel $0x88, $3  }
0x1: {  	(tag) =	ssettag $0x0;
	lr =	simm.s32 $0x1  }
0x2: {  	[smem:$0x3F9E] =	sst lr;
	_ =	strace $0xD0000000  }
0x3: {  	_ = 	snop  }
0x4: {  	_ = 	snop  }
0x5: {  	_ = 	snop  }
0x6: {  	_ = 	snop  }
0x7: {  	_ = 	snop  }
__scs_overlays_trampoline_lowered:
0x8: {  	[smem:$0x3FAD] =	sst s0  }
0x9: {  	[smem:$0x3FAE] =	sst s1  }
0xa: {  	[smem:$0x3FAF] =	sst s2  }
0xb: {  	[smem:$0x3FB0] =	sst s3  }
0xc: {  	[smem:$0x3FB1] =	sst s4  }
0xd: {  	[smem:$0x3FB2] =	sst s5  }
0xe: {  	[smem:$0x3FB3] =	sst s6  }
0xf: {  	[smem:$0x3FB4] =	sst s7  }
0x10: {  	[smem:$0x3FB5] =	sst s8  }
0x11: {  	[smem:$0x3FB6] =	sst s9;
	s0 =	simm.s32 @!p0 $0x0  }
0x12: {  	s1 =	sld [smem:$0x3F9C];
	s0 =	simm.s32 @p0 $0x1  }
0x13: {  	[smem:$0x3FB7] =	sst s0;
	s0 =	simm.s32 @!p1 $0x0  }
0x14: {  	s2 =	sld [smem:$0x3F9B];
	s0 =	simm.s32 @p1 $0x1  }
0x15: {  	[smem:$0x3FB8] =	sst s0;
	s0 =	simm.s32 @!p2 $0x0  }
0x16: {  	s3 =	sld [smem:$0x3FDB];
	s0 =	simm.s32 @p2 $0x1  }
0x17: {  	s4 =	simm.s32 $0x1BF5;
	[smem:$0x3FBA] =	sst s0  }
0x18: {  	s0 =	sld [smem:$0x3F9D];
	_ =	swait.ge [sflag:s4], $0x0  }
0x19: {  	s7 =	sld [smem:$0x3F9E]  }
0x1a: {  	s8 =	sadd.s32 $0xFFFFE003, lr  }
0x1b: {  	s9 =	sadd.s32 $0xFFFFFEF7, lr;
	s5 =	simm.s32 $0xFFFFFFFF;
	p2 =	slt.u32 s8, $0xFFFFF086  }
0x1c: {  	p1 =	slt.u32 s9, $0xF7A;
	s5 =	simm.s32 @!p2 $0x0  }
0x1d: {  	s5 =	simm.s32 @p1 $0x1;
	p0 =	seq.s32 s7, s2  }
0x1e: {  	s7 =	smul.u32 @!p0 $0xF7A, s2;
	p2 =	seq.s32 @!p0 s5, $0x0  }
0x1f: {  	s9 =	smul.u32 $0xF7A, s1;
	s8 =	simm.s32 @!p0 $0x1BF5;
	p2 =	por !p2, p0  }
0x20: {  	[sflag:s8] =	ssyncset.s32 @!p0 $0xFFFFF086;
	s6 =	sadd.s32 @!p0 s3, s7;
	s7 =	simm.s32 @!p0 $0x108  }
0x21: {  	s3 =	sadd.s32 s3, s9;
	s6 =	sadd.s32 @!p0 $0x88, s6;
	s7 =	simm.s32 @p2 $0x1082  }
0x22: {  	[simem:s7], [sflag:s8] =	dma.local @!p0 [hbm:s6], $0xF7A  }
0x23: {  	s9 =	sor.u32 $0xD0000000, s2;
	s6 =	simm.s32 $0x108;
	_ =	swait.ge @!p0 [sflag:s8], $0x0  }
0x24: {  	s3 =	sadd.s32 $0x88, s3;
	s6 =	simm.s32 @!p1 $0x1082;
	[sflag:s4] =	ssyncset.s32 $0xFFFFF086  }
0x25: {  	[simem:s6], [sflag:s4] =	dma.local [hbm:s3], $0xF7A  }
0x26: {  	[smem:$0x3F9E] =	sst s1;
	(tag) =	ssettag s2;
	_ =	strace s9  }
0x27: {  	s1 =	sld [smem:$0x3FAE]  }
0x28: {  	s2 =	sld [smem:$0x3FAF]  }
0x29: {  	s4 =	sld [smem:$0x3FB1]  }
0x2a: {  	p0 =	seq.s32 s5, $0x0;
	s5 =	sld [smem:$0x3FB2]  }
0x2b: {  	s6 =	sld [smem:$0x3FB3]  }
0x2c: {  	s7 =	sld [smem:$0x3FB4]  }
0x2d: {  	s3 =	simm.s32 $0x108;
	s8 =	sld [smem:$0x3FB5]  }
0x2e: {  	s3 =	simm.s32 @!p0 $0x1082;
	s9 =	sld [smem:$0x3FB6]  }
0x2f: {  	lr =	sadd.s32 s0, s3;
	s0 =	sld [smem:$0x3FAD]  }
0x30: {  	s3 =	sld [smem:$0x3FB0]  }
0x31: {  	[smem:$0x3FB9] =	sst s10  }
0x32: {  	s10 =	sld [smem:$0x3FB7];
	_ =	sdelay $0x3  }
0x33: {  	p0 =	seq.s32 s10, $0x1;
	s10 =	sld [smem:$0x3FB9];
	_ =	sdelay $0x3  }
0x34: {  	[smem:$0x3FB9] =	sst s10  }
0x35: {  	s10 =	sld [smem:$0x3FB8];
	_ =	sdelay $0x3  }
0x36: {  	p1 =	seq.s32 s10, $0x1;
	s10 =	sld [smem:$0x3FB9];
	_ =	sdelay $0x3  }
0x37: {  	[smem:$0x3FB9] =	sst s10  }
0x38: {  	s10 =	sld [smem:$0x3FBA]  }
0x39: {  	_ = 	snop;
	(pc) =	sbr.ind lr, $3  }
0x3a: {  	_ = 	snop  }
0x3b: {  	_ = 	snop  }
0x3c: {  	p2 =	seq.s32 s10, $0x1;
	s10 =	sld [smem:$0x3FB9]  }
0x3d: {  	_ =	shalt  }
0x3e: {  	_ =	shalt  }
0x3f: {  	_ =	shalt  }
0x40: {  	_ =	shalt  }
0x41: {  	_ =	shalt  }
0x42: {  	_ =	shalt  }
0x43: {  	_ =	shalt  }
0x44: {  	_ =	shalt  }
0x45: {  	_ =	shalt  }
0x46: {  	_ =	shalt  }
0x47: {  	_ =	shalt  }
0x48: {  	_ =	shalt  }
0x49: {  	_ =	shalt  }
0x4a: {  	_ =	shalt  }
0x4b: {  	_ =	shalt  }
0x4c: {  	_ =	shalt  }
0x4d: {  	_ =	shalt  }
0x4e: {  	_ =	shalt  }
0x4f: {  	_ =	shalt  }
0x50: {  	_ =	shalt  }
0x51: {  	_ =	shalt  }
0x52: {  	_ =	shalt  }
0x53: {  	_ =	shalt  }
0x54: {  	_ =	shalt  }
0x55: {  	_ =	shalt  }
0x56: {  	_ =	shalt  }
0x57: {  	_ =	shalt  }
0x58: {  	_ =	shalt  }
0x59: {  	_ =	shalt  }
0x5a: {  	_ =	shalt  }
0x5b: {  	_ =	shalt  }
0x5c: {  	_ =	shalt  }
0x5d: {  	_ =	shalt  }
0x5e: {  	_ =	shalt  }
0x5f: {  	_ =	shalt  }
0x60: {  	_ =	shalt  }
0x61: {  	_ =	shalt  }
0x62: {  	_ =	shalt  }
0x63: {  	_ =	shalt  }
0x64: {  	_ =	shalt  }
0x65: {  	_ =	shalt  }
0x66: {  	_ =	shalt  }
0x67: {  	_ =	shalt  }
0x68: {  	_ =	shalt  }
0x69: {  	_ =	shalt  }
0x6a: {  	_ =	shalt  }
0x6b: {  	_ =	shalt  }
0x6c: {  	_ =	shalt  }
0x6d: {  	_ =	shalt  }
0x6e: {  	_ =	shalt  }
0x6f: {  	_ =	shalt  }
0x70: {  	_ =	shalt  }
0x71: {  	_ =	shalt  }
0x72: {  	_ =	shalt  }
0x73: {  	_ =	shalt  }
0x74: {  	_ =	shalt  }
0x75: {  	_ =	shalt  }
0x76: {  	_ =	shalt  }
0x77: {  	_ =	shalt  }
0x78: {  	_ =	shalt  }
0x79: {  	_ =	shalt  }
0x7a: {  	_ =	shalt  }
0x7b: {  	_ =	shalt  }
0x7c: {  	_ =	shalt  }
0x7d: {  	_ =	shalt  }
0x7e: {  	_ =	shalt  }
0x7f: {  	_ =	shalt  }
0x80: {  	_ =	shalt  }
0x81: {  	_ =	shalt  }
0x82: {  	_ =	shalt  }
0x83: {  	_ =	shalt  }
0x84: {  	_ =	shalt  }
0x85: {  	_ =	shalt  }
0x86: {  	_ =	shalt  }
0x87: {  	_ =	shalt  }
.Lfunc_end0:
.L_simem_size_0:
called_computation.3_lowered:
.L_overlay_start_0:
0x88: {  	s2 =	sld [smem:$0x3FD9]  }
0x89: {  	s3 =	sld [smem:$0x3FFE];
	_ =	sdelay $0x1  }
0x8a: {  	s1 =	srdreg.scid  }
0x8b: {  	s0 =	sand.u32 $0x1, s1  }
0x8c: {  	s15 =	sshll.u32 s0, $0xA;
	s2 =	sadd.s32 s3, s2  }
0x8d: {  	s2 =	sadd.s32 s2, s15  }
0x8e: {  	[smem:$0x3FC5] =	sst s2  }
0x8f: {  	_ = 	snop  }
0x90: {  	s2 =	sld [smem:$0x3FD0];
	_ =	sdelay $0x2  }
0x91: {  	s4 =	simm.s32 $0xB;
	s16 =	simm.s32 $0x10  }
0x92: {  	[smem:s16], [sflag:s4] =	dma.local [hbm:s2], $0x1  }
0x93: {  	_ =	swait.eq [sflag:s4], $0x1  }
0x94: {  	[sflag:s4] =	ssyncset.done $0x0  }
0x95: {  	s17 =	sld [smem:$0x10];
	[sflag:s4] =	ssyncadd.s32 $0xFFFFFFFF  }
0x96: {  	s18 =	sld [smem:$0x11];
	(tm) =	ssettm $0x1  }
0x97: {  	s19 =	sld [smem:$0x3FFB];
	_ =	sdelay $0x3  }
0x98: {  	_ =	strace s19  }
0x99: {  	s2 =	sld [smem:$0x3FFC];
	_ =	sdelay $0x3  }
0x9a: {  	_ =	strace s2  }
0x9b: {  	s2 =	sld [smem:$0x3FFD];
	_ =	sdelay $0x3  }
0x9c: {  	_ =	strace s2  }
0x9d: {  	_ =	strace $0x8FFFFFFF  }
0x9e: {  	s20 =	sld [smem:$0x3FDB];
	_ =	sdelay $0x1  }
0x9f: {  	s5 =	simm.s32 $_scs_section_size  }
0xa0: {  	s6 =	simm.s32 $_size__tile_overlayer_lowered;
	s7 =	simm.s32 $_tile_overlayer_lowered  }
0xa1: {  	s8 =	simm.s32 $0x1BFF;
	s21 =	sshll.u32 s7, $0x1;
	s5 =	sadd.s32 s5, s20  }
0xa2: {  	s22 =	simm.s32 $0x0;
	s6 =	sshll.u32 s6, $0x1;
	s7 =	sadd.s32 s21, s5  }
0xa3: {  	[timem:s22], [sflag:s8] =	dma.local [hbm:s7], s6  }
0xa4: {  	_ =	swait.ge [sflag:s8], s6  }
0xa5: {  	s6 =	ssub.s32 $0x0, s6;
	[sflag:s8] =	ssyncset.done $0x0  }
0xa6: {  	[sflag:s8] =	ssyncadd.s32 s6;
	_ =	sdelay $0x1  }
0xa7: {  	s23 =	simm.s32 $0x1B8B  }
0xa8: {  	_ =	swait.ge [sflag:s23], $0x1  }
0xa9: {  	[sflag:s23] =	ssyncset.done $0x0  }
0xaa: {  	[sflag:s23] =	ssyncadd.s32 $0xFFFFFFFF  }
0xab: {  	s6 =	sld [smem:$0x0]  }
0xac: {  	s7 =	sand.u32 $0xFFFFFFFE, s1  }
0xad: {  	p0 =	sne.s32 s1, s7  }
0xae: {  	s7 =	sshll.u32 @p0 s7, $0xE  }
0xaf: {  	s7 =	sadd.s32 @p0 $0x11B8D, s7;
	s8 =	sshll.u32 @p0 s6, $0x11  }
0xb0: {  	s7 =	sor.u32 @p0 s8, s7  }
0xb1: {  	[sflag:s7] =	ssyncadd.remote.s32 @p0 $0x1;
	_ =	sdelay $0x1  }
0xb2: {  	s7 =	simm.s32 @p0 $0x1B8D  }
0xb3: {  	_ =	swait.eq @p0 [sflag:s7], $0x1  }
0xb4: {  	[sflag:s7] =	ssyncadd.s32 @p0 $0xFFFFFFFF  }
0xb5: {  	s8 =	sshll.u32 @!p0 s1, $0xE  }
0xb6: {  	s8 =	sor.u32 @!p0 $0x4000, s8;
	s7 =	simm.s32 @!p0 $0x1B8D  }
0xb7: {  	s6 =	sshll.u32 @!p0 s6, $0x11;
	s8 =	sadd.s32 @!p0 $0x11B8D, s8;
	_ =	swait.eq @!p0 [sflag:s7], $0x1  }
0xb8: {  	s6 =	sor.u32 @!p0 s6, s8;
	[sflag:s7] =	ssyncadd.s32 @!p0 $0xFFFFFFFF  }
0xb9: {  	s25 =	simm.s32 $0x1B8E;
	s24 =	sld [smem:$0x3FFE];
	[sflag:s6] =	ssyncadd.remote.s32 @!p0 $0x1  }
0xba: {  	s26 =	simm.s32 $execute0_lowered;
	[smem:$0x3FD2] =	sst s25  }
0xbb: {  	s7 =	sshll.u32 s26, $0x1;
	_ =	strace $0x8000004F;
	[dreg:$0x1] =	wrdreg $0xFFFFFFFF  }
0xbc: {  	s28 =	simm.s32 $_size_execute0_lowered;
	s5 =	sadd.s32 s5, s7;
	[dreg:$0x0] =	wrdreg $0x0  }
0xbd: {  	s7 =	sshll.u32 s28, $0x1;
	[dreg:$0x2] =	wrdreg s5  }
0xbe: {  	[dreg:$0x3] =	wrdreg s7  }
0xbf: {  	[dreg:$0x4] =	wrdreg $0xC0  }
0xc0: {  	_ =	task [dreg:s22], $0x5FFFF  }
0xc1: {  	[dreg:$0x1] =	wrdreg $0xFFFFFFFF  }
0xc2: {  	[dreg:$0x0] =	wrdreg $0x60  }
0xc3: {  	[dreg:$0x2] =	wrdreg s17  }
0xc4: {  	[dreg:$0x3] =	wrdreg s24  }
0xc5: {  	[dreg:$0x4] =	wrdreg s18  }
0xc6: {  	[dreg:$0x5] =	wrdreg $0x76200  }
0xc7: {  	[dreg:$0x6] =	wrdreg $0xA  }
0xc8: {  	_ =	task.clear_ibuf [dreg:s22], $0x7FFFF;
	_ =	strace $0x9000004F  }
0xc9: {  	s29 =	simm.s32 $0xA;
	_ =	strace $0x80000051  }
0xca: {  	_ =	swait.ge [sflag:s29], $0x1  }
0xcb: {  	[sflag:s29] =	ssyncadd.s32 $0xFFFFFFFF  }
0xcc: {  	_ =	strace $0x90000051  }
0xcd: {  	_ =	sfence  }
0xce: {  	s30 =	sld [smem:$0x0];
	_ =	sdelay $0x2  }
0xcf: {  	s31 =	sshll.u32 s1, $0xD;
	s1 =	sshrl.u32 s1, $0x2  }
0xd0: {  	s4 =	sand.u32 $0x4000, s31;
	s1 =	sadd.s32 s1, s30  }
0xd1: {  	s0 =	sor.u32 s4, s0;
	s1 =	sshll.u32 s1, $0x11  }
0xd2: {  	s0 =	sor.u32 s1, s0  }
0xd3: {  	s0 =	sadd.s32 $0x8F2B, s0  }
0xd4: {  	[sflag:s0] =	ssyncadd.remote.s32 $0x1  }
0xd5: {  	_ =	sfence.sel $0xFFFF  }
0xd6: {  	[dreg:$0x0] =	wrdreg $0xFFFFFFFF;
	(pc) =	sbr.abs _section_cstart, $3  }
0xd7: {  	[dreg:$0x1] =	wrdreg $0xFFFFFFFF  }
0xd8: {  	_ =	task.clear_ibuf [dreg:s22], $0x2FFFF;
	_ =	strace $0x9FFFFFFF  }
0xd9: {  	(tm) =	ssettm $0x7FFFFFFF  }
tec
execute0_lowered:
.L_overlay_start_1:
0x0: {  	(tag) =	ssettag $0x1  }
0x1: {  	s1 =	rddreg [dreg:$0x0]  }
0x2: {  	s6 =	rddreg [dreg:$0x1]  }
0x3: {  	s2 =	srdreg.scid;
	s3 =	rddreg [dreg:$0x2]  }
0x4: {  	s0 =	stileid.u32;
	s4 =	rddreg [dreg:$0x3];
	s5 =	simm.s32 $0x0  }
0x5: {  	s14 =	simm.s32 $0x50;
	s15 =	simm.s32 $0x4E20;
	s16 =	simm.s32 $0x6220  }
0x6: {  	s17 =	simm.s32 $0x1;
	s18 =	simm.s32 $0x2;
	s19 =	simm.s32 $0x4DD0  }
0x7: {  	s20 =	simm.s32 $0x0;
	s7 =	sand.u32 $0x1, s2;
	s2 =	rddreg [dreg:$0x4]  }
0x8: {  	s8 =	smul.u32 $0x9E00, s0;
	s9 =	sshll.u32 s0, $0x1;
	[smem:$0x7FF] =	sst s5  }
0x9: {  	s12 =	sshll.u32 s0, $0x6;
	s10 =	smul.u32 $0x9E000, s7;
	s9 =	sor.u32 s7, s9  }
0xa: {  	_ =	strace $0x80000050;
	s7 =	ssub.s32 $0x2, s7;
	s12 =	sor.u32 $0x1C03, s12  }
0xb: {  	s9 =	smul.u32 $0x4E2, s9;
	s31 =	sshrl.u32 s7, $0x1;
	s10 =	sadd.s32 s8, s10  }
0xc: {  	s13 =	sadd.s32 s8, s4;
	s11 =	ssub.s32 s7, s31;
	s10 =	sshrl.u32 s10, $0x3  }
0xd: {  	s13 =	sshrl.u32 s13, $0x3;
	s9 =	sadd.s32 s9, s6;
	s10 =	sadd.s32 s10, s6  }
0xe: {  	s6 =	sadd.s32 $0x2600, s9;
	s7 =	sadd.s32 $0xC400, s9;
	s9 =	smax.u32 s11, $0x1  }
0xf: {  	s11 =	simm.s32 $0x2710;
	s8 =	sadd.s32 $0x3D600, s10;
	s10 =	simm.s32 $0x3  }
.LBB2_1:
0x10: {  	[tilespmem:s5], [sflag:$0x3] =	stream.linear.gather [hbm4b:s6+s5], $0x2710, $0x38;
	[tilespmem:$0x11420] =	vst v63  }
0x11: {  	_ =	swait.ge [sflag:s10], $0x2710  }
0x12: {  	[sflag:s10] =	ssyncset.done $0x0  }
0x13: {  	[sflag:s10] =	ssyncadd.s32 $0xFFFFD8F0  }
0x14: {  	[tilespmem:s11], [sflag:$0x3] =	stream.linear.gather [hbm4b:s7+s5], $0x2710, $0x38;
	[tilespmem:$0x11420] =	vst v63  }
0x15: {  	_ =	swait.ge [sflag:s10], $0x2710  }
0x16: {  	[sflag:s10] =	ssyncset.done $0x0  }
0x17: {  	[sflag:s10] =	ssyncadd.s32 $0xFFFFD8F0  }
0x18: {  	[spmem:s13], [sflag:s12] =	dma.local [hbm:s3], $0x13C0  }
0x19: {  	_ =	swait.ge [sflag:s10], $0x13C0  }
0x1a: {  	[sflag:s10] =	ssyncset.done $0x0  }
0x1b: {  	[sflag:s10] =	ssyncadd.s32 $0xFFFFEC40  }
0x1c: {  	[bflag:$0x0] =	sbarrier.arrive $0xFFFF  }
0x1d: {  	[tilespmem:s15], [sflag:$0x1] =	stream.indirect.gather [hbm4b:s1+s14], $0x40, s5, s14, $0xb8;
	[tilespmem:$0x11420] =	vst v63  }
0x1e: {  	s21 =	simm.s32 $0x50  }
0x1f: {  	[tilespmem:s16], [sflag:$0x2] =	stream.indirect.gather [hbm4b:s1+s14], $0x40, s21, s14, $0xb8;
	[tilespmem:$0x11420] =	vst v63  }
0x20: {  	_ =	swait.ge [sflag:s17], $0x1400  }
0x21: {  	[sflag:s17] =	ssyncset.done $0x0  }
0x22: {  	s29 =	simm.s32 $0x2710;
	[sflag:s17] =	ssyncadd.s32 $0xFFFFEC00  }
0x23: {  	[spmem:s4] =	stream.indirect.scatter.add.f32 [tilespmem:s15], [sflag:$0x3], $0x40, s29, s14, $0xb8;
	[tilespmem:$0x11420] =	vst v63  }
0x24: {  	_ =	swait.ge [sflag:s10], $0x1400  }
0x25: {  	[sflag:s10] =	ssyncset.done $0x0  }
0x26: {  	s30 =	simm.s32 $0xA0;
	[sflag:s10] =	ssyncadd.s32 $0xFFFFEC00  }
0x27: {  	[tilespmem:s15], [sflag:$0x1] =	stream.indirect.gather [hbm4b:s1+s14], $0x40, s30, s14, $0xb8;
	[tilespmem:$0x11420] =	vst v63  }
0x28: {  	_ =	swait.ge [sflag:s18], $0x1400  }
0x29: {  	[sflag:s18] =	ssyncset.done $0x0  }
0x2a: {  	s31 =	simm.s32 $0x2760;
	[sflag:s18] =	ssyncadd.s32 $0xFFFFEC00  }
0x2b: {  	[spmem:s4] =	stream.indirect.scatter.add.f32 [tilespmem:s16], [sflag:$0x3], $0x40, s31, s14, $0xb8;
	[tilespmem:$0x11420] =	vst v63  }
0x2c: {  	_ =	swait.ge [sflag:s10], $0x1400  }
0x2d: {  	s22 =	simm.s32 $0x500;
	s21 =	simm.s32 $0xA0;
	[sflag:s10] =	ssyncset.done $0x0  }
.LBB2_2:
0x2e: {  	s23 =	sadd.s32 $0x50, s21  }
0x2f: {  	[sflag:s10] =	ssyncadd.s32 $0xFFFFEC00;
	s24 =	smov.u32 s22;
	s25 =	sadd.s32 $0x280, s22  }
0x30: {  	[tilespmem:s16], [sflag:$0x2] =	stream.indirect.gather [hbm4b:s1+s14], $0x40, s23, s14, $0xb8;
	[tilespmem:$0x11420] =	vst v63  }
0x31: {  	p0 =	sne.s32 s22, $0x9880;
	_ =	swait.ge [sflag:s17], $0x1400  }
0x32: {  	[sflag:s17] =	ssyncset.done $0x0  }
0x33: {  	s22 =	sadd.s32 $0x2710, s21;
	[sflag:s17] =	ssyncadd.s32 $0xFFFFEC00  }
0x34: {  	[spmem:s4] =	stream.indirect.scatter.add.f32 [tilespmem:s15], [sflag:$0x3], $0x40, s22, s14, $0xb8;
	[tilespmem:$0x11420] =	vst v63  }
0x35: {  	_ =	swait.ge [sflag:s10], $0x1400  }
0x36: {  	[sflag:s10] =	ssyncset.done $0x0  }
0x37: {  	s22 =	sadd.s32 $0xA0, s21;
	[sflag:s10] =	ssyncadd.s32 $0xFFFFEC00  }
0x38: {  	[tilespmem:s15], [sflag:$0x1] =	stream.indirect.gather [hbm4b:s1+s14], $0x40, s22, s14, $0xb8;
	[tilespmem:$0x11420] =	vst v63  }
0x39: {  	_ =	swait.ge [sflag:s18], $0x1400  }
.Ltmp0:
0x3a: {  	[sflag:s18] =	ssyncset.done $0x0;
	(pc) =	sbr.rel @p0 .LBB2_2-.Ltmp0, $4  }
0x3b: {  	s21 =	sadd.s32 $0x2760, s21;
	[sflag:s18] =	ssyncadd.s32 $0xFFFFEC00  }
0x3c: {  	[spmem:s4] =	stream.indirect.scatter.add.f32 [tilespmem:s16], [sflag:$0x3], $0x40, s21, s14, $0xb8;
	[tilespmem:$0x11420] =	vst v63  }
0x3d: {  	_ =	swait.ge [sflag:s10], $0x1400  }
0x3e: {  	s22 =	smov.u32 s25;
	s21 =	sshra.s32 s24, $0x2;
	[sflag:s10] =	ssyncset.done $0x0  }
0x3f: {  	s22 =	sadd.s32 $0x50, s21;
	[sflag:s10] =	ssyncadd.s32 $0xFFFFEC00  }
0x40: {  	[tilespmem:s16], [sflag:$0x2] =	stream.indirect.gather [hbm4b:s1+s14], $0x40, s22, s14, $0xb8;
	[tilespmem:$0x11420] =	vst v63  }
0x41: {  	_ =	swait.ge [sflag:s17], $0x1400  }
0x42: {  	[sflag:s17] =	ssyncset.done $0x0  }
0x43: {  	s29 =	sadd.s32 $0x2710, s21;
	[sflag:s17] =	ssyncadd.s32 $0xFFFFEC00  }
0x44: {  	[spmem:s4] =	stream.indirect.scatter.add.f32 [tilespmem:s15], [sflag:$0x3], $0x40, s29, s14, $0xb8;
	[tilespmem:$0x11420] =	vst v63  }
0x45: {  	_ =	swait.ge [sflag:s10], $0x1400  }
0x46: {  	[sflag:s10] =	ssyncset.done $0x0  }
0x47: {  	s30 =	sadd.s32 $0xA0, s21;
	[sflag:s10] =	ssyncadd.s32 $0xFFFFEC00  }
0x48: {  	[tilespmem:s15], [sflag:$0x1] =	stream.indirect.gather [hbm4b:s1+s14], $0x40, s30, s14, $0xb8;
	[tilespmem:$0x11420] =	vst v63  }
0x49: {  	_ =	swait.ge [sflag:s18], $0x1400  }
0x4a: {  	[sflag:s18] =	ssyncset.done $0x0  }
0x4b: {  	s31 =	sadd.s32 $0x2760, s21;
	[sflag:s18] =	ssyncadd.s32 $0xFFFFEC00  }
0x4c: {  	[spmem:s4] =	stream.indirect.scatter.add.f32 [tilespmem:s16], [sflag:$0x3], $0x40, s31, s14, $0xb8;
	[tilespmem:$0x11420] =	vst v63  }
0x4d: {  	_ =	swait.ge [sflag:s10], $0x1400  }
0x4e: {  	[sflag:s10] =	ssyncset.done $0x0  }
0x4f: {  	[sflag:s10] =	ssyncadd.s32 $0xFFFFEC00  }
0x50: {  	_ =	swait.ge [sflag:s17], $0x1400  }
0x51: {  	[sflag:s17] =	ssyncset.done $0x0  }
0x52: {  	[sflag:s17] =	ssyncadd.s32 $0xFFFFEC00  }
0x53: {  	[spmem:s4] =	stream.indirect.scatter.add.f32 [tilespmem:s15], [sflag:$0x3], $0x40, s19, s14, $0xb8;
	[tilespmem:$0x11420] =	vst v63  }
0x54: {  	_ =	swait.ge [sflag:s10], $0x1400  }
0x55: {  	s20 =	sadd.s32 $0x1, s20;
	[sflag:s10] =	ssyncset.done $0x0  }
0x56: {  	p0 =	sne.s32 s20, s9;
	[sflag:s10] =	ssyncadd.s32 $0xFFFFEC00  }
.Ltmp1:
0x57: {  	[bflag:$0x0] =	sbarrier.arrive $0xFFFF;
	(pc) =	sbr.rel @p0 .LBB2_1-.Ltmp1, $4  }
0x58: {  	[hbm:s8], [sflag:s12] =	dma.local [spmem:s13], $0x13C0  }
0x59: {  	_ =	swait.ge [sflag:s10], $0x13C0  }
0x5a: {  	[sflag:s10] =	ssyncset.done $0x0  }
0x5b: {  	[sflag:s10] =	ssyncadd.s32 $0xFFFFEC40  }
0x5c: {  	_ =	sfence.sel $0x180000  }
0x5d: {  	[bflag:$0x0] =	sbarrier.arrive $0xFFFF  }
0x5e: {  	p0 =	sne.s32 s0, $0x0;
	_ =	strace $0x90000050  }
0x5f: {  	s0 =	sadd.s32 @!p0 $0x100000, s2;
	[bflag:$0x2] =	sbarrier.arrive $0xFFFF  }
0x60: {  	[sflag:s0] =	ssyncadd.tile.s32 @!p0 $0x1;
	_ =	shalt  }
.Lfunc_end2:
_tile_overlayer_lowered:
.L_overlay_start_2:
0x61: {  	(tag) =	ssettag $0x2  }
0x62: {  	s0 =	rddreg [dreg:$0x0];
	s2 =	stileid.u32  }
0x63: {  	s1 =	rddreg [dreg:$0x1];
	p0 =	sne.s32 s2, $0x0  }
0x64: {  	s3 =	rddreg [dreg:$0x2];
	[bflag:$0x3] =	sbarrier.arrive $0xFFFF;
	s2 =	simm.s32 @!p0 $0x1C03  }
0x65: {  	[timem:s3], [sflag:s2] =	dma.local @!p0 [hbm:s0], s1  }
0x66: {  	s0 =	simm.s32 @!p0 $0x3  }
0x67: {  	_ =	swait.ge @!p0 [sflag:s0], s1  }
0x68: {  	s1 =	ssub.s32 @!p0 $0x0, s1;
	[sflag:s0] =	ssyncset.done @!p0 $0x0  }
0x69: {  	[sflag:s0] =	ssyncadd.s32 @!p0 s1  }
0x6a: {  	[bflag:$0x3] =	sbarrier.arrive $0xFFFF  }
0x6b: {  	_ =	shalt  }

// kernel: kernel.21.cloned.1.call-start
scs
__scs_entry_jumppad:
0x0: {  	(pc) =	sbr.rel $0x88, $3  }
0x1: {  	(tag) =	ssettag $0x0;
	lr =	simm.s32 $0x1  }
0x2: {  	[smem:$0x3F9E] =	sst lr;
	_ =	strace $0xD0000000  }
0x3: {  	_ = 	snop  }
0x4: {  	_ = 	snop  }
0x5: {  	_ = 	snop  }
0x6: {  	_ = 	snop  }
0x7: {  	_ = 	snop  }
__scs_overlays_trampoline_lowered:
0x8: {  	[smem:$0x3FAD] =	sst s0  }
0x9: {  	[smem:$0x3FAE] =	sst s1  }
0xa: {  	[smem:$0x3FAF] =	sst s2  }
0xb: {  	[smem:$0x3FB0] =	sst s3  }
0xc: {  	[smem:$0x3FB1] =	sst s4  }
0xd: {  	[smem:$0x3FB2] =	sst s5  }
0xe: {  	[smem:$0x3FB3] =	sst s6  }
0xf: {  	[smem:$0x3FB4] =	sst s7  }
0x10: {  	[smem:$0x3FB5] =	sst s8  }
0x11: {  	[smem:$0x3FB6] =	sst s9;
	s0 =	simm.s32 @!p0 $0x0  }
0x12: {  	s1 =	sld [smem:$0x3F9C];
	s0 =	simm.s32 @p0 $0x1  }
0x13: {  	[smem:$0x3FB7] =	sst s0;
	s0 =	simm.s32 @!p1 $0x0  }
0x14: {  	s2 =	sld [smem:$0x3F9B];
	s0 =	simm.s32 @p1 $0x1  }
0x15: {  	[smem:$0x3FB8] =	sst s0;
	s0 =	simm.s32 @!p2 $0x0  }
0x16: {  	s3 =	sld [smem:$0x3FDB];
	s0 =	simm.s32 @p2 $0x1  }
0x17: {  	s4 =	simm.s32 $0x1BF5;
	[smem:$0x3FBA] =	sst s0  }
0x18: {  	s0 =	sld [smem:$0x3F9D];
	_ =	swait.ge [sflag:s4], $0x0  }
0x19: {  	s7 =	sld [smem:$0x3F9E]  }
0x1a: {  	s8 =	sadd.s32 $0xFFFFE003, lr  }
0x1b: {  	s9 =	sadd.s32 $0xFFFFFEF7, lr;
	s5 =	simm.s32 $0xFFFFFFFF;
	p2 =	slt.u32 s8, $0xFFFFF086  }
0x1c: {  	p1 =	slt.u32 s9, $0xF7A;
	s5 =	simm.s32 @!p2 $0x0  }
0x1d: {  	s5 =	simm.s32 @p1 $0x1;
	p0 =	seq.s32 s7, s2  }
0x1e: {  	s7 =	smul.u32 @!p0 $0xF7A, s2;
	p2 =	seq.s32 @!p0 s5, $0x0  }
0x1f: {  	s9 =	smul.u32 $0xF7A, s1;
	s8 =	simm.s32 @!p0 $0x1BF5;
	p2 =	por !p2, p0  }
0x20: {  	[sflag:s8] =	ssyncset.s32 @!p0 $0xFFFFF086;
	s6 =	sadd.s32 @!p0 s3, s7;
	s7 =	simm.s32 @!p0 $0x108  }
0x21: {  	s3 =	sadd.s32 s3, s9;
	s6 =	sadd.s32 @!p0 $0x88, s6;
	s7 =	simm.s32 @p2 $0x1082  }
0x22: {  	[simem:s7], [sflag:s8] =	dma.local @!p0 [hbm:s6], $0xF7A  }
0x23: {  	s9 =	sor.u32 $0xD0000000, s2;
	s6 =	simm.s32 $0x108;
	_ =	swait.ge @!p0 [sflag:s8], $0x0  }
0x24: {  	s3 =	sadd.s32 $0x88, s3;
	s6 =	simm.s32 @!p1 $0x1082;
	[sflag:s4] =	ssyncset.s32 $0xFFFFF086  }
0x25: {  	[simem:s6], [sflag:s4] =	dma.local [hbm:s3], $0xF7A  }
0x26: {  	[smem:$0x3F9E] =	sst s1;
	(tag) =	ssettag s2;
	_ =	strace s9  }
0x27: {  	s1 =	sld [smem:$0x3FAE]  }
0x28: {  	s2 =	sld [smem:$0x3FAF]  }
0x29: {  	s4 =	sld [smem:$0x3FB1]  }
0x2a: {  	p0 =	seq.s32 s5, $0x0;
	s5 =	sld [smem:$0x3FB2]  }
0x2b: {  	s6 =	sld [smem:$0x3FB3]  }
0x2c: {  	s7 =	sld [smem:$0x3FB4]  }
0x2d: {  	s3 =	simm.s32 $0x108;
	s8 =	sld [smem:$0x3FB5]  }
0x2e: {  	s3 =	simm.s32 @!p0 $0x1082;
	s9 =	sld [smem:$0x3FB6]  }
0x2f: {  	lr =	sadd.s32 s0, s3;
	s0 =	sld [smem:$0x3FAD]  }
0x30: {  	s3 =	sld [smem:$0x3FB0]  }
0x31: {  	[smem:$0x3FB9] =	sst s10  }
0x32: {  	s10 =	sld [smem:$0x3FB7];
	_ =	sdelay $0x3  }
0x33: {  	p0 =	seq.s32 s10, $0x1;
	s10 =	sld [smem:$0x3FB9];
	_ =	sdelay $0x3  }
0x34: {  	[smem:$0x3FB9] =	sst s10  }
0x35: {  	s10 =	sld [smem:$0x3FB8];
	_ =	sdelay $0x3  }
0x36: {  	p1 =	seq.s32 s10, $0x1;
	s10 =	sld [smem:$0x3FB9];
	_ =	sdelay $0x3  }
0x37: {  	[smem:$0x3FB9] =	sst s10  }
0x38: {  	s10 =	sld [smem:$0x3FBA]  }
0x39: {  	_ = 	snop;
	(pc) =	sbr.ind lr, $3  }
0x3a: {  	_ = 	snop  }
0x3b: {  	_ = 	snop  }
0x3c: {  	p2 =	seq.s32 s10, $0x1;
	s10 =	sld [smem:$0x3FB9]  }
0x3d: {  	_ =	shalt  }
0x3e: {  	_ =	shalt  }
0x3f: {  	_ =	shalt  }
0x40: {  	_ =	shalt  }
0x41: {  	_ =	shalt  }
0x42: {  	_ =	shalt  }
0x43: {  	_ =	shalt  }
0x44: {  	_ =	shalt  }
0x45: {  	_ =	shalt  }
0x46: {  	_ =	shalt  }
0x47: {  	_ =	shalt  }
0x48: {  	_ =	shalt  }
0x49: {  	_ =	shalt  }
0x4a: {  	_ =	shalt  }
0x4b: {  	_ =	shalt  }
0x4c: {  	_ =	shalt  }
0x4d: {  	_ =	shalt  }
0x4e: {  	_ =	shalt  }
0x4f: {  	_ =	shalt  }
0x50: {  	_ =	shalt  }
0x51: {  	_ =	shalt  }
0x52: {  	_ =	shalt  }
0x53: {  	_ =	shalt  }
0x54: {  	_ =	shalt  }
0x55: {  	_ =	shalt  }
0x56: {  	_ =	shalt  }
0x57: {  	_ =	shalt  }
0x58: {  	_ =	shalt  }
0x59: {  	_ =	shalt  }
0x5a: {  	_ =	shalt  }
0x5b: {  	_ =	shalt  }
0x5c: {  	_ =	shalt  }
0x5d: {  	_ =	shalt  }
0x5e: {  	_ =	shalt  }
0x5f: {  	_ =	shalt  }
0x60: {  	_ =	shalt  }
0x61: {  	_ =	shalt  }
0x62: {  	_ =	shalt  }
0x63: {  	_ =	shalt  }
0x64: {  	_ =	shalt  }
0x65: {  	_ =	shalt  }
0x66: {  	_ =	shalt  }
0x67: {  	_ =	shalt  }
0x68: {  	_ =	shalt  }
0x69: {  	_ =	shalt  }
0x6a: {  	_ =	shalt  }
0x6b: {  	_ =	shalt  }
0x6c: {  	_ =	shalt  }
0x6d: {  	_ =	shalt  }
0x6e: {  	_ =	shalt  }
0x6f: {  	_ =	shalt  }
0x70: {  	_ =	shalt  }
0x71: {  	_ =	shalt  }
0x72: {  	_ =	shalt  }
0x73: {  	_ =	shalt  }
0x74: {  	_ =	shalt  }
0x75: {  	_ =	shalt  }
0x76: {  	_ =	shalt  }
0x77: {  	_ =	shalt  }
0x78: {  	_ =	shalt  }
0x79: {  	_ =	shalt  }
0x7a: {  	_ =	shalt  }
0x7b: {  	_ =	shalt  }
0x7c: {  	_ =	shalt  }
0x7d: {  	_ =	shalt  }
0x7e: {  	_ =	shalt  }
0x7f: {  	_ =	shalt  }
0x80: {  	_ =	shalt  }
0x81: {  	_ =	shalt  }
0x82: {  	_ =	shalt  }
0x83: {  	_ =	shalt  }
0x84: {  	_ =	shalt  }
0x85: {  	_ =	shalt  }
0x86: {  	_ =	shalt  }
0x87: {  	_ =	shalt  }
.Lfunc_end0:
.L_simem_size_0:
called_computation.4_lowered:
.L_overlay_start_0:
0x88: {  	s2 =	sld [smem:$0x3FD9]  }
0x89: {  	s3 =	sld [smem:$0x3FFE];
	_ =	sdelay $0x1  }
0x8a: {  	s1 =	srdreg.scid  }
0x8b: {  	s0 =	sand.u32 $0x1, s1  }
0x8c: {  	s14 =	sshll.u32 s0, $0xA;
	s2 =	sadd.s32 s3, s2  }
0x8d: {  	s2 =	sadd.s32 s2, s14  }
0x8e: {  	[smem:$0x3FC5] =	sst s2  }
0x8f: {  	_ = 	snop  }
0x90: {  	s2 =	sld [smem:$0x3FD0];
	_ =	sdelay $0x2  }
0x91: {  	s15 =	simm.s32 $0xB;
	s4 =	simm.s32 $0x10  }
0x92: {  	[smem:s4], [sflag:s15] =	dma.local [hbm:s2], $0x1  }
0x93: {  	_ =	swait.eq [sflag:s15], $0x1  }
0x94: {  	[sflag:s15] =	ssyncset.done $0x0  }
0x95: {  	s16 =	sld [smem:$0x10];
	[sflag:s15] =	ssyncadd.s32 $0xFFFFFFFF  }
0x96: {  	s17 =	sld [smem:$0x11];
	(tm) =	ssettm $0x1  }
0x97: {  	s18 =	sld [smem:$0x3FFB];
	_ =	sdelay $0x3  }
0x98: {  	_ =	strace s18  }
0x99: {  	s4 =	sld [smem:$0x3FFC];
	_ =	sdelay $0x3  }
0x9a: {  	_ =	strace s4  }
0x9b: {  	s4 =	sld [smem:$0x3FFD];
	_ =	sdelay $0x3  }
0x9c: {  	_ =	strace s4  }
0x9d: {  	_ =	strace $0x8FFFFFFF  }
0x9e: {  	s19 =	sld [smem:$0x3FDB];
	_ =	sdelay $0x1  }
0x9f: {  	s5 =	simm.s32 $_scs_section_size  }
0xa0: {  	s6 =	simm.s32 $_size__tile_overlayer_lowered;
	s7 =	simm.s32 $_tile_overlayer_lowered  }
0xa1: {  	s22 =	simm.s32 $0x1BFF;
	s21 =	sshll.u32 s7, $0x1;
	s4 =	sadd.s32 s5, s19  }
0xa2: {  	s8 =	simm.s32 $0x0;
	s20 =	sshll.u32 s6, $0x1;
	s6 =	sadd.s32 s21, s4  }
0xa3: {  	[timem:s8], [sflag:s22] =	dma.local [hbm:s6], s20  }
0xa4: {  	_ =	swait.ge [sflag:s22], s20  }
0xa5: {  	s5 =	ssub.s32 $0x0, s20;
	[sflag:s22] =	ssyncset.done $0x0  }
0xa6: {  	[sflag:s22] =	ssyncadd.s32 s5;
	_ =	sdelay $0x1  }
0xa7: {  	s23 =	simm.s32 $0x1B8B  }
0xa8: {  	_ =	swait.ge [sflag:s23], $0x1  }
0xa9: {  	[sflag:s23] =	ssyncset.done $0x0  }
0xaa: {  	s25 =	simm.s32 $0x1B8E;
	s24 =	sld [smem:$0x3FFE];
	[sflag:s23] =	ssyncadd.s32 $0xFFFFFFFF  }
0xab: {  	s26 =	simm.s32 $execute0_lowered;
	[smem:$0x3FD2] =	sst s25  }
0xac: {  	s6 =	sshll.u32 s26, $0x1;
	_ =	strace $0x80000052;
	[dreg:$0x1] =	wrdreg $0xFFFFFFFF  }
0xad: {  	s28 =	simm.s32 $_size_execute0_lowered;
	s4 =	sadd.s32 s4, s6;
	[dreg:$0x0] =	wrdreg $0x0  }
0xae: {  	s6 =	sshll.u32 s28, $0x1;
	[dreg:$0x2] =	wrdreg s4  }
0xaf: {  	[dreg:$0x3] =	wrdreg s6  }
0xb0: {  	[dreg:$0x4] =	wrdreg $0xC0  }
0xb1: {  	_ =	task [dreg:s8], $0x5FFFF  }
0xb2: {  	[dreg:$0x1] =	wrdreg $0xFFFFFFFF  }
0xb3: {  	[dreg:$0x0] =	wrdreg $0x60  }
0xb4: {  	[dreg:$0x2] =	wrdreg s16  }
0xb5: {  	[dreg:$0x3] =	wrdreg s24  }
0xb6: {  	[dreg:$0x4] =	wrdreg s17  }
0xb7: {  	[dreg:$0x5] =	wrdreg $0x76200  }
0xb8: {  	[dreg:$0x6] =	wrdreg $0xA  }
0xb9: {  	_ =	task.clear_ibuf [dreg:s8], $0x7FFFF;
	_ =	strace $0x90000052  }
0xba: {  	s29 =	simm.s32 $0xA;
	_ =	strace $0x80000054  }
0xbb: {  	_ =	swait.ge [sflag:s29], $0x1  }
0xbc: {  	[sflag:s29] =	ssyncadd.s32 $0xFFFFFFFF  }
0xbd: {  	_ =	strace $0x90000054  }
0xbe: {  	_ =	sfence  }
0xbf: {  	s30 =	sld [smem:$0x0];
	_ =	sdelay $0x2  }
0xc0: {  	s31 =	sshll.u32 s1, $0xD;
	s1 =	sshrl.u32 s1, $0x2  }
0xc1: {  	s3 =	sand.u32 $0x4000, s31;
	s1 =	sadd.s32 s1, s30  }
0xc2: {  	s0 =	sor.u32 s3, s0;
	s1 =	sshll.u32 s1, $0x11  }
0xc3: {  	s0 =	sor.u32 s1, s0  }
0xc4: {  	s0 =	sadd.s32 $0x8F2B, s0  }
0xc5: {  	[sflag:s0] =	ssyncadd.remote.s32 $0x1  }
0xc6: {  	_ =	sfence.sel $0xFFFF  }
0xc7: {  	[dreg:$0x0] =	wrdreg $0xFFFFFFFF;
	(pc) =	sbr.abs _section_cstart, $3  }
0xc8: {  	[dreg:$0x1] =	wrdreg $0xFFFFFFFF  }
0xc9: {  	_ =	task.clear_ibuf [dreg:s8], $0x2FFFF;
	_ =	strace $0x9FFFFFFF  }
0xca: {  	(tm) =	ssettm $0x7FFFFFFF  }
0xcb: {  	_ =	shalt  }
tec
execute0_lowered:
.L_overlay_start_1:
0x0: {  	(tag) =	ssettag $0x1  }
0x1: {  	s1 =	rddreg [dreg:$0x0]  }
0x2: {  	s6 =	rddreg [dreg:$0x1]  }
0x3: {  	s2 =	srdreg.scid;
	s3 =	rddreg [dreg:$0x2]  }
0x4: {  	s0 =	stileid.u32;
	s4 =	rddreg [dreg:$0x3];
	s5 =	simm.s32 $0x0  }
0x5: {  	s14 =	simm.s32 $0x50;
	s15 =	simm.s32 $0x4E20;
	s16 =	simm.s32 $0x6220  }
0x6: {  	s17 =	simm.s32 $0x1;
	s18 =	simm.s32 $0x2;
	s19 =	simm.s32 $0x4DD0  }
0x7: {  	s20 =	simm.s32 $0x0;
	s7 =	sand.u32 $0x1, s2;
	s2 =	rddreg [dreg:$0x4]  }
0x8: {  	s8 =	smul.u32 $0x9E00, s0;
	s9 =	sshll.u32 s0, $0x1;
	[smem:$0x7FF] =	sst s5  }
0x9: {  	s12 =	sshll.u32 s0, $0x6;
	s10 =	smul.u32 $0x9E000, s7;
	s9 =	sor.u32 s7, s9  }
0xa: {  	_ =	strace $0x80000053;
	s7 =	ssub.s32 $0x2, s7;
	s12 =	sor.u32 $0x1C03, s12  }
0xb: {  	s9 =	smul.u32 $0x4E2, s9;
	s31 =	sshrl.u32 s7, $0x1;
	s10 =	sadd.s32 s8, s10  }
0xc: {  	s13 =	sadd.s32 s8, s4;
	s11 =	ssub.s32 s7, s31;
	s10 =	sshrl.u32 s10, $0x3  }
0xd: {  	s13 =	sshrl.u32 s13, $0x3;
	s9 =	sadd.s32 s9, s6;
	s10 =	sadd.s32 s10, s6  }
0xe: {  	s6 =	sadd.s32 $0x2600, s9;
	s7 =	sadd.s32 $0xC400, s9;
	s9 =	smax.u32 s11, $0x1  }
0xf: {  	s11 =	simm.s32 $0x2710;
	s8 =	sadd.s32 $0xB2C00, s10;
	s10 =	simm.s32 $0x3  }
.LBB2_1:
0x10: {  	[tilespmem:s5], [sflag:$0x3] =	stream.linear.gather [hbm4b:s6+s5], $0x2710, $0x38;
	[tilespmem:$0x11420] =	vst v63  }
0x11: {  	_ =	swait.ge [sflag:s10], $0x2710  }
0x12: {  	[sflag:s10] =	ssyncset.done $0x0  }
0x13: {  	[sflag:s10] =	ssyncadd.s32 $0xFFFFD8F0  }
0x14: {  	[tilespmem:s11], [sflag:$0x3] =	stream.linear.gather [hbm4b:s7+s5], $0x2710, $0x38;
	[tilespmem:$0x11420] =	vst v63  }
0x15: {  	_ =	swait.ge [sflag:s10], $0x2710  }
0x16: {  	[sflag:s10] =	ssyncset.done $0x0  }
0x17: {  	[sflag:s10] =	ssyncadd.s32 $0xFFFFD8F0  }
0x18: {  	[spmem:s13], [sflag:s12] =	dma.local [hbm:s3], $0x13C0  }
0x19: {  	_ =	swait.ge [sflag:s10], $0x13C0  }
0x1a: {  	[sflag:s10] =	ssyncset.done $0x0  }
0x1b: {  	[sflag:s10] =	ssyncadd.s32 $0xFFFFEC40  }
0x1c: {  	[bflag:$0x0] =	sbarrier.arrive $0xFFFF  }
0x1d: {  	[tilespmem:s15], [sflag:$0x1] =	stream.indirect.gather [hbm4b:s1+s14], $0x40, s5, s14, $0xb8;
	[tilespmem:$0x11420] =	vst v63  }
0x1e: {  	s21 =	simm.s32 $0x50  }
0x1f: {  	[tilespmem:s16], [sflag:$0x2] =	stream.indirect.gather [hbm4b:s1+s14], $0x40, s21, s14, $0xb8;
	[tilespmem:$0x11420] =	vst v63  }
0x20: {  	_ =	swait.ge [sflag:s17], $0x1400  }
0x21: {  	[sflag:s17] =	ssyncset.done $0x0  }
0x22: {  	s29 =	simm.s32 $0x2710;
	[sflag:s17] =	ssyncadd.s32 $0xFFFFEC00  }
0x23: {  	[spmem:s4] =	stream.indirect.scatter.add.f32 [tilespmem:s15], [sflag:$0x3], $0x40, s29, s14, $0xb8;
	[tilespmem:$0x11420] =	vst v63  }
0x24: {  	_ =	swait.ge [sflag:s10], $0x1400  }
0x25: {  	[sflag:s10] =	ssyncset.done $0x0  }
0x26: {  	s30 =	simm.s32 $0xA0;
	[sflag:s10] =	ssyncadd.s32 $0xFFFFEC00  }
0x27: {  	[tilespmem:s15], [sflag:$0x1] =	stream.indirect.gather [hbm4b:s1+s14], $0x40, s30, s14, $0xb8;
	[tilespmem:$0x11420] =	vst v63  }
0x28: {  	_ =	swait.ge [sflag:s18], $0x1400  }
0x29: {  	[sflag:s18] =	ssyncset.done $0x0  }
0x2a: {  	s31 =	simm.s32 $0x2760;
	[sflag:s18] =	ssyncadd.s32 $0xFFFFEC00  }
0x2b: {  	[spmem:s4] =	stream.indirect.scatter.add.f32 [tilespmem:s16], [sflag:$0x3], $0x40, s31, s14, $0xb8;
	[tilespmem:$0x11420] =	vst v63  }
0x2c: {  	_ =	swait.ge [sflag:s10], $0x1400  }
0x2d: {  	s22 =	simm.s32 $0x500;
	s21 =	simm.s32 $0xA0;
	[sflag:s10] =	ssyncset.done $0x0  }
.LBB2_2:
0x2e: {  	s23 =	sadd.s32 $0x50, s21  }
0x2f: {  	[sflag:s10] =	ssyncadd.s32 $0xFFFFEC00;
	s24 =	smov.u32 s22;
	s25 =	sadd.s32 $0x280, s22  }
0x30: {  	[tilespmem:s16], [sflag:$0x2] =	stream.indirect.gather [hbm4b:s1+s14], $0x40, s23, s14, $0xb8;
	[tilespmem:$0x11420] =	vst v63  }
0x31: {  	p0 =	sne.s32 s22, $0x9880;
	_ =	swait.ge [sflag:s17], $0x1400  }
0x32: {  	[sflag:s17] =	ssyncset.done $0x0  }
0x33: {  	s22 =	sadd.s32 $0x2710, s21;
	[sflag:s17] =	ssyncadd.s32 $0xFFFFEC00  }
0x34: {  	[spmem:s4] =	stream.indirect.scatter.add.f32 [tilespmem:s15], [sflag:$0x3], $0x40, s22, s14, $0xb8;
	[tilespmem:$0x11420] =	vst v63  }
0x35: {  	_ =	swait.ge [sflag:s10], $0x1400  }
0x36: {  	[sflag:s10] =	ssyncset.done $0x0  }
0x37: {  	s22 =	sadd.s32 $0xA0, s21;
	[sflag:s10] =	ssyncadd.s32 $0xFFFFEC00  }
0x38: {  	[tilespmem:s15], [sflag:$0x1] =	stream.indirect.gather [hbm4b:s1+s14], $0x40, s22, s14, $0xb8;
	[tilespmem:$0x11420] =	vst v63  }
0x39: {  	_ =	swait.ge [sflag:s18], $0x1400  }
.Ltmp0:
0x3a: {  	[sflag:s18] =	ssyncset.done $0x0;
	(pc) =	sbr.rel @p0 .LBB2_2-.Ltmp0, $4  }
0x3b: {  	s21 =	sadd.s32 $0x2760, s21;
	[sflag:s18] =	ssyncadd.s32 $0xFFFFEC00  }
0x3c: {  	[spmem:s4] =	stream.indirect.scatter.add.f32 [tilespmem:s16], [sflag:$0x3], $0x40, s21, s14, $0xb8;
	[tilespmem:$0x11420] =	vst v63  }
0x3d: {  	_ =	swait.ge [sflag:s10], $0x1400  }
0x3e: {  	s22 =	smov.u32 s25;
	s21 =	sshra.s32 s24, $0x2;
	[sflag:s10] =	ssyncset.done $0x0  }
0x3f: {  	s22 =	sadd.s32 $0x50, s21;
	[sflag:s10] =	ssyncadd.s32 $0xFFFFEC00  }
0x40: {  	[tilespmem:s16], [sflag:$0x2] =	stream.indirect.gather [hbm4b:s1+s14], $0x40, s22, s14, $0xb8;
	[tilespmem:$0x11420] =	vst v63  }
0x41: {  	_ =	swait.ge [sflag:s17], $0x1400  }
0x42: {  	[sflag:s17] =	ssyncset.done $0x0  }
0x43: {  	s29 =	sadd.s32 $0x2710, s21;
	[sflag:s17] =	ssyncadd.s32 $0xFFFFEC00  }
0x44: {  	[spmem:s4] =	stream.indirect.scatter.add.f32 [tilespmem:s15], [sflag:$0x3], $0x40, s29, s14, $0xb8;
	[tilespmem:$0x11420] =	vst v63  }
0x45: {  	_ =	swait.ge [sflag:s10], $0x1400  }
0x46: {  	[sflag:s10] =	ssyncset.done $0x0  }
0x47: {  	s30 =	sadd.s32 $0xA0, s21;
	[sflag:s10] =	ssyncadd.s32 $0xFFFFEC00  }
0x48: {  	[tilespmem:s15], [sflag:$0x1] =	stream.indirect.gather [hbm4b:s1+s14], $0x40, s30, s14, $0xb8;
	[tilespmem:$0x11420] =	vst v63  }
0x49: {  	_ =	swait.ge [sflag:s18], $0x1400  }
0x4a: {  	[sflag:s18] =	ssyncset.done $0x0  }
0x4b: {  	s31 =	sadd.s32 $0x2760, s21;
	[sflag:s18] =	ssyncadd.s32 $0xFFFFEC00  }
0x4c: {  	[spmem:s4] =	stream.indirect.scatter.add.f32 [tilespmem:s16], [sflag:$0x3], $0x40, s31, s14, $0xb8;
	[tilespmem:$0x11420] =	vst v63  }
0x4d: {  	_ =	swait.ge [sflag:s10], $0x1400  }
0x4e: {  	[sflag:s10] =	ssyncset.done $0x0  }
0x4f: {  	[sflag:s10] =	ssyncadd.s32 $0xFFFFEC00  }
0x50: {  	_ =	swait.ge [sflag:s17], $0x1400  }
0x51: {  	[sflag:s17] =	ssyncset.done $0x0  }
0x52: {  	[sflag:s17] =	ssyncadd.s32 $0xFFFFEC00  }
0x53: {  	[spmem:s4] =	stream.indirect.scatter.add.f32 [tilespmem:s15], [sflag:$0x3], $0x40, s19, s14, $0xb8;
	[tilespmem:$0x11420] =	vst v63  }
0x54: {  	_ =	swait.ge [sflag:s10], $0x1400  }
0x55: {  	s20 =	sadd.s32 $0x1, s20;
	[sflag:s10] =	ssyncset.done $0x0  }
0x56: {  	p0 =	sne.s32 s20, s9;
	[sflag:s10] =	ssyncadd.s32 $0xFFFFEC00  }
.Ltmp1:
0x57: {  	[bflag:$0x0] =	sbarrier.arrive $0xFFFF;
	(pc) =	sbr.rel @p0 .LBB2_1-.Ltmp1, $4  }
0x58: {  	[hbm:s8], [sflag:s12] =	dma.local [spmem:s13], $0x13C0  }
0x59: {  	_ =	swait.ge [sflag:s10], $0x13C0  }
0x5a: {  	[sflag:s10] =	ssyncset.done $0x0  }
0x5b: {  	[sflag:s10] =	ssyncadd.s32 $0xFFFFEC40  }
0x5c: {  	_ =	sfence.sel $0x180000  }
0x5d: {  	[bflag:$0x0] =	sbarrier.arrive $0xFFFF  }
0x5e: {  	p0 =	sne.s32 s0, $0x0;
	_ =	strace $0x90000053  }
0x5f: {  	s0 =	sadd.s32 @!p0 $0x100000, s2;
	[bflag:$0x2] =	sbarrier.arrive $0xFFFF  }
0x60: {  	[sflag:s0] =	ssyncadd.tile.s32 @!p0 $0x1;
	_ =	shalt  }
.Lfunc_end2:
_tile_overlayer_lowered:
.L_overlay_start_2:
0x61: {  	(tag) =	ssettag $0x2  }
0x62: {  	s0 =	rddreg [dreg:$0x0];
	s2 =	stileid.u32  }
0x63: {  	s1 =	rddreg [dreg:$0x1];
	p0 =	sne.s32 s2, $0x0  }
0x64: {  	s3 =	rddreg [dreg:$0x2];
	[bflag:$0x3] =	sbarrier.arrive $0xFFFF;
	s2 =	simm.s32 @!p0 $0x1C03  }
0x65: {  	[timem:s3], [sflag:s2] =	dma.local @!p0 [hbm:s0], s1  }
0x66: {  	s0 =	simm.s32 @!p0 $0x3  }
0x67: {  	_ =	swait.ge @!p0 [sflag:s0], s1  }
0x68: {  	s1 =	ssub.s32 @!p0 $0x0, s1;
	[sflag:s0] =	ssyncset.done @!p0 $0x0  }
0x69: {  	[sflag:s0] =	ssyncadd.s32 @!p0 s1  }
0x6a: {  	[bflag:$0x3] =	sbarrier.arrive $0xFFFF  }
0x6b: {  	_ =	shalt  }

// kernel: kernel.24.cloned.1.call-start
scs
__scs_entry_jumppad:
0x0: {  	(pc) =	sbr.rel $0x88, $3  }
0x1: {  	(tag) =	ssettag $0x0;
	lr =	simm.s32 $0x1  }
0x2: {  	[smem:$0x3F9E] =	sst lr;
	_ =	strace $0xD0000000  }
0x3: {  	_ = 	snop  }
0x4: {  	_ = 	snop  }
0x5: {  	_ = 	snop  }
0x6: {  	_ = 	snop  }
0x7: {  	_ = 	snop  }
__scs_overlays_trampoline_lowered:
0x8: {  	[smem:$0x3FAD] =	sst s0  }
0x9: {  	[smem:$0x3FAE] =	sst s1  }
0xa: {  	[smem:$0x3FAF] =	sst s2  }
0xb: {  	[smem:$0x3FB0] =	sst s3  }
0xc: {  	[smem:$0x3FB1] =	sst s4  }
0xd: {  	[smem:$0x3FB2] =	sst s5  }
0xe: {  	[smem:$0x3FB3] =	sst s6  }
0xf: {  	[smem:$0x3FB4] =	sst s7  }
0x10: {  	[smem:$0x3FB5] =	sst s8  }
0x11: {  	[smem:$0x3FB6] =	sst s9;
	s0 =	simm.s32 @!p0 $0x0  }
0x12: {  	s1 =	sld [smem:$0x3F9C];
	s0 =	simm.s32 @p0 $0x1  }
0x13: {  	[smem:$0x3FB7] =	sst s0;
	s0 =	simm.s32 @!p1 $0x0  }
0x14: {  	s2 =	sld [smem:$0x3F9B];
	s0 =	simm.s32 @p1 $0x1  }
0x15: {  	[smem:$0x3FB8] =	sst s0;
	s0 =	simm.s32 @!p2 $0x0  }
0x16: {  	s3 =	sld [smem:$0x3FDB];
	s0 =	simm.s32 @p2 $0x1  }
0x17: {  	s4 =	simm.s32 $0x1BF5;
	[smem:$0x3FBA] =	sst s0  }
0x18: {  	s0 =	sld [smem:$0x3F9D];
	_ =	swait.ge [sflag:s4], $0x0  }
0x19: {  	s7 =	sld [smem:$0x3F9E]  }
0x1a: {  	s8 =	sadd.s32 $0xFFFFE003, lr  }
0x1b: {  	s9 =	sadd.s32 $0xFFFFFEF7, lr;
	s5 =	simm.s32 $0xFFFFFFFF;
	p2 =	slt.u32 s8, $0xFFFFF086  }
0x1c: {  	p1 =	slt.u32 s9, $0xF7A;
	s5 =	simm.s32 @!p2 $0x0  }
0x1d: {  	s5 =	simm.s32 @p1 $0x1;
	p0 =	seq.s32 s7, s2  }
0x1e: {  	s7 =	smul.u32 @!p0 $0xF7A, s2;
	p2 =	seq.s32 @!p0 s5, $0x0  }
0x1f: {  	s9 =	smul.u32 $0xF7A, s1;
	s8 =	simm.s32 @!p0 $0x1BF5;
	p2 =	por !p2, p0  }
0x20: {  	[sflag:s8] =	ssyncset.s32 @!p0 $0xFFFFF086;
	s6 =	sadd.s32 @!p0 s3, s7;
	s7 =	simm.s32 @!p0 $0x108  }
0x21: {  	s3 =	sadd.s32 s3, s9;
	s6 =	sadd.s32 @!p0 $0x88, s6;
	s7 =	simm.s32 @p2 $0x1082  }
0x22: {  	[simem:s7], [sflag:s8] =	dma.local @!p0 [hbm:s6], $0xF7A  }
0x23: {  	s9 =	sor.u32 $0xD0000000, s2;
	s6 =	simm.s32 $0x108;
	_ =	swait.ge @!p0 [sflag:s8], $0x0  }
0x24: {  	s3 =	sadd.s32 $0x88, s3;
	s6 =	simm.s32 @!p1 $0x1082;
	[sflag:s4] =	ssyncset.s32 $0xFFFFF086  }
0x25: {  	[simem:s6], [sflag:s4] =	dma.local [hbm:s3], $0xF7A  }
0x26: {  	[smem:$0x3F9E] =	sst s1;
	(tag) =	ssettag s2;
	_ =	strace s9  }
0x27: {  	s1 =	sld [smem:$0x3FAE]  }
0x28: {  	s2 =	sld [smem:$0x3FAF]  }
0x29: {  	s4 =	sld [smem:$0x3FB1]  }
0x2a: {  	p0 =	seq.s32 s5, $0x0;
	s5 =	sld [smem:$0x3FB2]  }
0x2b: {  	s6 =	sld [smem:$0x3FB3]  }
0x2c: {  	s7 =	sld [smem:$0x3FB4]  }
0x2d: {  	s3 =	simm.s32 $0x108;
	s8 =	sld [smem:$0x3FB5]  }
0x2e: {  	s3 =	simm.s32 @!p0 $0x1082;
	s9 =	sld [smem:$0x3FB6]  }
0x2f: {  	lr =	sadd.s32 s0, s3;
	s0 =	sld [smem:$0x3FAD]  }
0x30: {  	s3 =	sld [smem:$0x3FB0]  }
0x31: {  	[smem:$0x3FB9] =	sst s10  }
0x32: {  	s10 =	sld [smem:$0x3FB7];
	_ =	sdelay $0x3  }
0x33: {  	p0 =	seq.s32 s10, $0x1;
	s10 =	sld [smem:$0x3FB9];
	_ =	sdelay $0x3  }
0x34: {  	[smem:$0x3FB9] =	sst s10  }
0x35: {  	s10 =	sld [smem:$0x3FB8];
	_ =	sdelay $0x3  }
0x36: {  	p1 =	seq.s32 s10, $0x1;
	s10 =	sld [smem:$0x3FB9];
	_ =	sdelay $0x3  }
0x37: {  	[smem:$0x3FB9] =	sst s10  }
0x38: {  	s10 =	sld [smem:$0x3FBA]  }
0x39: {  	_ = 	snop;
	(pc) =	sbr.ind lr, $3  }
0x3a: {  	_ = 	snop  }
0x3b: {  	_ = 	snop  }
0x3c: {  	p2 =	seq.s32 s10, $0x1;
	s10 =	sld [smem:$0x3FB9]  }
0x3d: {  	_ =	shalt  }
0x3e: {  	_ =	shalt  }
0x3f: {  	_ =	shalt  }
0x40: {  	_ =	shalt  }
0x41: {  	_ =	shalt  }
0x42: {  	_ =	shalt  }
0x43: {  	_ =	shalt  }
0x44: {  	_ =	shalt  }
0x45: {  	_ =	shalt  }
0x46: {  	_ =	shalt  }
0x47: {  	_ =	shalt  }
0x48: {  	_ =	shalt  }
0x49: {  	_ =	shalt  }
0x4a: {  	_ =	shalt  }
0x4b: {  	_ =	shalt  }
0x4c: {  	_ =	shalt  }
0x4d: {  	_ =	shalt  }
0x4e: {  	_ =	shalt  }
0x4f: {  	_ =	shalt  }
0x50: {  	_ =	shalt  }
0x51: {  	_ =	shalt  }
0x52: {  	_ =	shalt  }
0x53: {  	_ =	shalt  }
0x54: {  	_ =	shalt  }
0x55: {  	_ =	shalt  }
0x56: {  	_ =	shalt  }
0x57: {  	_ =	shalt  }
0x58: {  	_ =	shalt  }
0x59: {  	_ =	shalt  }
0x5a: {  	_ =	shalt  }
0x5b: {  	_ =	shalt  }
0x5c: {  	_ =	shalt  }
0x5d: {  	_ =	shalt  }
0x5e: {  	_ =	shalt  }
0x5f: {  	_ =	shalt  }
0x60: {  	_ =	shalt  }
0x61: {  	_ =	shalt  }
0x62: {  	_ =	shalt  }
0x63: {  	_ =	shalt  }
0x64: {  	_ =	shalt  }
0x65: {  	_ =	shalt  }
0x66: {  	_ =	shalt  }
0x67: {  	_ =	shalt  }
0x68: {  	_ =	shalt  }
0x69: {  	_ =	shalt  }
0x6a: {  	_ =	shalt  }
0x6b: {  	_ =	shalt  }
0x6c: {  	_ =	shalt  }
0x6d: {  	_ =	shalt  }
0x6e: {  	_ =	shalt  }
0x6f: {  	_ =	shalt  }
0x70: {  	_ =	shalt  }
0x71: {  	_ =	shalt  }
0x72: {  	_ =	shalt  }
0x73: {  	_ =	shalt  }
0x74: {  	_ =	shalt  }
0x75: {  	_ =	shalt  }
0x76: {  	_ =	shalt  }
0x77: {  	_ =	shalt  }
0x78: {  	_ =	shalt  }
0x79: {  	_ =	shalt  }
0x7a: {  	_ =	shalt  }
0x7b: {  	_ =	shalt  }
0x7c: {  	_ =	shalt  }
0x7d: {  	_ =	shalt  }
0x7e: {  	_ =	shalt  }
0x7f: {  	_ =	shalt  }
0x80: {  	_ =	shalt  }
0x81: {  	_ =	shalt  }
0x82: {  	_ =	shalt  }
0x83: {  	_ =	shalt  }
0x84: {  	_ =	shalt  }
0x85: {  	_ =	shalt  }
0x86: {  	_ =	shalt  }
0x87: {  	_ =	shalt  }
.Lfunc_end0:
.L_simem_size_0:
called_computation.5_lowered:
.L_overlay_start_0:
0x88: {  	s2 =	sld [smem:$0x3FD9]  }
0x89: {  	s3 =	sld [smem:$0x3FFE];
	_ =	sdelay $0x1  }
0x8a: {  	s1 =	srdreg.scid  }
0x8b: {  	s0 =	sand.u32 $0x1, s1  }
0x8c: {  	s15 =	sshll.u32 s0, $0xA;
	s2 =	sadd.s32 s3, s2  }
0x8d: {  	s2 =	sadd.s32 s2, s15  }
0x8e: {  	[smem:$0x3FC5] =	sst s2  }
0x8f: {  	_ = 	snop  }
0x90: {  	s2 =	sld [smem:$0x3FD0];
	_ =	sdelay $0x2  }
0x91: {  	s16 =	simm.s32 $0xB;
	s4 =	simm.s32 $0x10  }
0x92: {  	[smem:s4], [sflag:s16] =	dma.local [hbm:s2], $0x1  }
0x93: {  	_ =	swait.eq [sflag:s16], $0x1  }
0x94: {  	[sflag:s16] =	ssyncset.done $0x0  }
0x95: {  	[sflag:s16] =	ssyncadd.s32 $0xFFFFFFFF  }
0x96: {  	s17 =	sld [smem:$0x11];
	(tm) =	ssettm $0x1  }
0x97: {  	s18 =	sld [smem:$0x3FFB];
	_ =	sdelay $0x3  }
0x98: {  	_ =	strace s18  }
0x99: {  	s2 =	sld [smem:$0x3FFC];
	_ =	sdelay $0x3  }
0x9a: {  	_ =	strace s2  }
0x9b: {  	s2 =	sld [smem:$0x3FFD];
	_ =	sdelay $0x3  }
0x9c: {  	_ =	strace s2  }
0x9d: {  	_ =	strace $0x8FFFFFFF  }
0x9e: {  	s19 =	sld [smem:$0x3FDB];
	_ =	sdelay $0x1  }
0x9f: {  	s20 =	simm.s32 $_scs_section_size  }
0xa0: {  	s5 =	simm.s32 $_size__tile_overlayer_lowered;
	s6 =	simm.s32 $_tile_overlayer_lowered  }
0xa1: {  	s7 =	simm.s32 $0x1BFF;
	s21 =	sshll.u32 s6, $0x1;
	s4 =	sadd.s32 s20, s19  }
0xa2: {  	s22 =	simm.s32 $0x0;
	s5 =	sshll.u32 s5, $0x1;
	s6 =	sadd.s32 s21, s4  }
0xa3: {  	[timem:s22], [sflag:s7] =	dma.local [hbm:s6], s5  }
0xa4: {  	_ =	swait.ge [sflag:s7], s5  }
0xa5: {  	s5 =	ssub.s32 $0x0, s5;
	[sflag:s7] =	ssyncset.done $0x0  }
0xa6: {  	[sflag:s7] =	ssyncadd.s32 s5;
	_ =	sdelay $0x1  }
0xa7: {  	s23 =	simm.s32 $0x1B8B  }
0xa8: {  	_ =	swait.ge [sflag:s23], $0x1  }
0xa9: {  	[sflag:s23] =	ssyncset.done $0x0  }
0xaa: {  	[sflag:s23] =	ssyncadd.s32 $0xFFFFFFFF  }
0xab: {  	s5 =	sld [smem:$0x0]  }
0xac: {  	s6 =	sand.u32 $0xFFFFFFFE, s1  }
0xad: {  	p0 =	sne.s32 s1, s6  }
0xae: {  	s6 =	sshll.u32 @p0 s6, $0xE  }
0xaf: {  	s6 =	sadd.s32 @p0 $0x11B8D, s6;
	s7 =	sshll.u32 @p0 s5, $0x11  }
0xb0: {  	s6 =	sor.u32 @p0 s7, s6  }
0xb1: {  	[sflag:s6] =	ssyncadd.remote.s32 @p0 $0x1;
	_ =	sdelay $0x1  }
0xb2: {  	s6 =	simm.s32 @p0 $0x1B8D  }
0xb3: {  	_ =	swait.eq @p0 [sflag:s6], $0x1  }
0xb4: {  	[sflag:s6] =	ssyncadd.s32 @p0 $0xFFFFFFFF  }
0xb5: {  	s7 =	sshll.u32 @!p0 s1, $0xE  }
0xb6: {  	s7 =	sor.u32 @!p0 $0x4000, s7;
	s6 =	simm.s32 @!p0 $0x1B8D  }
0xb7: {  	s5 =	sshll.u32 @!p0 s5, $0x11;
	s7 =	sadd.s32 @!p0 $0x11B8D, s7;
	_ =	swait.eq @!p0 [sflag:s6], $0x1  }
0xb8: {  	s5 =	sor.u32 @!p0 s5, s7;
	[sflag:s6] =	ssyncadd.s32 @!p0 $0xFFFFFFFF  }
0xb9: {  	s25 =	simm.s32 $0x1B8E;
	s24 =	sld [smem:$0x3FFE];
	[sflag:s5] =	ssyncadd.remote.s32 @!p0 $0x1  }
0xba: {  	s26 =	simm.s32 $execute0_lowered;
	[smem:$0x3FD2] =	sst s25  }
0xbb: {  	s6 =	sshll.u32 s26, $0x1;
	_ =	strace $0x80000055;
	[dreg:$0x1] =	wrdreg $0xFFFFFFFF  }
0xbc: {  	s28 =	simm.s32 $_size_execute0_lowered;
	s4 =	sadd.s32 s4, s6;
	[dreg:$0x0] =	wrdreg $0x0  }
0xbd: {  	s6 =	sshll.u32 s28, $0x1;
	[dreg:$0x2] =	wrdreg s4  }
0xbe: {  	[dreg:$0x3] =	wrdreg s6  }
0xbf: {  	[dreg:$0x4] =	wrdreg $0xC0  }
0xc0: {  	_ =	task [dreg:s22], $0x5FFFF  }
0xc1: {  	[dreg:$0x1] =	wrdreg $0xFFFFFFFF  }
0xc2: {  	[dreg:$0x0] =	wrdreg $0x60  }
0xc3: {  	[dreg:$0x2] =	wrdreg s24  }
0xc4: {  	[dreg:$0x3] =	wrdreg s17  }
0xc5: {  	[dreg:$0x4] =	wrdreg $0x76200  }
0xc6: {  	[dreg:$0x5] =	wrdreg $0x9  }
0xc7: {  	_ =	task.clear_ibuf [dreg:s22], $0x6FFFF;
	_ =	strace $0x90000055  }
0xc8: {  	s29 =	simm.s32 $0x9;
	_ =	strace $0x80000057  }
0xc9: {  	_ =	swait.ge [sflag:s29], $0x1  }
0xca: {  	[sflag:s29] =	ssyncadd.s32 $0xFFFFFFFF  }
0xcb: {  	_ =	strace $0x90000057  }
0xcc: {  	_ =	sfence  }
0xcd: {  	s30 =	sld [smem:$0x0];
	_ =	sdelay $0x2  }
0xce: {  	s31 =	sshll.u32 s1, $0xD;
	s1 =	sshrl.u32 s1, $0x2  }
0xcf: {  	s4 =	sand.u32 $0x4000, s31;
	s1 =	sadd.s32 s1, s30  }
0xd0: {  	s0 =	sor.u32 s4, s0;
	s1 =	sshll.u32 s1, $0x11  }
0xd1: {  	s0 =	sor.u32 s1, s0  }
0xd2: {  	s0 =	sadd.s32 $0x8F2B, s0  }
0xd3: {  	[sflag:s0] =	ssyncadd.remote.s32 $0x1  }
0xd4: {  	_ =	sfence.sel $0xFFFF  }
0xd5: {  	[dreg:$0x0] =	wrdreg $0xFFFFFFFF;
	(pc) =	sbr.abs _section_cstart, $3  }
0xd6: {  	[dreg:$0x1] =	wrdreg $0xFFFFFFFF  }
0xd7: {  	_ =	task.clear_ibuf [dreg:s22], $0x2FFFF;
	_ =	strace $0x9FFFFFFF  }
0xd8: {  	(tm) =	ssettm $0x7FFFFFFF  }
0xd9: {  	_ =	shalt  }
tec
execute0_lowered:
.L_overlay_start_1:
0x0: {  	(tag) =	ssettag $0x1  }
0x1: {  	s6 =	rddreg [dreg:$0x0]  }
0x2: {  	s2 =	rddreg [dreg:$0x1]  }
0x3: {  	s3 =	rddreg [dreg:$0x2];
	s4 =	srdreg.scid  }
0x4: {  	s1 =	stileid.u32;
	s0 =	rddreg [dreg:$0x3];
	s14 =	simm.s32 $0x50  }
0x5: {  	s15 =	simm.s32 $0x4E20;
	s16 =	simm.s32 $0x6220;
	s17 =	simm.s32 $0x1  }
0x6: {  	s18 =	simm.s32 $0x2;
	s19 =	simm.s32 $0x4DD0;
	s20 =	simm.s32 $0x0  }
0x7: {  	s7 =	sand.u32 $0x1, s4;
	s8 =	smul.u32 $0x9E00, s1;
	s4 =	simm.s32 $0x0  }
0x8: {  	s5 =	sshll.u32 s1, $0x1;
	s12 =	sshll.u32 s1, $0x6;
	s9 =	smul.u32 $0x9E000, s7  }
0x9: {  	[smem:$0x7FF] =	sst s4;
	s5 =	sor.u32 s7, s5;
	s7 =	ssub.s32 $0x2, s7  }
0xa: {  	s12 =	sor.u32 $0x1C03, s12;
	_ =	strace $0x80000056;
	s10 =	smul.u32 $0x4E2, s5  }
0xb: {  	s5 =	sadd.s32 $0x3D600, s6;
	s31 =	sshrl.u32 s7, $0x1;
	s9 =	sadd.s32 s8, s9  }
0xc: {  	s13 =	sadd.s32 s8, s3;
	s11 =	ssub.s32 s7, s31;
	s9 =	sshrl.u32 s9, $0x3  }
0xd: {  	s13 =	sshrl.u32 s13, $0x3;
	s10 =	sadd.s32 s10, s6;
	s9 =	sadd.s32 s9, s6  }
0xe: {  	s6 =	sadd.s32 $0x2600, s10;
	s7 =	sadd.s32 $0xC400, s10;
	s10 =	simm.s32 $0x3  }
0xf: {  	s8 =	sadd.s32 $0xDA400, s9;
	s9 =	smax.u32 s11, $0x1;
	s11 =	simm.s32 $0x2710  }
.LBB2_1:
0x10: {  	[tilespmem:s4], [sflag:$0x3] =	stream.linear.gather [hbm4b:s6+s4], $0x2710, $0x38;
	[tilespmem:$0x11420] =	vst v63  }
0x11: {  	_ =	swait.ge [sflag:s10], $0x2710  }
0x12: {  	[sflag:s10] =	ssyncset.done $0x0  }
0x13: {  	[sflag:s10] =	ssyncadd.s32 $0xFFFFD8F0  }
0x14: {  	[tilespmem:s11], [sflag:$0x3] =	stream.linear.gather [hbm4b:s7+s4], $0x2710, $0x38;
	[tilespmem:$0x11420] =	vst v63  }
0x15: {  	_ =	swait.ge [sflag:s10], $0x2710  }
0x16: {  	[sflag:s10] =	ssyncset.done $0x0  }
0x17: {  	[sflag:s10] =	ssyncadd.s32 $0xFFFFD8F0  }
0x18: {  	[spmem:s13], [sflag:s12] =	dma.local [hbm:s2], $0x13C0  }
0x19: {  	_ =	swait.ge [sflag:s10], $0x13C0  }
0x1a: {  	[sflag:s10] =	ssyncset.done $0x0  }
0x1b: {  	[sflag:s10] =	ssyncadd.s32 $0xFFFFEC40  }
0x1c: {  	[bflag:$0x0] =	sbarrier.arrive $0xFFFF  }
0x1d: {  	[tilespmem:s15], [sflag:$0x1] =	stream.indirect.gather [hbm4b:s5+s14], $0x40, s4, s14, $0xb8;
	[tilespmem:$0x11420] =	vst v63  }
0x1e: {  	s21 =	simm.s32 $0x50  }
0x1f: {  	[tilespmem:s16], [sflag:$0x2] =	stream.indirect.gather [hbm4b:s5+s14], $0x40, s21, s14, $0xb8;
	[tilespmem:$0x11420] =	vst v63  }
0x20: {  	_ =	swait.ge [sflag:s17], $0x1400  }
0x21: {  	[sflag:s17] =	ssyncset.done $0x0  }
0x22: {  	s29 =	simm.s32 $0x2710;
	[sflag:s17] =	ssyncadd.s32 $0xFFFFEC00  }
0x23: {  	[spmem:s3] =	stream.indirect.scatter.add.f32 [tilespmem:s15], [sflag:$0x3], $0x40, s29, s14, $0xb8;
	[tilespmem:$0x11420] =	vst v63  }
0x24: {  	_ =	swait.ge [sflag:s10], $0x1400  }
0x25: {  	[sflag:s10] =	ssyncset.done $0x0  }
0x26: {  	s30 =	simm.s32 $0xA0;
	[sflag:s10] =	ssyncadd.s32 $0xFFFFEC00  }
0x27: {  	[tilespmem:s15], [sflag:$0x1] =	stream.indirect.gather [hbm4b:s5+s14], $0x40, s30, s14, $0xb8;
	[tilespmem:$0x11420] =	vst v63  }
0x28: {  	_ =	swait.ge [sflag:s18], $0x1400  }
0x29: {  	[sflag:s18] =	ssyncset.done $0x0  }
0x2a: {  	s31 =	simm.s32 $0x2760;
	[sflag:s18] =	ssyncadd.s32 $0xFFFFEC00  }
0x2b: {  	[spmem:s3] =	stream.indirect.scatter.add.f32 [tilespmem:s16], [sflag:$0x3], $0x40, s31, s14, $0xb8;
	[tilespmem:$0x11420] =	vst v63  }
0x2c: {  	_ =	swait.ge [sflag:s10], $0x1400  }
0x2d: {  	s22 =	simm.s32 $0x500;
	s21 =	simm.s32 $0xA0;
	[sflag:s10] =	ssyncset.done $0x0  }
.LBB2_2:
0x2e: {  	s23 =	sadd.s32 $0x50, s21  }
0x2f: {  	[sflag:s10] =	ssyncadd.s32 $0xFFFFEC00;
	s24 =	smov.u32 s22;
	s25 =	sadd.s32 $0x280, s22  }
0x30: {  	[tilespmem:s16], [sflag:$0x2] =	stream.indirect.gather [hbm4b:s5+s14], $0x40, s23, s14, $0xb8;
	[tilespmem:$0x11420] =	vst v63  }
0x31: {  	p0 =	sne.s32 s22, $0x9880;
	_ =	swait.ge [sflag:s17], $0x1400  }
0x32: {  	[sflag:s17] =	ssyncset.done $0x0  }
0x33: {  	s22 =	sadd.s32 $0x2710, s21;
	[sflag:s17] =	ssyncadd.s32 $0xFFFFEC00  }
0x34: {  	[spmem:s3] =	stream.indirect.scatter.add.f32 [tilespmem:s15], [sflag:$0x3], $0x40, s22, s14, $0xb8;
	[tilespmem:$0x11420] =	vst v63  }
0x35: {  	_ =	swait.ge [sflag:s10], $0x1400  }
0x36: {  	[sflag:s10] =	ssyncset.done $0x0  }
0x37: {  	s22 =	sadd.s32 $0xA0, s21;
	[sflag:s10] =	ssyncadd.s32 $0xFFFFEC00  }
0x38: {  	[tilespmem:s15], [sflag:$0x1] =	stream.indirect.gather [hbm4b:s5+s14], $0x40, s22, s14, $0xb8;
	[tilespmem:$0x11420] =	vst v63  }
0x39: {  	_ =	swait.ge [sflag:s18], $0x1400  }
.Ltmp0:
0x3a: {  	[sflag:s18] =	ssyncset.done $0x0;
	(pc) =	sbr.rel @p0 .LBB2_2-.Ltmp0, $4  }
0x3b: {  	s21 =	sadd.s32 $0x2760, s21;
	[sflag:s18] =	ssyncadd.s32 $0xFFFFEC00  }
0x3c: {  	[spmem:s3] =	stream.indirect.scatter.add.f32 [tilespmem:s16], [sflag:$0x3], $0x40, s21, s14, $0xb8;
	[tilespmem:$0x11420] =	vst v63  }
0x3d: {  	_ =	swait.ge [sflag:s10], $0x1400  }
0x3e: {  	s22 =	smov.u32 s25;
	s21 =	sshra.s32 s24, $0x2;
	[sflag:s10] =	ssyncset.done $0x0  }
0x3f: {  	s22 =	sadd.s32 $0x50, s21;
	[sflag:s10] =	ssyncadd.s32 $0xFFFFEC00  }
0x40: {  	[tilespmem:s16], [sflag:$0x2] =	stream.indirect.gather [hbm4b:s5+s14], $0x40, s22, s14, $0xb8;
	[tilespmem:$0x11420] =	vst v63  }
0x41: {  	_ =	swait.ge [sflag:s17], $0x1400  }
0x42: {  	[sflag:s17] =	ssyncset.done $0x0  }
0x43: {  	s29 =	sadd.s32 $0x2710, s21;
	[sflag:s17] =	ssyncadd.s32 $0xFFFFEC00  }
0x44: {  	[spmem:s3] =	stream.indirect.scatter.add.f32 [tilespmem:s15], [sflag:$0x3], $0x40, s29, s14, $0xb8;
	[tilespmem:$0x11420] =	vst v63  }
0x45: {  	_ =	swait.ge [sflag:s10], $0x1400  }
0x46: {  	[sflag:s10] =	ssyncset.done $0x0  }
0x47: {  	s30 =	sadd.s32 $0xA0, s21;
	[sflag:s10] =	ssyncadd.s32 $0xFFFFEC00  }
0x48: {  	[tilespmem:s15], [sflag:$0x1] =	stream.indirect.gather [hbm4b:s5+s14], $0x40, s30, s14, $0xb8;
	[tilespmem:$0x11420] =	vst v63  }
0x49: {  	_ =	swait.ge [sflag:s18], $0x1400  }
0x4a: {  	[sflag:s18] =	ssyncset.done $0x0  }
0x4b: {  	s31 =	sadd.s32 $0x2760, s21;
	[sflag:s18] =	ssyncadd.s32 $0xFFFFEC00  }
0x4c: {  	[spmem:s3] =	stream.indirect.scatter.add.f32 [tilespmem:s16], [sflag:$0x3], $0x40, s31, s14, $0xb8;
	[tilespmem:$0x11420] =	vst v63  }
0x4d: {  	_ =	swait.ge [sflag:s10], $0x1400  }
0x4e: {  	[sflag:s10] =	ssyncset.done $0x0  }
0x4f: {  	[sflag:s10] =	ssyncadd.s32 $0xFFFFEC00  }
0x50: {  	_ =	swait.ge [sflag:s17], $0x1400  }
0x51: {  	[sflag:s17] =	ssyncset.done $0x0  }
0x52: {  	[sflag:s17] =	ssyncadd.s32 $0xFFFFEC00  }
0x53: {  	[spmem:s3] =	stream.indirect.scatter.add.f32 [tilespmem:s15], [sflag:$0x3], $0x40, s19, s14, $0xb8;
	[tilespmem:$0x11420] =	vst v63  }
0x54: {  	_ =	swait.ge [sflag:s10], $0x1400  }
0x55: {  	s20 =	sadd.s32 $0x1, s20;
	[sflag:s10] =	ssyncset.done $0x0  }
0x56: {  	p0 =	sne.s32 s20, s9;
	[sflag:s10] =	ssyncadd.s32 $0xFFFFEC00  }
.Ltmp1:
0x57: {  	[bflag:$0x0] =	sbarrier.arrive $0xFFFF;
	(pc) =	sbr.rel @p0 .LBB2_1-.Ltmp1, $4  }
0x58: {  	[hbm:s8], [sflag:s12] =	dma.local [spmem:s13], $0x13C0  }
0x59: {  	_ =	swait.ge [sflag:s10], $0x13C0  }
0x5a: {  	[sflag:s10] =	ssyncset.done $0x0  }
0x5b: {  	[sflag:s10] =	ssyncadd.s32 $0xFFFFEC40  }
0x5c: {  	_ =	sfence.sel $0x180000  }
0x5d: {  	[bflag:$0x0] =	sbarrier.arrive $0xFFFF  }
0x5e: {  	p0 =	sne.s32 s1, $0x0;
	_ =	strace $0x90000056  }
0x5f: {  	s0 =	sadd.s32 @!p0 $0x100000, s0;
	[bflag:$0x2] =	sbarrier.arrive $0xFFFF  }
0x60: {  	[sflag:s0] =	ssyncadd.tile.s32 @!p0 $0x1;
	_ =	shalt  }
.Lfunc_end2:
_tile_overlayer_lowered:
.L_overlay_start_2:
0x61: {  	(tag) =	ssettag $0x2  }
0x62: {  	s0 =	rddreg [dreg:$0x0];
	s2 =	stileid.u32  }
0x63: {  	s1 =	rddreg [dreg:$0x1];
	p0 =	sne.s32 s2, $0x0  }
0x64: {  	s3 =	rddreg [dreg:$0x2];
	[bflag:$0x3] =	sbarrier.arrive $0xFFFF;
	s2 =	simm.s32 @!p0 $0x1C03  }
0x65: {  	[timem:s3], [sflag:s2] =	dma.local @!p0 [hbm:s0], s1  }
0x66: {  	s0 =	simm.s32 @!p0 $0x3  }
0x67: {  	_ =	swait.ge @!p0 [sflag:s0], s1  }
0x68: {  	s1 =	ssub.s32 @!p0 $0x0, s1;
	[sflag:s0] =	ssyncset.done @!p0 $0x0  }
0x69: {  	[sflag:s0] =	ssyncadd.s32 @!p0 s1  }
0x6a: {  	[bflag:$0x3] =	sbarrier.arrive $0xFFFF  }
0x6b: {  	_ =	shalt  }

// kernel: kernel.27.cloned.1.call-start
scs
__scs_entry_jumppad:
0x0: {  	(pc) =	sbr.rel $0x88, $3  }
0x1: {  	(tag) =	ssettag $0x0;
	lr =	simm.s32 $0x1  }
0x2: {  	[smem:$0x3F9E] =	sst lr;
	_ =	strace $0xD0000000  }
0x3: {  	_ = 	snop  }
0x4: {  	_ = 	snop  }
0x5: {  	_ = 	snop  }
0x6: {  	_ = 	snop  }
0x7: {  	_ = 	snop  }
__scs_overlays_trampoline_lowered:
0x8: {  	[smem:$0x3FAD] =	sst s0  }
0x9: {  	[smem:$0x3FAE] =	sst s1  }
0xa: {  	[smem:$0x3FAF] =	sst s2  }
0xb: {  	[smem:$0x3FB0] =	sst s3  }
0xc: {  	[smem:$0x3FB1] =	sst s4  }
0xd: {  	[smem:$0x3FB2] =	sst s5  }
0xe: {  	[smem:$0x3FB3] =	sst s6  }
0xf: {  	[smem:$0x3FB4] =	sst s7  }
0x10: {  	[smem:$0x3FB5] =	sst s8  }
0x11: {  	[smem:$0x3FB6] =	sst s9;
	s0 =	simm.s32 @!p0 $0x0  }
0x12: {  	s1 =	sld [smem:$0x3F9C];
	s0 =	simm.s32 @p0 $0x1  }
0x13: {  	[smem:$0x3FB7] =	sst s0;
	s0 =	simm.s32 @!p1 $0x0  }
0x14: {  	s2 =	sld [smem:$0x3F9B];
	s0 =	simm.s32 @p1 $0x1  }
0x15: {  	[smem:$0x3FB8] =	sst s0;
	s0 =	simm.s32 @!p2 $0x0  }
0x16: {  	s3 =	sld [smem:$0x3FDB];
	s0 =	simm.s32 @p2 $0x1  }
0x17: {  	s4 =	simm.s32 $0x1BF5;
	[smem:$0x3FBA] =	sst s0  }
0x18: {  	s0 =	sld [smem:$0x3F9D];
	_ =	swait.ge [sflag:s4], $0x0  }
0x19: {  	s7 =	sld [smem:$0x3F9E]  }
0x1a: {  	s8 =	sadd.s32 $0xFFFFE003, lr  }
0x1b: {  	s9 =	sadd.s32 $0xFFFFFEF7, lr;
	s5 =	simm.s32 $0xFFFFFFFF;
	p2 =	slt.u32 s8, $0xFFFFF086  }
0x1c: {  	p1 =	slt.u32 s9, $0xF7A;
	s5 =	simm.s32 @!p2 $0x0  }
0x1d: {  	s5 =	simm.s32 @p1 $0x1;
	p0 =	seq.s32 s7, s2  }
0x1e: {  	s7 =	smul.u32 @!p0 $0xF7A, s2;
	p2 =	seq.s32 @!p0 s5, $0x0  }
0x1f: {  	s9 =	smul.u32 $0xF7A, s1;
	s8 =	simm.s32 @!p0 $0x1BF5;
	p2 =	por !p2, p0  }
0x20: {  	[sflag:s8] =	ssyncset.s32 @!p0 $0xFFFFF086;
	s6 =	sadd.s32 @!p0 s3, s7;
	s7 =	simm.s32 @!p0 $0x108  }
0x21: {  	s3 =	sadd.s32 s3, s9;
	s6 =	sadd.s32 @!p0 $0x88, s6;
	s7 =	simm.s32 @p2 $0x1082  }
0x22: {  	[simem:s7], [sflag:s8] =	dma.local @!p0 [hbm:s6], $0xF7A  }
0x23: {  	s9 =	sor.u32 $0xD0000000, s2;
	s6 =	simm.s32 $0x108;
	_ =	swait.ge @!p0 [sflag:s8], $0x0  }
0x24: {  	s3 =	sadd.s32 $0x88, s3;
	s6 =	simm.s32 @!p1 $0x1082;
	[sflag:s4] =	ssyncset.s32 $0xFFFFF086  }
0x25: {  	[simem:s6], [sflag:s4] =	dma.local [hbm:s3], $0xF7A  }
0x26: {  	[smem:$0x3F9E] =	sst s1;
	(tag) =	ssettag s2;
	_ =	strace s9  }
0x27: {  	s1 =	sld [smem:$0x3FAE]  }
0x28: {  	s2 =	sld [smem:$0x3FAF]  }
0x29: {  	s4 =	sld [smem:$0x3FB1]  }
0x2a: {  	p0 =	seq.s32 s5, $0x0;
	s5 =	sld [smem:$0x3FB2]  }
0x2b: {  	s6 =	sld [smem:$0x3FB3]  }
0x2c: {  	s7 =	sld [smem:$0x3FB4]  }
0x2d: {  	s3 =	simm.s32 $0x108;
	s8 =	sld [smem:$0x3FB5]  }
0x2e: {  	s3 =	simm.s32 @!p0 $0x1082;
	s9 =	sld [smem:$0x3FB6]  }
0x2f: {  	lr =	sadd.s32 s0, s3;
	s0 =	sld [smem:$0x3FAD]  }
0x30: {  	s3 =	sld [smem:$0x3FB0]  }
0x31: {  	[smem:$0x3FB9] =	sst s10  }
0x32: {  	s10 =	sld [smem:$0x3FB7];
	_ =	sdelay $0x3  }
0x33: {  	p0 =	seq.s32 s10, $0x1;
	s10 =	sld [smem:$0x3FB9];
	_ =	sdelay $0x3  }
0x34: {  	[smem:$0x3FB9] =	sst s10  }
0x35: {  	s10 =	sld [smem:$0x3FB8];
	_ =	sdelay $0x3  }
0x36: {  	p1 =	seq.s32 s10, $0x1;
	s10 =	sld [smem:$0x3FB9];
	_ =	sdelay $0x3  }
0x37: {  	[smem:$0x3FB9] =	sst s10  }
0x38: {  	s10 =	sld [smem:$0x3FBA]  }
0x39: {  	_ = 	snop;
	(pc) =	sbr.ind lr, $3  }
0x3a: {  	_ = 	snop  }
0x3b: {  	_ = 	snop  }
0x3c: {  	p2 =	seq.s32 s10, $0x1;
	s10 =	sld [smem:$0x3FB9]  }
0x3d: {  	_ =	shalt  }
0x3e: {  	_ =	shalt  }
0x3f: {  	_ =	shalt  }
0x40: {  	_ =	shalt  }
0x41: {  	_ =	shalt  }
0x42: {  	_ =	shalt  }
0x43: {  	_ =	shalt  }
0x44: {  	_ =	shalt  }
0x45: {  	_ =	shalt  }
0x46: {  	_ =	shalt  }
0x47: {  	_ =	shalt  }
0x48: {  	_ =	shalt  }
0x49: {  	_ =	shalt  }
0x4a: {  	_ =	shalt  }
0x4b: {  	_ =	shalt  }
0x4c: {  	_ =	shalt  }
0x4d: {  	_ =	shalt  }
0x4e: {  	_ =	shalt  }
0x4f: {  	_ =	shalt  }
0x50: {  	_ =	shalt  }
0x51: {  	_ =	shalt  }
0x52: {  	_ =	shalt  }
0x53: {  	_ =	shalt  }
0x54: {  	_ =	shalt  }
0x55: {  	_ =	shalt  }
0x56: {  	_ =	shalt  }
0x57: {  	_ =	shalt  }
0x58: {  	_ =	shalt  }
0x59: {  	_ =	shalt  }
0x5a: {  	_ =	shalt  }
0x5b: {  	_ =	shalt  }
0x5c: {  	_ =	shalt  }
0x5d: {  	_ =	shalt  }
0x5e: {  	_ =	shalt  }
0x5f: {  	_ =	shalt  }
0x60: {  	_ =	shalt  }
0x61: {  	_ =	shalt  }
0x62: {  	_ =	shalt  }
0x63: {  	_ =	shalt  }
0x64: {  	_ =	shalt  }
0x65: {  	_ =	shalt  }
0x66: {  	_ =	shalt  }
0x67: {  	_ =	shalt  }
0x68: {  	_ =	shalt  }
0x69: {  	_ =	shalt  }
0x6a: {  	_ =	shalt  }
0x6b: {  	_ =	shalt  }
0x6c: {  	_ =	shalt  }
0x6d: {  	_ =	shalt  }
0x6e: {  	_ =	shalt  }
0x6f: {  	_ =	shalt  }
0x70: {  	_ =	shalt  }
0x71: {  	_ =	shalt  }
0x72: {  	_ =	shalt  }
0x73: {  	_ =	shalt  }
0x74: {  	_ =	shalt  }
0x75: {  	_ =	shalt  }
0x76: {  	_ =	shalt  }
0x77: {  	_ =	shalt  }
0x78: {  	_ =	shalt  }
0x79: {  	_ =	shalt  }
0x7a: {  	_ =	shalt  }
0x7b: {  	_ =	shalt  }
0x7c: {  	_ =	shalt  }
0x7d: {  	_ =	shalt  }
0x7e: {  	_ =	shalt  }
0x7f: {  	_ =	shalt  }
0x80: {  	_ =	shalt  }
0x81: {  	_ =	shalt  }
0x82: {  	_ =	shalt  }
0x83: {  	_ =	shalt  }
0x84: {  	_ =	shalt  }
0x85: {  	_ =	shalt  }
0x86: {  	_ =	shalt  }
0x87: {  	_ =	shalt  }
.Lfunc_end0:
.L_simem_size_0:
called_computation.6_lowered:
.L_overlay_start_0:
0x88: {  	s2 =	sld [smem:$0x3FD9]  }
0x89: {  	s3 =	sld [smem:$0x3FFE];
	_ =	sdelay $0x1  }
0x8a: {  	s1 =	srdreg.scid  }
0x8b: {  	s0 =	sand.u32 $0x1, s1  }
0x8c: {  	s15 =	sshll.u32 s0, $0xA;
	s2 =	sadd.s32 s3, s2  }
0x8d: {  	s2 =	sadd.s32 s2, s15  }
0x8e: {  	[smem:$0x3FC5] =	sst s2  }
0x8f: {  	_ = 	snop  }
0x90: {  	s2 =	sld [smem:$0x3FD0];
	_ =	sdelay $0x2  }
0x91: {  	s4 =	simm.s32 $0xB;
	s16 =	simm.s32 $0x10  }
0x92: {  	[smem:s16], [sflag:s4] =	dma.local [hbm:s2], $0x1  }
0x93: {  	_ =	swait.eq [sflag:s4], $0x1  }
0x94: {  	[sflag:s4] =	ssyncset.done $0x0  }
0x95: {  	s17 =	sld [smem:$0x10];
	[sflag:s4] =	ssyncadd.s32 $0xFFFFFFFF  }
0x96: {  	s18 =	sld [smem:$0x11];
	(tm) =	ssettm $0x1  }
0x97: {  	s19 =	sld [smem:$0x3FFB];
	_ =	sdelay $0x3  }
0x98: {  	_ =	strace s19  }
0x99: {  	s2 =	sld [smem:$0x3FFC];
	_ =	sdelay $0x3  }
0x9a: {  	_ =	strace s2  }
0x9b: {  	s2 =	sld [smem:$0x3FFD];
	_ =	sdelay $0x3  }
0x9c: {  	_ =	strace s2  }
0x9d: {  	_ =	strace $0x8FFFFFFF  }
0x9e: {  	s20 =	sld [smem:$0x3FDB];
	_ =	sdelay $0x1  }
0x9f: {  	s5 =	simm.s32 $_scs_section_size  }
0xa0: {  	s6 =	simm.s32 $_size__tile_overlayer_lowered;
	s7 =	simm.s32 $_tile_overlayer_lowered  }
0xa1: {  	s8 =	simm.s32 $0x1BFF;
	s21 =	sshll.u32 s7, $0x1;
	s5 =	sadd.s32 s5, s20  }
0xa2: {  	s22 =	simm.s32 $0x0;
	s6 =	sshll.u32 s6, $0x1;
	s7 =	sadd.s32 s21, s5  }
0xa3: {  	[timem:s22], [sflag:s8] =	dma.local [hbm:s7], s6  }
0xa4: {  	_ =	swait.ge [sflag:s8], s6  }
0xa5: {  	s6 =	ssub.s32 $0x0, s6;
	[sflag:s8] =	ssyncset.done $0x0  }
0xa6: {  	[sflag:s8] =	ssyncadd.s32 s6;
	_ =	sdelay $0x1  }
0xa7: {  	s23 =	simm.s32 $0x1B8B  }
0xa8: {  	_ =	swait.ge [sflag:s23], $0x1  }
0xa9: {  	[sflag:s23] =	ssyncset.done $0x0  }
0xaa: {  	[sflag:s23] =	ssyncadd.s32 $0xFFFFFFFF  }
0xab: {  	s6 =	sld [smem:$0x0]  }
0xac: {  	s7 =	sand.u32 $0xFFFFFFFE, s1  }
0xad: {  	p0 =	sne.s32 s1, s7  }
0xae: {  	s7 =	sshll.u32 @p0 s7, $0xE  }
0xaf: {  	s7 =	sadd.s32 @p0 $0x11B8D, s7;
	s8 =	sshll.u32 @p0 s6, $0x11  }
0xb0: {  	s7 =	sor.u32 @p0 s8, s7  }
0xb1: {  	[sflag:s7] =	ssyncadd.remote.s32 @p0 $0x1;
	_ =	sdelay $0x1  }
0xb2: {  	s7 =	simm.s32 @p0 $0x1B8D  }
0xb3: {  	_ =	swait.eq @p0 [sflag:s7], $0x1  }
0xb4: {  	[sflag:s7] =	ssyncadd.s32 @p0 $0xFFFFFFFF  }
0xb5: {  	s8 =	sshll.u32 @!p0 s1, $0xE  }
0xb6: {  	s8 =	sor.u32 @!p0 $0x4000, s8;
	s7 =	simm.s32 @!p0 $0x1B8D  }
0xb7: {  	s6 =	sshll.u32 @!p0 s6, $0x11;
	s8 =	sadd.s32 @!p0 $0x11B8D, s8;
	_ =	swait.eq @!p0 [sflag:s7], $0x1  }
0xb8: {  	s6 =	sor.u32 @!p0 s6, s8;
	[sflag:s7] =	ssyncadd.s32 @!p0 $0xFFFFFFFF  }
0xb9: {  	s25 =	simm.s32 $0x1B8E;
	s24 =	sld [smem:$0x3FFE];
	[sflag:s6] =	ssyncadd.remote.s32 @!p0 $0x1  }
0xba: {  	s26 =	simm.s32 $execute0_lowered;
	[smem:$0x3FD2] =	sst s25  }
0xbb: {  	s7 =	sshll.u32 s26, $0x1;
	_ =	strace $0x80000058;
	[dreg:$0x1] =	wrdreg $0xFFFFFFFF  }
0xbc: {  	s28 =	simm.s32 $_size_execute0_lowered;
	s5 =	sadd.s32 s5, s7;
	[dreg:$0x0] =	wrdreg $0x0  }
0xbd: {  	s7 =	sshll.u32 s28, $0x1;
	[dreg:$0x2] =	wrdreg s5  }
0xbe: {  	[dreg:$0x3] =	wrdreg s7  }
0xbf: {  	[dreg:$0x4] =	wrdreg $0xC0  }
0xc0: {  	_ =	task [dreg:s22], $0x5FFFF  }
0xc1: {  	[dreg:$0x1] =	wrdreg $0xFFFFFFFF  }
0xc2: {  	[dreg:$0x0] =	wrdreg $0x60  }
0xc3: {  	[dreg:$0x2] =	wrdreg s17  }
0xc4: {  	[dreg:$0x3] =	wrdreg s24  }
0xc5: {  	[dreg:$0x4] =	wrdreg s18  }
0xc6: {  	[dreg:$0x5] =	wrdreg $0x76200  }
0xc7: {  	[dreg:$0x6] =	wrdreg $0xA  }
0xc8: {  	_ =	task.clear_ibuf [dreg:s22], $0x7FFFF;
	_ =	strace $0x90000058  }
0xc9: {  	s29 =	simm.s32 $0xA;
	_ =	strace $0x8000005A  }
0xca: {  	_ =	swait.ge [sflag:s29], $0x1  }
0xcb: {  	[sflag:s29] =	ssyncadd.s32 $0xFFFFFFFF  }
0xcc: {  	_ =	strace $0x9000005A  }
0xcd: {  	_ =	sfence  }
0xce: {  	s30 =	sld [smem:$0x0];
	_ =	sdelay $0x2  }
0xcf: {  	s31 =	sshll.u32 s1, $0xD;
	s1 =	sshrl.u32 s1, $0x2  }
0xd0: {  	s4 =	sand.u32 $0x4000, s31;
	s1 =	sadd.s32 s1, s30  }
0xd1: {  	s0 =	sor.u32 s4, s0;
	s1 =	sshll.u32 s1, $0x11  }
0xd2: {  	s0 =	sor.u32 s1, s0  }
0xd3: {  	s0 =	sadd.s32 $0x8F2B, s0  }
0xd4: {  	[sflag:s0] =	ssyncadd.remote.s32 $0x1  }
0xd5: {  	_ =	sfence.sel $0xFFFF  }
0xd6: {  	[dreg:$0x0] =	wrdreg $0xFFFFFFFF;
	(pc) =	sbr.abs _section_cstart, $3  }
0xd7: {  	[dreg:$0x1] =	wrdreg $0xFFFFFFFF  }
0xd8: {  	_ =	task.clear_ibuf [dreg:s22], $0x2FFFF;
	_ =	strace $0x9FFFFFFF  }
0xd9: {  	(tm) =	ssettm $0x7FFFFFFF  }
tec
execute0_lowered:
.L_overlay_start_1:
0x0: {  	(tag) =	ssettag $0x1  }
0x1: {  	s1 =	rddreg [dreg:$0x0]  }
0x2: {  	s6 =	rddreg [dreg:$0x1]  }
0x3: {  	s2 =	srdreg.scid;
	s3 =	rddreg [dreg:$0x2]  }
0x4: {  	s0 =	stileid.u32;
	s4 =	rddreg [dreg:$0x3];
	s5 =	simm.s32 $0x0  }
0x5: {  	s14 =	simm.s32 $0x50;
	s15 =	simm.s32 $0x4E20;
	s16 =	simm.s32 $0x6220  }
0x6: {  	s17 =	simm.s32 $0x1;
	s18 =	simm.s32 $0x2;
	s19 =	simm.s32 $0x4DD0  }
0x7: {  	s20 =	simm.s32 $0x0;
	s7 =	sand.u32 $0x1, s2;
	s2 =	rddreg [dreg:$0x4]  }
0x8: {  	s8 =	smul.u32 $0x9E00, s0;
	s9 =	sshll.u32 s0, $0x1;
	[smem:$0x7FF] =	sst s5  }
0x9: {  	s12 =	sshll.u32 s0, $0x6;
	s10 =	smul.u32 $0x9E000, s7;
	s9 =	sor.u32 s7, s9  }
0xa: {  	_ =	strace $0x80000059;
	s7 =	ssub.s32 $0x2, s7;
	s12 =	sor.u32 $0x1C03, s12  }
0xb: {  	s9 =	smul.u32 $0x4E2, s9;
	s31 =	sshrl.u32 s7, $0x1;
	s10 =	sadd.s32 s8, s10  }
0xc: {  	s13 =	sadd.s32 s8, s4;
	s11 =	ssub.s32 s7, s31;
	s10 =	sshrl.u32 s10, $0x3  }
0xd: {  	s13 =	sshrl.u32 s13, $0x3;
	s9 =	sadd.s32 s9, s6;
	s10 =	sadd.s32 s10, s6  }
0xe: {  	s6 =	sadd.s32 $0x2600, s9;
	s7 =	sadd.s32 $0xC400, s9;
	s9 =	smax.u32 s11, $0x1  }
0xf: {  	s11 =	simm.s32 $0x2710;
	s8 =	sadd.s32 $0x101C00, s10;
	s10 =	simm.s32 $0x3  }
.LBB2_1:
0x10: {  	[tilespmem:s5], [sflag:$0x3] =	stream.linear.gather [hbm4b:s6+s5], $0x2710, $0x38;
	[tilespmem:$0x11420] =	vst v63  }
0x11: {  	_ =	swait.ge [sflag:s10], $0x2710  }
0x12: {  	[sflag:s10] =	ssyncset.done $0x0  }
0x13: {  	[sflag:s10] =	ssyncadd.s32 $0xFFFFD8F0  }
0x14: {  	[tilespmem:s11], [sflag:$0x3] =	stream.linear.gather [hbm4b:s7+s5], $0x2710, $0x38;
	[tilespmem:$0x11420] =	vst v63  }
0x15: {  	_ =	swait.ge [sflag:s10], $0x2710  }
0x16: {  	[sflag:s10] =	ssyncset.done $0x0  }
0x17: {  	[sflag:s10] =	ssyncadd.s32 $0xFFFFD8F0  }
0x18: {  	[spmem:s13], [sflag:s12] =	dma.local [hbm:s3], $0x13C0  }
0x19: {  	_ =	swait.ge [sflag:s10], $0x13C0  }
0x1a: {  	[sflag:s10] =	ssyncset.done $0x0  }
0x1b: {  	[sflag:s10] =	ssyncadd.s32 $0xFFFFEC40  }
0x1c: {  	[bflag:$0x0] =	sbarrier.arrive $0xFFFF  }
0x1d: {  	[tilespmem:s15], [sflag:$0x1] =	stream.indirect.gather [hbm4b:s1+s14], $0x40, s5, s14, $0xb8;
	[tilespmem:$0x11420] =	vst v63  }
0x1e: {  	s21 =	simm.s32 $0x50  }
0x1f: {  	[tilespmem:s16], [sflag:$0x2] =	stream.indirect.gather [hbm4b:s1+s14], $0x40, s21, s14, $0xb8;
	[tilespmem:$0x11420] =	vst v63  }
0x20: {  	_ =	swait.ge [sflag:s17], $0x1400  }
0x21: {  	[sflag:s17] =	ssyncset.done $0x0  }
0x22: {  	s29 =	simm.s32 $0x2710;
	[sflag:s17] =	ssyncadd.s32 $0xFFFFEC00  }
0x23: {  	[spmem:s4] =	stream.indirect.scatter.add.f32 [tilespmem:s15], [sflag:$0x3], $0x40, s29, s14, $0xb8;
	[tilespmem:$0x11420] =	vst v63  }
0x24: {  	_ =	swait.ge [sflag:s10], $0x1400  }
0x25: {  	[sflag:s10] =	ssyncset.done $0x0  }
0x26: {  	s30 =	simm.s32 $0xA0;
	[sflag:s10] =	ssyncadd.s32 $0xFFFFEC00  }
0x27: {  	[tilespmem:s15], [sflag:$0x1] =	stream.indirect.gather [hbm4b:s1+s14], $0x40, s30, s14, $0xb8;
	[tilespmem:$0x11420] =	vst v63  }
0x28: {  	_ =	swait.ge [sflag:s18], $0x1400  }
0x29: {  	[sflag:s18] =	ssyncset.done $0x0  }
0x2a: {  	s31 =	simm.s32 $0x2760;
	[sflag:s18] =	ssyncadd.s32 $0xFFFFEC00  }
0x2b: {  	[spmem:s4] =	stream.indirect.scatter.add.f32 [tilespmem:s16], [sflag:$0x3], $0x40, s31, s14, $0xb8;
	[tilespmem:$0x11420] =	vst v63  }
0x2c: {  	_ =	swait.ge [sflag:s10], $0x1400  }
0x2d: {  	s22 =	simm.s32 $0x500;
	s21 =	simm.s32 $0xA0;
	[sflag:s10] =	ssyncset.done $0x0  }
.LBB2_2:
0x2e: {  	s23 =	sadd.s32 $0x50, s21  }
0x2f: {  	[sflag:s10] =	ssyncadd.s32 $0xFFFFEC00;
	s24 =	smov.u32 s22;
	s25 =	sadd.s32 $0x280, s22  }
0x30: {  	[tilespmem:s16], [sflag:$0x2] =	stream.indirect.gather [hbm4b:s1+s14], $0x40, s23, s14, $0xb8;
	[tilespmem:$0x11420] =	vst v63  }
0x31: {  	p0 =	sne.s32 s22, $0x9880;
	_ =	swait.ge [sflag:s17], $0x1400  }
0x32: {  	[sflag:s17] =	ssyncset.done $0x0  }
0x33: {  	s22 =	sadd.s32 $0x2710, s21;
	[sflag:s17] =	ssyncadd.s32 $0xFFFFEC00  }
0x34: {  	[spmem:s4] =	stream.indirect.scatter.add.f32 [tilespmem:s15], [sflag:$0x3], $0x40, s22, s14, $0xb8;
	[tilespmem:$0x11420] =	vst v63  }
0x35: {  	_ =	swait.ge [sflag:s10], $0x1400  }
0x36: {  	[sflag:s10] =	ssyncset.done $0x0  }
0x37: {  	s22 =	sadd.s32 $0xA0, s21;
	[sflag:s10] =	ssyncadd.s32 $0xFFFFEC00  }
0x38: {  	[tilespmem:s15], [sflag:$0x1] =	stream.indirect.gather [hbm4b:s1+s14], $0x40, s22, s14, $0xb8;
	[tilespmem:$0x11420] =	vst v63  }
0x39: {  	_ =	swait.ge [sflag:s18], $0x1400  }
.Ltmp0:
0x3a: {  	[sflag:s18] =	ssyncset.done $0x0;
	(pc) =	sbr.rel @p0 .LBB2_2-.Ltmp0, $4  }
0x3b: {  	s21 =	sadd.s32 $0x2760, s21;
	[sflag:s18] =	ssyncadd.s32 $0xFFFFEC00  }
0x3c: {  	[spmem:s4] =	stream.indirect.scatter.add.f32 [tilespmem:s16], [sflag:$0x3], $0x40, s21, s14, $0xb8;
	[tilespmem:$0x11420] =	vst v63  }
0x3d: {  	_ =	swait.ge [sflag:s10], $0x1400  }
0x3e: {  	s22 =	smov.u32 s25;
	s21 =	sshra.s32 s24, $0x2;
	[sflag:s10] =	ssyncset.done $0x0  }
0x3f: {  	s22 =	sadd.s32 $0x50, s21;
	[sflag:s10] =	ssyncadd.s32 $0xFFFFEC00  }
0x40: {  	[tilespmem:s16], [sflag:$0x2] =	stream.indirect.gather [hbm4b:s1+s14], $0x40, s22, s14, $0xb8;
	[tilespmem:$0x11420] =	vst v63  }
0x41: {  	_ =	swait.ge [sflag:s17], $0x1400  }
0x42: {  	[sflag:s17] =	ssyncset.done $0x0  }
0x43: {  	s29 =	sadd.s32 $0x2710, s21;
	[sflag:s17] =	ssyncadd.s32 $0xFFFFEC00  }
0x44: {  	[spmem:s4] =	stream.indirect.scatter.add.f32 [tilespmem:s15], [sflag:$0x3], $0x40, s29, s14, $0xb8;
	[tilespmem:$0x11420] =	vst v63  }
0x45: {  	_ =	swait.ge [sflag:s10], $0x1400  }
0x46: {  	[sflag:s10] =	ssyncset.done $0x0  }
0x47: {  	s30 =	sadd.s32 $0xA0, s21;
	[sflag:s10] =	ssyncadd.s32 $0xFFFFEC00  }
0x48: {  	[tilespmem:s15], [sflag:$0x1] =	stream.indirect.gather [hbm4b:s1+s14], $0x40, s30, s14, $0xb8;
	[tilespmem:$0x11420] =	vst v63  }
0x49: {  	_ =	swait.ge [sflag:s18], $0x1400  }
0x4a: {  	[sflag:s18] =	ssyncset.done $0x0  }
0x4b: {  	s31 =	sadd.s32 $0x2760, s21;
	[sflag:s18] =	ssyncadd.s32 $0xFFFFEC00  }
0x4c: {  	[spmem:s4] =	stream.indirect.scatter.add.f32 [tilespmem:s16], [sflag:$0x3], $0x40, s31, s14, $0xb8;
	[tilespmem:$0x11420] =	vst v63  }
0x4d: {  	_ =	swait.ge [sflag:s10], $0x1400  }
0x4e: {  	[sflag:s10] =	ssyncset.done $0x0  }
0x4f: {  	[sflag:s10] =	ssyncadd.s32 $0xFFFFEC00  }
0x50: {  	_ =	swait.ge [sflag:s17], $0x1400  }
0x51: {  	[sflag:s17] =	ssyncset.done $0x0  }
0x52: {  	[sflag:s17] =	ssyncadd.s32 $0xFFFFEC00  }
0x53: {  	[spmem:s4] =	stream.indirect.scatter.add.f32 [tilespmem:s15], [sflag:$0x3], $0x40, s19, s14, $0xb8;
	[tilespmem:$0x11420] =	vst v63  }
0x54: {  	_ =	swait.ge [sflag:s10], $0x1400  }
0x55: {  	s20 =	sadd.s32 $0x1, s20;
	[sflag:s10] =	ssyncset.done $0x0  }
0x56: {  	p0 =	sne.s32 s20, s9;
	[sflag:s10] =	ssyncadd.s32 $0xFFFFEC00  }
.Ltmp1:
0x57: {  	[bflag:$0x0] =	sbarrier.arrive $0xFFFF;
	(pc) =	sbr.rel @p0 .LBB2_1-.Ltmp1, $4  }
0x58: {  	[hbm:s8], [sflag:s12] =	dma.local [spmem:s13], $0x13C0  }
0x59: {  	_ =	swait.ge [sflag:s10], $0x13C0  }
0x5a: {  	[sflag:s10] =	ssyncset.done $0x0  }
0x5b: {  	[sflag:s10] =	ssyncadd.s32 $0xFFFFEC40  }
0x5c: {  	_ =	sfence.sel $0x180000  }
0x5d: {  	[bflag:$0x0] =	sbarrier.arrive $0xFFFF  }
0x5e: {  	p0 =	sne.s32 s0, $0x0;
	_ =	strace $0x90000059  }
0x5f: {  	s0 =	sadd.s32 @!p0 $0x100000, s2;
	[bflag:$0x2] =	sbarrier.arrive $0xFFFF  }
0x60: {  	[sflag:s0] =	ssyncadd.tile.s32 @!p0 $0x1;
	_ =	shalt  }
.Lfunc_end2:
_tile_overlayer_lowered:
.L_overlay_start_2:
0x61: {  	(tag) =	ssettag $0x2  }
0x62: {  	s0 =	rddreg [dreg:$0x0];
	s2 =	stileid.u32  }
0x63: {  	s1 =	rddreg [dreg:$0x1];
	p0 =	sne.s32 s2, $0x0  }
0x64: {  	s3 =	rddreg [dreg:$0x2];
	[bflag:$0x3] =	sbarrier.arrive $0xFFFF;
	s2 =	simm.s32 @!p0 $0x1C03  }
0x65: {  	[timem:s3], [sflag:s2] =	dma.local @!p0 [hbm:s0], s1  }
0x66: {  	s0 =	simm.s32 @!p0 $0x3  }
0x67: {  	_ =	swait.ge @!p0 [sflag:s0], s1  }
0x68: {  	s1 =	ssub.s32 @!p0 $0x0, s1;
	[sflag:s0] =	ssyncset.done @!p0 $0x0  }
0x69: {  	[sflag:s0] =	ssyncadd.s32 @!p0 s1  }
0x6a: {  	[bflag:$0x3] =	sbarrier.arrive $0xFFFF  }
0x6b: {  	_ =	shalt  }

// kernel: kernel.9.cloned.1.call-start
scs
__scs_entry_jumppad:
0x0: {  	(pc) =	sbr.rel $0x88, $3  }
0x1: {  	(tag) =	ssettag $0x0;
	lr =	simm.s32 $0x1  }
0x2: {  	[smem:$0x3F9E] =	sst lr;
	_ =	strace $0xD0000000  }
0x3: {  	_ = 	snop  }
0x4: {  	_ = 	snop  }
0x5: {  	_ = 	snop  }
0x6: {  	_ = 	snop  }
0x7: {  	_ = 	snop  }
__scs_overlays_trampoline_lowered:
0x8: {  	[smem:$0x3FAD] =	sst s0  }
0x9: {  	[smem:$0x3FAE] =	sst s1  }
0xa: {  	[smem:$0x3FAF] =	sst s2  }
0xb: {  	[smem:$0x3FB0] =	sst s3  }
0xc: {  	[smem:$0x3FB1] =	sst s4  }
0xd: {  	[smem:$0x3FB2] =	sst s5  }
0xe: {  	[smem:$0x3FB3] =	sst s6  }
0xf: {  	[smem:$0x3FB4] =	sst s7  }
0x10: {  	[smem:$0x3FB5] =	sst s8  }
0x11: {  	[smem:$0x3FB6] =	sst s9;
	s0 =	simm.s32 @!p0 $0x0  }
0x12: {  	s1 =	sld [smem:$0x3F9C];
	s0 =	simm.s32 @p0 $0x1  }
0x13: {  	[smem:$0x3FB7] =	sst s0;
	s0 =	simm.s32 @!p1 $0x0  }
0x14: {  	s2 =	sld [smem:$0x3F9B];
	s0 =	simm.s32 @p1 $0x1  }
0x15: {  	[smem:$0x3FB8] =	sst s0;
	s0 =	simm.s32 @!p2 $0x0  }
0x16: {  	s3 =	sld [smem:$0x3FDB];
	s0 =	simm.s32 @p2 $0x1  }
0x17: {  	s4 =	simm.s32 $0x1BF5;
	[smem:$0x3FBA] =	sst s0  }
0x18: {  	s0 =	sld [smem:$0x3F9D];
	_ =	swait.ge [sflag:s4], $0x0  }
0x19: {  	s7 =	sld [smem:$0x3F9E]  }
0x1a: {  	s8 =	sadd.s32 $0xFFFFE003, lr  }
0x1b: {  	s9 =	sadd.s32 $0xFFFFFEF7, lr;
	s5 =	simm.s32 $0xFFFFFFFF;
	p2 =	slt.u32 s8, $0xFFFFF086  }
0x1c: {  	p1 =	slt.u32 s9, $0xF7A;
	s5 =	simm.s32 @!p2 $0x0  }
0x1d: {  	s5 =	simm.s32 @p1 $0x1;
	p0 =	seq.s32 s7, s2  }
0x1e: {  	s7 =	smul.u32 @!p0 $0xF7A, s2;
	p2 =	seq.s32 @!p0 s5, $0x0  }
0x1f: {  	s9 =	smul.u32 $0xF7A, s1;
	s8 =	simm.s32 @!p0 $0x1BF5;
	p2 =	por !p2, p0  }
0x20: {  	[sflag:s8] =	ssyncset.s32 @!p0 $0xFFFFF086;
	s6 =	sadd.s32 @!p0 s3, s7;
	s7 =	simm.s32 @!p0 $0x108  }
0x21: {  	s3 =	sadd.s32 s3, s9;
	s6 =	sadd.s32 @!p0 $0x88, s6;
	s7 =	simm.s32 @p2 $0x1082  }
0x22: {  	[simem:s7], [sflag:s8] =	dma.local @!p0 [hbm:s6], $0xF7A  }
0x23: {  	s9 =	sor.u32 $0xD0000000, s2;
	s6 =	simm.s32 $0x108;
	_ =	swait.ge @!p0 [sflag:s8], $0x0  }
0x24: {  	s3 =	sadd.s32 $0x88, s3;
	s6 =	simm.s32 @!p1 $0x1082;
	[sflag:s4] =	ssyncset.s32 $0xFFFFF086  }
0x25: {  	[simem:s6], [sflag:s4] =	dma.local [hbm:s3], $0xF7A  }
0x26: {  	[smem:$0x3F9E] =	sst s1;
	(tag) =	ssettag s2;
	_ =	strace s9  }
0x27: {  	s1 =	sld [smem:$0x3FAE]  }
0x28: {  	s2 =	sld [smem:$0x3FAF]  }
0x29: {  	s4 =	sld [smem:$0x3FB1]  }
0x2a: {  	p0 =	seq.s32 s5, $0x0;
	s5 =	sld [smem:$0x3FB2]  }
0x2b: {  	s6 =	sld [smem:$0x3FB3]  }
0x2c: {  	s7 =	sld [smem:$0x3FB4]  }
0x2d: {  	s3 =	simm.s32 $0x108;
	s8 =	sld [smem:$0x3FB5]  }
0x2e: {  	s3 =	simm.s32 @!p0 $0x1082;
	s9 =	sld [smem:$0x3FB6]  }
0x2f: {  	lr =	sadd.s32 s0, s3;
	s0 =	sld [smem:$0x3FAD]  }
0x30: {  	s3 =	sld [smem:$0x3FB0]  }
0x31: {  	[smem:$0x3FB9] =	sst s10  }
0x32: {  	s10 =	sld [smem:$0x3FB7];
	_ =	sdelay $0x3  }
0x33: {  	p0 =	seq.s32 s10, $0x1;
	s10 =	sld [smem:$0x3FB9];
	_ =	sdelay $0x3  }
0x34: {  	[smem:$0x3FB9] =	sst s10  }
0x35: {  	s10 =	sld [smem:$0x3FB8];
	_ =	sdelay $0x3  }
0x36: {  	p1 =	seq.s32 s10, $0x1;
	s10 =	sld [smem:$0x3FB9];
	_ =	sdelay $0x3  }
0x37: {  	[smem:$0x3FB9] =	sst s10  }
0x38: {  	s10 =	sld [smem:$0x3FBA]  }
0x39: {  	_ = 	snop;
	(pc) =	sbr.ind lr, $3  }
0x3a: {  	_ = 	snop  }
0x3b: {  	_ = 	snop  }
0x3c: {  	p2 =	seq.s32 s10, $0x1;
	s10 =	sld [smem:$0x3FB9]  }
0x3d: {  	_ =	shalt  }
0x3e: {  	_ =	shalt  }
0x3f: {  	_ =	shalt  }
0x40: {  	_ =	shalt  }
0x41: {  	_ =	shalt  }
0x42: {  	_ =	shalt  }
0x43: {  	_ =	shalt  }
0x44: {  	_ =	shalt  }
0x45: {  	_ =	shalt  }
0x46: {  	_ =	shalt  }
0x47: {  	_ =	shalt  }
0x48: {  	_ =	shalt  }
0x49: {  	_ =	shalt  }
0x4a: {  	_ =	shalt  }
0x4b: {  	_ =	shalt  }
0x4c: {  	_ =	shalt  }
0x4d: {  	_ =	shalt  }
0x4e: {  	_ =	shalt  }
0x4f: {  	_ =	shalt  }
0x50: {  	_ =	shalt  }
0x51: {  	_ =	shalt  }
0x52: {  	_ =	shalt  }
0x53: {  	_ =	shalt  }
0x54: {  	_ =	shalt  }
0x55: {  	_ =	shalt  }
0x56: {  	_ =	shalt  }
0x57: {  	_ =	shalt  }
0x58: {  	_ =	shalt  }
0x59: {  	_ =	shalt  }
0x5a: {  	_ =	shalt  }
0x5b: {  	_ =	shalt  }
0x5c: {  	_ =	shalt  }
0x5d: {  	_ =	shalt  }
0x5e: {  	_ =	shalt  }
0x5f: {  	_ =	shalt  }
0x60: {  	_ =	shalt  }
0x61: {  	_ =	shalt  }
0x62: {  	_ =	shalt  }
0x63: {  	_ =	shalt  }
0x64: {  	_ =	shalt  }
0x65: {  	_ =	shalt  }
0x66: {  	_ =	shalt  }
0x67: {  	_ =	shalt  }
0x68: {  	_ =	shalt  }
0x69: {  	_ =	shalt  }
0x6a: {  	_ =	shalt  }
0x6b: {  	_ =	shalt  }
0x6c: {  	_ =	shalt  }
0x6d: {  	_ =	shalt  }
0x6e: {  	_ =	shalt  }
0x6f: {  	_ =	shalt  }
0x70: {  	_ =	shalt  }
0x71: {  	_ =	shalt  }
0x72: {  	_ =	shalt  }
0x73: {  	_ =	shalt  }
0x74: {  	_ =	shalt  }
0x75: {  	_ =	shalt  }
0x76: {  	_ =	shalt  }
0x77: {  	_ =	shalt  }
0x78: {  	_ =	shalt  }
0x79: {  	_ =	shalt  }
0x7a: {  	_ =	shalt  }
0x7b: {  	_ =	shalt  }
0x7c: {  	_ =	shalt  }
0x7d: {  	_ =	shalt  }
0x7e: {  	_ =	shalt  }
0x7f: {  	_ =	shalt  }
0x80: {  	_ =	shalt  }
0x81: {  	_ =	shalt  }
0x82: {  	_ =	shalt  }
0x83: {  	_ =	shalt  }
0x84: {  	_ =	shalt  }
0x85: {  	_ =	shalt  }
0x86: {  	_ =	shalt  }
0x87: {  	_ =	shalt  }
.Lfunc_end0:
.L_simem_size_0:
called_computation_lowered:
.L_overlay_start_0:
0x88: {  	s2 =	sld [smem:$0x3FD9]  }
0x89: {  	s3 =	sld [smem:$0x3FFE];
	_ =	sdelay $0x1  }
0x8a: {  	s1 =	srdreg.scid  }
0x8b: {  	s0 =	sand.u32 $0x1, s1  }
0x8c: {  	s14 =	sshll.u32 s0, $0xA;
	s2 =	sadd.s32 s3, s2  }
0x8d: {  	s2 =	sadd.s32 s2, s14  }
0x8e: {  	[smem:$0x3FC5] =	sst s2  }
0x8f: {  	_ = 	snop  }
0x90: {  	s2 =	sld [smem:$0x3FD0];
	_ =	sdelay $0x2  }
0x91: {  	s15 =	simm.s32 $0xB;
	s4 =	simm.s32 $0x10  }
0x92: {  	[smem:s4], [sflag:s15] =	dma.local [hbm:s2], $0x1  }
0x93: {  	_ =	swait.eq [sflag:s15], $0x1  }
0x94: {  	[sflag:s15] =	ssyncset.done $0x0  }
0x95: {  	s16 =	sld [smem:$0x10];
	[sflag:s15] =	ssyncadd.s32 $0xFFFFFFFF  }
0x96: {  	s17 =	sld [smem:$0x11];
	(tm) =	ssettm $0x1  }
0x97: {  	s18 =	sld [smem:$0x3FFB];
	_ =	sdelay $0x3  }
0x98: {  	_ =	strace s18  }
0x99: {  	s4 =	sld [smem:$0x3FFC];
	_ =	sdelay $0x3  }
0x9a: {  	_ =	strace s4  }
0x9b: {  	s4 =	sld [smem:$0x3FFD];
	_ =	sdelay $0x3  }
0x9c: {  	_ =	strace s4  }
0x9d: {  	_ =	strace $0x8FFFFFFF  }
0x9e: {  	s19 =	sld [smem:$0x3FDB];
	_ =	sdelay $0x1  }
0x9f: {  	s5 =	simm.s32 $_scs_section_size  }
0xa0: {  	s6 =	simm.s32 $_size__tile_overlayer_lowered;
	s7 =	simm.s32 $_tile_overlayer_lowered  }
0xa1: {  	s22 =	simm.s32 $0x1BFF;
	s21 =	sshll.u32 s7, $0x1;
	s4 =	sadd.s32 s5, s19  }
0xa2: {  	s8 =	simm.s32 $0x0;
	s20 =	sshll.u32 s6, $0x1;
	s6 =	sadd.s32 s21, s4  }
0xa3: {  	[timem:s8], [sflag:s22] =	dma.local [hbm:s6], s20  }
0xa4: {  	_ =	swait.ge [sflag:s22], s20  }
0xa5: {  	s5 =	ssub.s32 $0x0, s20;
	[sflag:s22] =	ssyncset.done $0x0  }
0xa6: {  	[sflag:s22] =	ssyncadd.s32 s5;
	_ =	sdelay $0x1  }
0xa7: {  	s23 =	simm.s32 $0x1B8B  }
0xa8: {  	_ =	swait.ge [sflag:s23], $0x1  }
0xa9: {  	[sflag:s23] =	ssyncset.done $0x0  }
0xaa: {  	s25 =	simm.s32 $0x1B8E;
	s24 =	sld [smem:$0x3FFE];
	[sflag:s23] =	ssyncadd.s32 $0xFFFFFFFF  }
0xab: {  	s26 =	simm.s32 $execute0_lowered;
	[smem:$0x3FD2] =	sst s25  }
0xac: {  	s6 =	sshll.u32 s26, $0x1;
	_ =	strace $0x80000046;
	[dreg:$0x1] =	wrdreg $0xFFFFFFFF  }
0xad: {  	s28 =	simm.s32 $_size_execute0_lowered;
	s4 =	sadd.s32 s4, s6;
	[dreg:$0x0] =	wrdreg $0x0  }
0xae: {  	s6 =	sshll.u32 s28, $0x1;
	[dreg:$0x2] =	wrdreg s4  }
0xaf: {  	[dreg:$0x3] =	wrdreg s6  }
0xb0: {  	[dreg:$0x4] =	wrdreg $0xC0  }
0xb1: {  	_ =	task [dreg:s8], $0x5FFFF  }
0xb2: {  	[dreg:$0x1] =	wrdreg $0xFFFFFFFF  }
0xb3: {  	[dreg:$0x0] =	wrdreg $0x60  }
0xb4: {  	[dreg:$0x2] =	wrdreg s24  }
0xb5: {  	[dreg:$0x3] =	wrdreg s16  }
0xb6: {  	[dreg:$0x4] =	wrdreg s17  }
0xb7: {  	[dreg:$0x5] =	wrdreg $0x2C100  }
0xb8: {  	[dreg:$0x6] =	wrdreg $0x9  }
0xb9: {  	_ =	task.clear_ibuf [dreg:s8], $0x7FFFF;
	_ =	strace $0x90000046  }
0xba: {  	s29 =	simm.s32 $0x9;
	_ =	strace $0x80000048  }
0xbb: {  	_ =	swait.ge [sflag:s29], $0x1  }
0xbc: {  	[sflag:s29] =	ssyncadd.s32 $0xFFFFFFFF  }
0xbd: {  	_ =	strace $0x90000048  }
0xbe: {  	_ =	sfence  }
0xbf: {  	s30 =	sld [smem:$0x0];
	_ =	sdelay $0x2  }
0xc0: {  	s31 =	sshll.u32 s1, $0xD;
	s1 =	sshrl.u32 s1, $0x2  }
0xc1: {  	s3 =	sand.u32 $0x4000, s31;
	s1 =	sadd.s32 s1, s30  }
0xc2: {  	s0 =	sor.u32 s3, s0;
	s1 =	sshll.u32 s1, $0x11  }
0xc3: {  	s0 =	sor.u32 s1, s0  }
0xc4: {  	s0 =	sadd.s32 $0x8F2B, s0  }
0xc5: {  	[sflag:s0] =	ssyncadd.remote.s32 $0x1  }
0xc6: {  	_ =	sfence.sel $0xFFFF  }
0xc7: {  	[dreg:$0x0] =	wrdreg $0xFFFFFFFF;
	(pc) =	sbr.abs _section_cstart, $3  }
0xc8: {  	[dreg:$0x1] =	wrdreg $0xFFFFFFFF  }
0xc9: {  	_ =	task.clear_ibuf [dreg:s8], $0x2FFFF;
	_ =	strace $0x9FFFFFFF  }
0xca: {  	(tm) =	ssettm $0x7FFFFFFF  }
0xcb: {  	_ =	shalt  }
tec
execute0_lowered:
.L_overlay_start_1:
0x0: {  	(tag) =	ssettag $0x1  }
0x1: {  	s5 =	rddreg [dreg:$0x0]  }
0x2: {  	s1 =	rddreg [dreg:$0x1]  }
0x3: {  	s2 =	srdreg.scid;
	s7 =	rddreg [dreg:$0x2]  }
0x4: {  	s0 =	stileid.u32;
	s3 =	rddreg [dreg:$0x3];
	s4 =	simm.s32 $0x0  }
0x5: {  	s13 =	simm.s32 $0x50;
	s14 =	simm.s32 $0x0;
	s6 =	sand.u32 $0x1, s2  }
0x6: {  	s28 =	sshll.u32 s0, $0x1;
	s9 =	smul.u32 $0x2780, s0;
	[smem:$0x7FF] =	sst s4  }
0x7: {  	s2 =	sor.u32 s6, s28;
	s10 =	ssub.s32 $0x2, s6;
	s6 =	smul.u32 $0x27800, s6  }
0x8: {  	s31 =	sshll.u32 s0, $0x6;
	s8 =	smul.u32 $0x4E2, s2;
	s2 =	rddreg [dreg:$0x4]  }
0x9: {  	_ =	strace $0x80000047;
	s11 =	sshrl.u32 s10, $0x1;
	s12 =	sadd.s32 s9, s3  }
0xa: {  	s10 =	ssub.s32 s10, s11;
	s29 =	sadd.s32 s9, s6;
	s9 =	simm.s32 $0x1  }
0xb: {  	s11 =	sor.u32 $0x1C01, s31;
	s12 =	sshrl.u32 s12, $0x3;
	s8 =	sadd.s32 s8, s5  }
0xc: {  	s5 =	sadd.s32 $0x16200, s5;
	s30 =	sshrl.u32 s29, $0x3;
	s6 =	sadd.s32 $0xC400, s8  }
0xd: {  	s7 =	sadd.s32 s7, s30;
	s8 =	smax.u32 s10, $0x1;
	s10 =	simm.s32 $0x2710  }
.LBB2_1:
0xe: {  	[tilespmem:s4], [sflag:$0x1] =	stream.linear.gather [hbm4b:s6+s4], $0x2710, $0x38;
	[tilespmem:$0x5390] =	vst v63  }
0xf: {  	_ =	swait.ge [sflag:s9], $0x2710  }
0x10: {  	[sflag:s9] =	ssyncset.done $0x0  }
0x11: {  	[sflag:s9] =	ssyncadd.s32 $0xFFFFD8F0  }
0x12: {  	[tilespmem:s10], [sflag:$0x1] =	stream.linear.gather [hbm4b:s5+s4], $0x500, $0x38;
	[tilespmem:$0x5390] =	vst v63  }
0x13: {  	_ =	swait.ge [sflag:s9], $0x500  }
0x14: {  	[sflag:s9] =	ssyncset.done $0x0  }
0x15: {  	[sflag:s9] =	ssyncadd.s32 $0xFFFFFB00  }
0x16: {  	[spmem:s12], [sflag:s11] =	dma.local [hbm:s1], $0x4F0  }
0x17: {  	_ =	swait.ge [sflag:s9], $0x4F0  }
0x18: {  	[sflag:s9] =	ssyncset.done $0x0  }
0x19: {  	[sflag:s9] =	ssyncadd.s32 $0xFFFFFB10  }
0x1a: {  	s15 =	simm.s32 $0x0;
	[bflag:$0x0] =	sbarrier.arrive $0xFFFF  }
0x1b: {  	[spmem:s3] =	stream.indirect.scatter.add.f32 [tilespmem:s10], [sflag:$0x1], $0x10, s15, s13, $0xb8;
	[tilespmem:$0x5390] =	vst v63  }
0x1c: {  	_ =	swait.ge [sflag:s9], $0x500  }
0x1d: {  	s15 =	simm.s32 $0x140;
	[sflag:s9] =	ssyncset.done $0x0  }
.LBB2_2:
0x1e: {  	s16 =	sshra.s32 s15, $0x2;
	[sflag:s9] =	ssyncadd.s32 $0xFFFFFB00;
	p0 =	sne.s32 s15, $0x9B00  }
0x1f: {  	[spmem:s3] =	stream.indirect.scatter.add.f32 [tilespmem:s10], [sflag:$0x1], $0x10, s16, s13, $0xb8;
	[tilespmem:$0x5390] =	vst v63  }
.Ltmp0:
0x20: {  	_ = 	snop;
	(pc) =	sbr.rel @p0 .LBB2_2-.Ltmp0, $4  }
0x21: {  	_ = 	snop  }
0x22: {  	s15 =	sadd.s32 $0x140, s15  }
0x23: {  	_ =	swait.ge [sflag:s9], $0x500  }
0x24: {  	[sflag:s9] =	ssyncset.done $0x0  }
0x25: {  	s14 =	sadd.s32 $0x1, s14  }
0x26: {  	[sflag:s9] =	ssyncadd.s32 $0xFFFFFB00;
	p0 =	sne.s32 s14, s8  }
.Ltmp1:
0x27: {  	[bflag:$0x0] =	sbarrier.arrive $0xFFFF;
	(pc) =	sbr.rel @p0 .LBB2_1-.Ltmp1, $4  }
0x28: {  	[hbm:s7], [sflag:s11] =	dma.local [spmem:s12], $0x4F0  }
0x29: {  	_ =	swait.ge [sflag:s9], $0x4F0  }
0x2a: {  	[sflag:s9] =	ssyncset.done $0x0  }
0x2b: {  	[sflag:s9] =	ssyncadd.s32 $0xFFFFFB10  }
0x2c: {  	_ =	sfence.sel $0x180000  }
0x2d: {  	[bflag:$0x0] =	sbarrier.arrive $0xFFFF  }
0x2e: {  	p0 =	sne.s32 s0, $0x0;
	_ =	strace $0x90000047  }
0x2f: {  	s0 =	sadd.s32 @!p0 $0x100000, s2;
	[bflag:$0x2] =	sbarrier.arrive $0xFFFF  }
0x30: {  	[sflag:s0] =	ssyncadd.tile.s32 @!p0 $0x1;
	_ =	shalt  }
.Lfunc_end2:
_tile_overlayer_lowered:
.L_overlay_start_2:
0x31: {  	(tag) =	ssettag $0x2  }
0x32: {  	s0 =	rddreg [dreg:$0x0];
	s2 =	stileid.u32  }
0x33: {  	s1 =	rddreg [dreg:$0x1];
	p0 =	sne.s32 s2, $0x0  }
0x34: {  	s3 =	rddreg [dreg:$0x2];
	[bflag:$0x3] =	sbarrier.arrive $0xFFFF;
	s2 =	simm.s32 @!p0 $0x1C01  }
0x35: {  	[timem:s3], [sflag:s2] =	dma.local @!p0 [hbm:s0], s1  }
0x36: {  	s0 =	simm.s32 @!p0 $0x1  }
0x37: {  	_ =	swait.ge @!p0 [sflag:s0], s1  }
0x38: {  	s1 =	ssub.s32 @!p0 $0x0, s1;
	[sflag:s0] =	ssyncset.done @!p0 $0x0  }
0x39: {  	[sflag:s0] =	ssyncadd.s32 @!p0 s1  }
0x3a: {  	[bflag:$0x3] =	sbarrier.arrive $0xFFFF  }
0x3b: {  	_ =	shalt  }

</sc_bundles>
